<compile_context>
chip_gen: v7x
topology: tpu7x:2x2x1
jax: 0.10.2.dev20260603
libtpu: 0.0.44.dev20260713+nightly
codegen_flags: <defaults>
</compile_context>

<pallas_src>
import jax
import jax.numpy as jnp
from jax import lax
from jax.experimental import pallas as pl
from jax.experimental.pallas import tpu as pltpu
from jax.experimental.pallas import tpu_sc as plsc

SPATIAL = 64
C = 32
NV = 2 * SPATIAL ** 3
NC = 2
NS = 16
LANES = 16

W = 53248
NWIN = 10
NPASS = 5
TAIL_W = NV - (NWIN - 1) * W
TRASH = W
SH_ROWS = W + 128

STRIPE = W // NS
TAIL_STRIPE = TAIL_W // NS
BLK = 128
SEG = 3136

N_POINTS = 200000
NSL = -(-N_POINTS // (NS * BLK)) * BLK
N_PAD = NSL * NS
NBLK = NSL // BLK


def _sc_body(b_hbm, x_hbm, y_hbm, z_hbm, feats_hbm, out_hbm,
             flat_v, stg_v, dstc0_v, dstc1_v, fbuf0_v, fbuf1_v,
             shared, sem0, sem1, semd):
    c = lax.axis_index("c")
    s = lax.axis_index("s")
    sbase = s * NSL

    for d, src in enumerate((b_hbm, x_hbm, y_hbm, z_hbm)):
        for t in range(NSL // SEG):
            pltpu.sync_copy(src.at[pl.ds(sbase + t * SEG, SEG)], stg_v)

            def fb(i, carry):
                sl = pl.ds(t * SEG + i * LANES, LANES)
                cv = stg_v[pl.ds(i * LANES, LANES)]
                if d == 0:
                    flat_v[sl] = cv
                else:
                    flat_v[sl] = flat_v[sl] * SPATIAL + cv
                return carry

            lax.fori_loop(0, SEG // LANES, fb, 0)

    zf = jnp.zeros((LANES,), jnp.float32)

    def build_dst(dstc, blk, lo):
        base = blk * BLK
        for k in range(BLK // LANES):
            v = flat_v[pl.ds(base + k * LANES, LANES)]
            m = (v >= lo) & (v < lo + W)
            trash = (TRASH + k * LANES) + lax.iota(jnp.int32, LANES)
            dstc[pl.ds(k * LANES, LANES)] = jnp.where(m, v - lo, trash)

    def stream(fbuf, blk, sem):
        pltpu.async_copy(
            feats_hbm.at[pl.ds(sbase + blk * BLK, BLK)], fbuf, sem)

    def swait(fbuf, blk, sem):
        pltpu.make_async_copy(
            feats_hbm.at[pl.ds(sbase + blk * BLK, BLK)], fbuf, sem).wait()

    def zslice(t):
        return shared.at[pl.ds(s * STRIPE + t * BLK, BLK)]

    def pass_body(p, carry):
        wid = p * NC + c
        lo = wid * W

        def zb(i, carry2):
            fbuf0_v[i, pl.ds(0, LANES)] = zf
            fbuf0_v[i, pl.ds(LANES, LANES)] = zf
            return carry2

        lax.fori_loop(0, BLK, zb, 0)

        @pl.when(p > 0)
        def _wait_drain():
            prev_lo = (p - 1) * NC * W + c * W
            pltpu.make_async_copy(
                shared.at[pl.ds(s * STRIPE, STRIPE)],
                out_hbm.at[pl.ds(prev_lo + s * STRIPE, STRIPE)],
                semd).wait()

        for t in range(STRIPE // BLK):
            pltpu.async_copy(fbuf0_v, zslice(t), semd)
        stream(fbuf1_v, jnp.int32(1), sem1)
        for t in range(STRIPE // BLK):
            pltpu.make_async_copy(fbuf0_v, zslice(t), semd).wait()

        plsc.subcore_barrier()

        stream(fbuf0_v, jnp.int32(0), sem0)

        def hb(bb, carry3):
            b0 = 2 * bb
            b1 = 2 * bb + 1
            build_dst(dstc0_v, b0, lo)
            swait(fbuf0_v, b0, sem0)
            pltpu.sync_copy(fbuf0_v, shared.at[dstc0_v], add=True)
            stream(fbuf0_v, b0 + 2, sem0)
            build_dst(dstc1_v, b1, lo)
            swait(fbuf1_v, b1, sem1)
            pltpu.sync_copy(fbuf1_v, shared.at[dstc1_v], add=True)
            stream(fbuf1_v, b1 + 2, sem1)
            return carry3

        lax.fori_loop(0, NBLK // 2 - 1, hb, 0)

        build_dst(dstc0_v, jnp.int32(NBLK - 2), lo)
        swait(fbuf0_v, jnp.int32(NBLK - 2), sem0)
        pltpu.sync_copy(fbuf0_v, shared.at[dstc0_v], add=True)
        build_dst(dstc1_v, jnp.int32(NBLK - 1), lo)
        swait(fbuf1_v, jnp.int32(NBLK - 1), sem1)
        pltpu.sync_copy(fbuf1_v, shared.at[dstc1_v], add=True)

        plsc.subcore_barrier()

        full = lo + W <= NV

        @pl.when(full)
        def _drain_full():
            pltpu.async_copy(shared.at[pl.ds(s * STRIPE, STRIPE)],
                             out_hbm.at[pl.ds(lo + s * STRIPE, STRIPE)],
                             semd)

        @pl.when(jnp.logical_not(full))
        def _drain_tail():
            pltpu.sync_copy(
                shared.at[pl.ds(s * TAIL_STRIPE, TAIL_STRIPE)],
                out_hbm.at[pl.ds(lo + s * TAIL_STRIPE, TAIL_STRIPE)])

        return carry

    lax.fori_loop(0, NPASS, pass_body, 0)

    @pl.when(c == 0)
    def _final_wait():
        last_lo = (NPASS - 1) * NC * W
        pltpu.make_async_copy(
            shared.at[pl.ds(s * STRIPE, STRIPE)],
            out_hbm.at[pl.ds(last_lo + s * STRIPE, STRIPE)],
            semd).wait()


def kernel(coords, features, batch_idx, batch_size):
    n = coords.shape[0]
    shift = jnp.asarray(batch_size, jnp.int32) - 2
    pad = N_PAD - n
    b_a = jnp.pad(batch_idx.astype(jnp.int32), (0, pad), constant_values=-1)
    x_a = jnp.pad(coords[:, 0].astype(jnp.int32), (0, pad),
                  constant_values=-1)
    y_a = jnp.pad(coords[:, 1].astype(jnp.int32), (0, pad),
                  constant_values=-1)
    z_a = jnp.pad(coords[:, 2].astype(jnp.int32) + shift, (0, pad),
                  constant_values=-1)
    feats = jnp.pad(features.astype(jnp.float32), ((0, pad), (0, 0)))

    mesh = plsc.VectorSubcoreMesh(core_axis_name="c", subcore_axis_name="s",
                                  num_cores=NC, num_subcores=NS)
    run = pl.kernel(
        _sc_body,
        out_type=jax.ShapeDtypeStruct((NV, C), jnp.float32),
        mesh=mesh,
        scratch_types=[
            pltpu.VMEM((NSL,), jnp.int32),
            pltpu.VMEM((SEG,), jnp.int32),
            pltpu.VMEM((BLK,), jnp.int32),
            pltpu.VMEM((BLK,), jnp.int32),
            pltpu.VMEM((BLK, C), jnp.float32),
            pltpu.VMEM((BLK, C), jnp.float32),
            pltpu.VMEM_SHARED((SH_ROWS, C), jnp.float32),
            pltpu.SemaphoreType.DMA,
            pltpu.SemaphoreType.DMA,
            pltpu.SemaphoreType.DMA,
        ],
        compiler_params=pltpu.CompilerParams(needs_layout_passes=False,
                                             use_tc_tiling_on_sc=False),
    )
    return run(b_a, x_a, y_a, z_a, feats)

# --- scband reference (transcript-rebuilt; emitter-appended) ---
"""Pipeline reference for scband-input-layer-74594991997073 (READ-ONLY COPY).

The authoritative reference and input builder live on the scoring server;
editing this copy changes nothing except your own understanding.
"""

import jax, jax.numpy as jnp
import numpy as np

DIM = 3
SPATIAL = 64  # spatial_size per dimension (init kwarg)
MODE = 3      # SparseConvNet mode 3 = sum duplicate coordinates
N_POINTS = 200000
C = 32
BATCH = 2


def setup_inputs(seed: int = 0) -> dict:
    key = jax.random.key(seed)
    k1, k2, k3 = jax.random.split(key, 3)
    coords = jax.random.randint(k1, (N_POINTS, DIM), 0, SPATIAL, dtype=jnp.int32)
    features = jax.random.normal(k2, (N_POINTS, C), dtype=jnp.float32)
    batch_idx = jax.random.randint(k3, (N_POINTS,), 0, BATCH, dtype=jnp.int32)
    return {"coords": coords, "features": features, "batch_idx": batch_idx, "batch_size": BATCH}


def reference(coords, features, batch_idx, batch_size):
    # InputLayer (mode=3): duplicate coordinates have their features summed.
    # Dense-memory formulation: linearize (batch, x, y, z) -> flat voxel index,
    # then scatter-add point features into the voxel feature memory.
    coords = coords.astype(jnp.int32)
    batch_idx = batch_idx.astype(jnp.int32)
    flat = batch_idx
    for d in range(DIM):
        flat = flat * SPATIAL + coords[:, d]
    batch_size = jnp.asarray(batch_size, dtype=jnp.int32)
    flat = flat + (batch_size - BATCH)
    n_voxels = BATCH * (SPATIAL ** DIM)
    mem = jnp.zeros((n_voxels, features.shape[1]), dtype=features.dtype)
    out = mem.at[flat].add(features)
    return out

if __name__ == "__main__":
    import jax
    _d = setup_inputs()
    print(jax.jit(kernel)(*tuple(_d.values())))

</pallas_src>

<mosaic_0001>
#map = affine_map<(d0, d1) -> (0)>
#map1 = affine_map<(d0, d1) -> (0, 0)>
module attributes {stable_mosaic.version = 14 : i64} {
  func.func @_sc_body(%arg0: i32, %arg1: i32, %arg2: memref<200704xi32, #tpu.memory_space<hbm>>, %arg3: memref<200704xi32, #tpu.memory_space<hbm>>, %arg4: memref<200704xi32, #tpu.memory_space<hbm>>, %arg5: memref<200704xi32, #tpu.memory_space<hbm>>, %arg6: memref<200704x32xf32, #tpu.memory_space<hbm>>, %arg7: memref<524288x32xf32, #tpu.memory_space<hbm>>, %arg8: memref<12544xi32, #tpu.memory_space<vmem>>, %arg9: memref<3136xi32, #tpu.memory_space<vmem>>, %arg10: memref<128xi32, #tpu.memory_space<vmem>>, %arg11: memref<128xi32, #tpu.memory_space<vmem>>, %arg12: memref<128x32xf32, #tpu.memory_space<vmem>>, %arg13: memref<128x32xf32, #tpu.memory_space<vmem>>, %arg14: memref<53376x32xf32, #tpu.memory_space<vmem_shared>>, %arg15: memref<!tpu.dma_semaphore, #tpu.memory_space<semaphore_mem>>, %arg16: memref<!tpu.dma_semaphore, #tpu.memory_space<semaphore_mem>>, %arg17: memref<!tpu.dma_semaphore, #tpu.memory_space<semaphore_mem>>) attributes {dimension_semantics = [#tpu.dimension_semantics<core_parallel>, #tpu.dimension_semantics<subcore_parallel>], iteration_bounds = array<i64: 2, 16>, scalar_prefetch = 0 : i64, scratch_operands = 10 : i64, tpu.core_type = #tpu.core_type<sc_vector_subcore>, window_params = [{transform_indices = #map}, {transform_indices = #map}, {transform_indices = #map}, {transform_indices = #map}, {transform_indices = #map1}, {transform_indices = #map1}]} {
    %mul3A = arith.constant 12544 : i32
    %mul3A_0 = arith.muli %arg1, %mul3A : i32
    %add3A = arith.constant 0 : i32
    %add3A_1 = arith.addi %mul3A_0, %add3A : i32
    "tpu.region"() ({
      %run_scoped3A = tpu.sem_alloc : memref<!tpu.dma_semaphore, #tpu.memory_space<semaphore_mem>>
      %dma_start3A = tpu.memref_slice %arg2[%add3A_1] : memref<200704xi32, #tpu.memory_space<hbm>> -> memref<3136xi32, #tpu.memory_space<hbm>>
      %dma_start3A_136 = tpu.memref_slice %arg2[%add3A_1] : memref<200704xi32, #tpu.memory_space<hbm>> -> memref<3136xi32, #tpu.memory_space<hbm>>
      tpu.enqueue_dma source(%dma_start3A_136 : memref<3136xi32, #tpu.memory_space<hbm>>) target(%arg9 : memref<3136xi32, #tpu.memory_space<vmem>>) target_semaphore(%run_scoped3A : memref<!tpu.dma_semaphore, #tpu.memory_space<semaphore_mem>>)
      %dma_wait3A = tpu.memref_slice %arg2[%add3A_1] : memref<200704xi32, #tpu.memory_space<hbm>> -> memref<3136xi32, #tpu.memory_space<hbm>>
      %dma_wait3A_137 = tpu.memref_slice %arg2[%add3A_1] : memref<200704xi32, #tpu.memory_space<hbm>> -> memref<3136xi32, #tpu.memory_space<hbm>>
      tpu.wait_dma2 semaphore(%run_scoped3A : memref<!tpu.dma_semaphore, #tpu.memory_space<semaphore_mem>>) src(%dma_wait3A_137 : memref<3136xi32, #tpu.memory_space<hbm>>) dst(%arg9 : memref<3136xi32, #tpu.memory_space<vmem>>)
      tpu.yield
    }) : () -> ()
    %scan3A = arith.constant 0 : i32
    %scan3A_2 = arith.constant 0 : i32
    %scan3A_3 = arith.constant 196 : i32
    %scan3A_4 = arith.addi %scan3A_2, %scan3A_3 : i32
    %scan3A_5 = arith.constant 1 : i32
    scf.for %scan3A_136 = %scan3A_2 to %scan3A_4 step %scan3A_5  : i32 {
      %mul3A_137 = arith.constant 16 : i32
      %mul3A_138 = arith.muli %scan3A_136, %mul3A_137 : i32
      %add3A_139 = arith.constant 0 : i32
      %add3A_140 = arith.addi %add3A_139, %mul3A_138 : i32
      %mul3A_141 = arith.constant 16 : i32
      %mul3A_142 = arith.muli %scan3A_136, %mul3A_141 : i32
      %get3A = arith.index_cast %mul3A_142 : i32 to index
      %get3A_143 = tpu.vector_load %arg9[%get3A] {strides = array<i32>} : memref<3136xi32, #tpu.memory_space<vmem>>, vector<16xi32>,
      %swap3A = arith.index_cast %add3A_140 : i32 to index
      %swap3A_144 = tpu.vector_load %arg8[%swap3A] {strides = array<i32>} : memref<12544xi32, #tpu.memory_space<vmem>>, vector<16xi32>,
      tpu.vector_store %arg8[%swap3A], %get3A_143 {strides = array<i32>} : memref<12544xi32, #tpu.memory_space<vmem>>, vector<16xi32>,
    }
    %scan3A_6 = arith.constant 196 : i32
    %add3A_7 = arith.constant 3136 : i32
    %add3A_8 = arith.addi %mul3A_0, %add3A_7 : i32
    "tpu.region"() ({
      %run_scoped3A = tpu.sem_alloc : memref<!tpu.dma_semaphore, #tpu.memory_space<semaphore_mem>>
      %dma_start3A = tpu.memref_slice %arg2[%add3A_8] : memref<200704xi32, #tpu.memory_space<hbm>> -> memref<3136xi32, #tpu.memory_space<hbm>>
      %dma_start3A_136 = tpu.memref_slice %arg2[%add3A_8] : memref<200704xi32, #tpu.memory_space<hbm>> -> memref<3136xi32, #tpu.memory_space<hbm>>
      tpu.enqueue_dma source(%dma_start3A_136 : memref<3136xi32, #tpu.memory_space<hbm>>) target(%arg9 : memref<3136xi32, #tpu.memory_space<vmem>>) target_semaphore(%run_scoped3A : memref<!tpu.dma_semaphore, #tpu.memory_space<semaphore_mem>>)
      %dma_wait3A = tpu.memref_slice %arg2[%add3A_8] : memref<200704xi32, #tpu.memory_space<hbm>> -> memref<3136xi32, #tpu.memory_space<hbm>>
      %dma_wait3A_137 = tpu.memref_slice %arg2[%add3A_8] : memref<200704xi32, #tpu.memory_space<hbm>> -> memref<3136xi32, #tpu.memory_space<hbm>>
      tpu.wait_dma2 semaphore(%run_scoped3A : memref<!tpu.dma_semaphore, #tpu.memory_space<semaphore_mem>>) src(%dma_wait3A_137 : memref<3136xi32, #tpu.memory_space<hbm>>) dst(%arg9 : memref<3136xi32, #tpu.memory_space<vmem>>)
      tpu.yield
    }) : () -> ()
    %scan3A_9 = arith.constant 0 : i32
    %scan3A_10 = arith.constant 0 : i32
    %scan3A_11 = arith.constant 196 : i32
    %scan3A_12 = arith.addi %scan3A_10, %scan3A_11 : i32
    %scan3A_13 = arith.constant 1 : i32
    scf.for %scan3A_136 = %scan3A_10 to %scan3A_12 step %scan3A_13  : i32 {
      %mul3A_137 = arith.constant 16 : i32
      %mul3A_138 = arith.muli %scan3A_136, %mul3A_137 : i32
      %add3A_139 = arith.constant 3136 : i32
      %add3A_140 = arith.addi %add3A_139, %mul3A_138 : i32
      %mul3A_141 = arith.constant 16 : i32
      %mul3A_142 = arith.muli %scan3A_136, %mul3A_141 : i32
      %get3A = arith.index_cast %mul3A_142 : i32 to index
      %get3A_143 = tpu.vector_load %arg9[%get3A] {strides = array<i32>} : memref<3136xi32, #tpu.memory_space<vmem>>, vector<16xi32>,
      %swap3A = arith.index_cast %add3A_140 : i32 to index
      %swap3A_144 = tpu.vector_load %arg8[%swap3A] {strides = array<i32>} : memref<12544xi32, #tpu.memory_space<vmem>>, vector<16xi32>,
      tpu.vector_store %arg8[%swap3A], %get3A_143 {strides = array<i32>} : memref<12544xi32, #tpu.memory_space<vmem>>, vector<16xi32>,
    }
    %scan3A_14 = arith.constant 196 : i32
    %add3A_15 = arith.constant 6272 : i32
    %add3A_16 = arith.addi %mul3A_0, %add3A_15 : i32
    "tpu.region"() ({
      %run_scoped3A = tpu.sem_alloc : memref<!tpu.dma_semaphore, #tpu.memory_space<semaphore_mem>>
      %dma_start3A = tpu.memref_slice %arg2[%add3A_16] : memref<200704xi32, #tpu.memory_space<hbm>> -> memref<3136xi32, #tpu.memory_space<hbm>>
      %dma_start3A_136 = tpu.memref_slice %arg2[%add3A_16] : memref<200704xi32, #tpu.memory_space<hbm>> -> memref<3136xi32, #tpu.memory_space<hbm>>
      tpu.enqueue_dma source(%dma_start3A_136 : memref<3136xi32, #tpu.memory_space<hbm>>) target(%arg9 : memref<3136xi32, #tpu.memory_space<vmem>>) target_semaphore(%run_scoped3A : memref<!tpu.dma_semaphore, #tpu.memory_space<semaphore_mem>>)
      %dma_wait3A = tpu.memref_slice %arg2[%add3A_16] : memref<200704xi32, #tpu.memory_space<hbm>> -> memref<3136xi32, #tpu.memory_space<hbm>>
      %dma_wait3A_137 = tpu.memref_slice %arg2[%add3A_16] : memref<200704xi32, #tpu.memory_space<hbm>> -> memref<3136xi32, #tpu.memory_space<hbm>>
      tpu.wait_dma2 semaphore(%run_scoped3A : memref<!tpu.dma_semaphore, #tpu.memory_space<semaphore_mem>>) src(%dma_wait3A_137 : memref<3136xi32, #tpu.memory_space<hbm>>) dst(%arg9 : memref<3136xi32, #tpu.memory_space<vmem>>)
      tpu.yield
    }) : () -> ()
    %scan3A_17 = arith.constant 0 : i32
    %scan3A_18 = arith.constant 0 : i32
    %scan3A_19 = arith.constant 196 : i32
    %scan3A_20 = arith.addi %scan3A_18, %scan3A_19 : i32
    %scan3A_21 = arith.constant 1 : i32
    scf.for %scan3A_136 = %scan3A_18 to %scan3A_20 step %scan3A_21  : i32 {
      %mul3A_137 = arith.constant 16 : i32
      %mul3A_138 = arith.muli %scan3A_136, %mul3A_137 : i32
      %add3A_139 = arith.constant 6272 : i32
      %add3A_140 = arith.addi %add3A_139, %mul3A_138 : i32
      %mul3A_141 = arith.constant 16 : i32
      %mul3A_142 = arith.muli %scan3A_136, %mul3A_141 : i32
      %get3A = arith.index_cast %mul3A_142 : i32 to index
      %get3A_143 = tpu.vector_load %arg9[%get3A] {strides = array<i32>} : memref<3136xi32, #tpu.memory_space<vmem>>, vector<16xi32>,
      %swap3A = arith.index_cast %add3A_140 : i32 to index
      %swap3A_144 = tpu.vector_load %arg8[%swap3A] {strides = array<i32>} : memref<12544xi32, #tpu.memory_space<vmem>>, vector<16xi32>,
      tpu.vector_store %arg8[%swap3A], %get3A_143 {strides = array<i32>} : memref<12544xi32, #tpu.memory_space<vmem>>, vector<16xi32>,
    }
    %scan3A_22 = arith.constant 196 : i32
    %add3A_23 = arith.constant 9408 : i32
    %add3A_24 = arith.addi %mul3A_0, %add3A_23 : i32
    "tpu.region"() ({
      %run_scoped3A = tpu.sem_alloc : memref<!tpu.dma_semaphore, #tpu.memory_space<semaphore_mem>>
      %dma_start3A = tpu.memref_slice %arg2[%add3A_24] : memref<200704xi32, #tpu.memory_space<hbm>> -> memref<3136xi32, #tpu.memory_space<hbm>>
      %dma_start3A_136 = tpu.memref_slice %arg2[%add3A_24] : memref<200704xi32, #tpu.memory_space<hbm>> -> memref<3136xi32, #tpu.memory_space<hbm>>
      tpu.enqueue_dma source(%dma_start3A_136 : memref<3136xi32, #tpu.memory_space<hbm>>) target(%arg9 : memref<3136xi32, #tpu.memory_space<vmem>>) target_semaphore(%run_scoped3A : memref<!tpu.dma_semaphore, #tpu.memory_space<semaphore_mem>>)
      %dma_wait3A = tpu.memref_slice %arg2[%add3A_24] : memref<200704xi32, #tpu.memory_space<hbm>> -> memref<3136xi32, #tpu.memory_space<hbm>>
      %dma_wait3A_137 = tpu.memref_slice %arg2[%add3A_24] : memref<200704xi32, #tpu.memory_space<hbm>> -> memref<3136xi32, #tpu.memory_space<hbm>>
      tpu.wait_dma2 semaphore(%run_scoped3A : memref<!tpu.dma_semaphore, #tpu.memory_space<semaphore_mem>>) src(%dma_wait3A_137 : memref<3136xi32, #tpu.memory_space<hbm>>) dst(%arg9 : memref<3136xi32, #tpu.memory_space<vmem>>)
      tpu.yield
    }) : () -> ()
    %scan3A_25 = arith.constant 0 : i32
    %scan3A_26 = arith.constant 0 : i32
    %scan3A_27 = arith.constant 196 : i32
    %scan3A_28 = arith.addi %scan3A_26, %scan3A_27 : i32
    %scan3A_29 = arith.constant 1 : i32
    scf.for %scan3A_136 = %scan3A_26 to %scan3A_28 step %scan3A_29  : i32 {
      %mul3A_137 = arith.constant 16 : i32
      %mul3A_138 = arith.muli %scan3A_136, %mul3A_137 : i32
      %add3A_139 = arith.constant 9408 : i32
      %add3A_140 = arith.addi %add3A_139, %mul3A_138 : i32
      %mul3A_141 = arith.constant 16 : i32
      %mul3A_142 = arith.muli %scan3A_136, %mul3A_141 : i32
      %get3A = arith.index_cast %mul3A_142 : i32 to index
      %get3A_143 = tpu.vector_load %arg9[%get3A] {strides = array<i32>} : memref<3136xi32, #tpu.memory_space<vmem>>, vector<16xi32>,
      %swap3A = arith.index_cast %add3A_140 : i32 to index
      %swap3A_144 = tpu.vector_load %arg8[%swap3A] {strides = array<i32>} : memref<12544xi32, #tpu.memory_space<vmem>>, vector<16xi32>,
      tpu.vector_store %arg8[%swap3A], %get3A_143 {strides = array<i32>} : memref<12544xi32, #tpu.memory_space<vmem>>, vector<16xi32>,
    }
    %scan3A_30 = arith.constant 196 : i32
    %add3A_31 = arith.constant 0 : i32
    %add3A_32 = arith.addi %mul3A_0, %add3A_31 : i32
    "tpu.region"() ({
      %run_scoped3A = tpu.sem_alloc : memref<!tpu.dma_semaphore, #tpu.memory_space<semaphore_mem>>
      %dma_start3A = tpu.memref_slice %arg3[%add3A_32] : memref<200704xi32, #tpu.memory_space<hbm>> -> memref<3136xi32, #tpu.memory_space<hbm>>
      %dma_start3A_136 = tpu.memref_slice %arg3[%add3A_32] : memref<200704xi32, #tpu.memory_space<hbm>> -> memref<3136xi32, #tpu.memory_space<hbm>>
      tpu.enqueue_dma source(%dma_start3A_136 : memref<3136xi32, #tpu.memory_space<hbm>>) target(%arg9 : memref<3136xi32, #tpu.memory_space<vmem>>) target_semaphore(%run_scoped3A : memref<!tpu.dma_semaphore, #tpu.memory_space<semaphore_mem>>)
      %dma_wait3A = tpu.memref_slice %arg3[%add3A_32] : memref<200704xi32, #tpu.memory_space<hbm>> -> memref<3136xi32, #tpu.memory_space<hbm>>
      %dma_wait3A_137 = tpu.memref_slice %arg3[%add3A_32] : memref<200704xi32, #tpu.memory_space<hbm>> -> memref<3136xi32, #tpu.memory_space<hbm>>
      tpu.wait_dma2 semaphore(%run_scoped3A : memref<!tpu.dma_semaphore, #tpu.memory_space<semaphore_mem>>) src(%dma_wait3A_137 : memref<3136xi32, #tpu.memory_space<hbm>>) dst(%arg9 : memref<3136xi32, #tpu.memory_space<vmem>>)
      tpu.yield
    }) : () -> ()
    %scan3A_33 = arith.constant 0 : i32
    %scan3A_34 = arith.constant 0 : i32
    %scan3A_35 = arith.constant 196 : i32
    %scan3A_36 = arith.addi %scan3A_34, %scan3A_35 : i32
    %scan3A_37 = arith.constant 1 : i32
    scf.for %scan3A_136 = %scan3A_34 to %scan3A_36 step %scan3A_37  : i32 {
      %mul3A_137 = arith.constant 16 : i32
      %mul3A_138 = arith.muli %scan3A_136, %mul3A_137 : i32
      %add3A_139 = arith.constant 0 : i32
      %add3A_140 = arith.addi %add3A_139, %mul3A_138 : i32
      %mul3A_141 = arith.constant 16 : i32
      %mul3A_142 = arith.muli %scan3A_136, %mul3A_141 : i32
      %get3A = arith.index_cast %mul3A_142 : i32 to index
      %get3A_143 = tpu.vector_load %arg9[%get3A] {strides = array<i32>} : memref<3136xi32, #tpu.memory_space<vmem>>, vector<16xi32>,
      %get3A_144 = arith.index_cast %add3A_140 : i32 to index
      %get3A_145 = tpu.vector_load %arg8[%get3A_144] {strides = array<i32>} : memref<12544xi32, #tpu.memory_space<vmem>>, vector<16xi32>,
      %mul3A_146 = arith.constant 64 : i32
      %mul3A_147 = vector.broadcast %mul3A_146 : i32 to vector<16xi32>
      %mul3A_148 = arith.muli %get3A_145, %mul3A_147 : vector<16xi32>
      %add3A_149 = arith.addi %mul3A_148, %get3A_143 : vector<16xi32>
      %swap3A = arith.index_cast %add3A_140 : i32 to index
      %swap3A_150 = tpu.vector_load %arg8[%swap3A] {strides = array<i32>} : memref<12544xi32, #tpu.memory_space<vmem>>, vector<16xi32>,
      tpu.vector_store %arg8[%swap3A], %add3A_149 {strides = array<i32>} : memref<12544xi32, #tpu.memory_space<vmem>>, vector<16xi32>,
    }
    %scan3A_38 = arith.constant 196 : i32
    %add3A_39 = arith.constant 3136 : i32
    %add3A_40 = arith.addi %mul3A_0, %add3A_39 : i32
    "tpu.region"() ({
      %run_scoped3A = tpu.sem_alloc : memref<!tpu.dma_semaphore, #tpu.memory_space<semaphore_mem>>
      %dma_start3A = tpu.memref_slice %arg3[%add3A_40] : memref<200704xi32, #tpu.memory_space<hbm>> -> memref<3136xi32, #tpu.memory_space<hbm>>
      %dma_start3A_136 = tpu.memref_slice %arg3[%add3A_40] : memref<200704xi32, #tpu.memory_space<hbm>> -> memref<3136xi32, #tpu.memory_space<hbm>>
      tpu.enqueue_dma source(%dma_start3A_136 : memref<3136xi32, #tpu.memory_space<hbm>>) target(%arg9 : memref<3136xi32, #tpu.memory_space<vmem>>) target_semaphore(%run_scoped3A : memref<!tpu.dma_semaphore, #tpu.memory_space<semaphore_mem>>)
      %dma_wait3A = tpu.memref_slice %arg3[%add3A_40] : memref<200704xi32, #tpu.memory_space<hbm>> -> memref<3136xi32, #tpu.memory_space<hbm>>
      %dma_wait3A_137 = tpu.memref_slice %arg3[%add3A_40] : memref<200704xi32, #tpu.memory_space<hbm>> -> memref<3136xi32, #tpu.memory_space<hbm>>
      tpu.wait_dma2 semaphore(%run_scoped3A : memref<!tpu.dma_semaphore, #tpu.memory_space<semaphore_mem>>) src(%dma_wait3A_137 : memref<3136xi32, #tpu.memory_space<hbm>>) dst(%arg9 : memref<3136xi32, #tpu.memory_space<vmem>>)
      tpu.yield
    }) : () -> ()
    %scan3A_41 = arith.constant 0 : i32
    %scan3A_42 = arith.constant 0 : i32
    %scan3A_43 = arith.constant 196 : i32
    %scan3A_44 = arith.addi %scan3A_42, %scan3A_43 : i32
    %scan3A_45 = arith.constant 1 : i32
    scf.for %scan3A_136 = %scan3A_42 to %scan3A_44 step %scan3A_45  : i32 {
      %mul3A_137 = arith.constant 16 : i32
      %mul3A_138 = arith.muli %scan3A_136, %mul3A_137 : i32
      %add3A_139 = arith.constant 3136 : i32
      %add3A_140 = arith.addi %add3A_139, %mul3A_138 : i32
      %mul3A_141 = arith.constant 16 : i32
      %mul3A_142 = arith.muli %scan3A_136, %mul3A_141 : i32
      %get3A = arith.index_cast %mul3A_142 : i32 to index
      %get3A_143 = tpu.vector_load %arg9[%get3A] {strides = array<i32>} : memref<3136xi32, #tpu.memory_space<vmem>>, vector<16xi32>,
      %get3A_144 = arith.index_cast %add3A_140 : i32 to index
      %get3A_145 = tpu.vector_load %arg8[%get3A_144] {strides = array<i32>} : memref<12544xi32, #tpu.memory_space<vmem>>, vector<16xi32>,
      %mul3A_146 = arith.constant 64 : i32
      %mul3A_147 = vector.broadcast %mul3A_146 : i32 to vector<16xi32>
      %mul3A_148 = arith.muli %get3A_145, %mul3A_147 : vector<16xi32>
      %add3A_149 = arith.addi %mul3A_148, %get3A_143 : vector<16xi32>
      %swap3A = arith.index_cast %add3A_140 : i32 to index
      %swap3A_150 = tpu.vector_load %arg8[%swap3A] {strides = array<i32>} : memref<12544xi32, #tpu.memory_space<vmem>>, vector<16xi32>,
      tpu.vector_store %arg8[%swap3A], %add3A_149 {strides = array<i32>} : memref<12544xi32, #tpu.memory_space<vmem>>, vector<16xi32>,
    }
    %scan3A_46 = arith.constant 196 : i32
    %add3A_47 = arith.constant 6272 : i32
    %add3A_48 = arith.addi %mul3A_0, %add3A_47 : i32
    "tpu.region"() ({
      %run_scoped3A = tpu.sem_alloc : memref<!tpu.dma_semaphore, #tpu.memory_space<semaphore_mem>>
      %dma_start3A = tpu.memref_slice %arg3[%add3A_48] : memref<200704xi32, #tpu.memory_space<hbm>> -> memref<3136xi32, #tpu.memory_space<hbm>>
      %dma_start3A_136 = tpu.memref_slice %arg3[%add3A_48] : memref<200704xi32, #tpu.memory_space<hbm>> -> memref<3136xi32, #tpu.memory_space<hbm>>
      tpu.enqueue_dma source(%dma_start3A_136 : memref<3136xi32, #tpu.memory_space<hbm>>) target(%arg9 : memref<3136xi32, #tpu.memory_space<vmem>>) target_semaphore(%run_scoped3A : memref<!tpu.dma_semaphore, #tpu.memory_space<semaphore_mem>>)
      %dma_wait3A = tpu.memref_slice %arg3[%add3A_48] : memref<200704xi32, #tpu.memory_space<hbm>> -> memref<3136xi32, #tpu.memory_space<hbm>>
      %dma_wait3A_137 = tpu.memref_slice %arg3[%add3A_48] : memref<200704xi32, #tpu.memory_space<hbm>> -> memref<3136xi32, #tpu.memory_space<hbm>>
      tpu.wait_dma2 semaphore(%run_scoped3A : memref<!tpu.dma_semaphore, #tpu.memory_space<semaphore_mem>>) src(%dma_wait3A_137 : memref<3136xi32, #tpu.memory_space<hbm>>) dst(%arg9 : memref<3136xi32, #tpu.memory_space<vmem>>)
      tpu.yield
    }) : () -> ()
    %scan3A_49 = arith.constant 0 : i32
    %scan3A_50 = arith.constant 0 : i32
    %scan3A_51 = arith.constant 196 : i32
    %scan3A_52 = arith.addi %scan3A_50, %scan3A_51 : i32
    %scan3A_53 = arith.constant 1 : i32
    scf.for %scan3A_136 = %scan3A_50 to %scan3A_52 step %scan3A_53  : i32 {
      %mul3A_137 = arith.constant 16 : i32
      %mul3A_138 = arith.muli %scan3A_136, %mul3A_137 : i32
      %add3A_139 = arith.constant 6272 : i32
      %add3A_140 = arith.addi %add3A_139, %mul3A_138 : i32
      %mul3A_141 = arith.constant 16 : i32
      %mul3A_142 = arith.muli %scan3A_136, %mul3A_141 : i32
      %get3A = arith.index_cast %mul3A_142 : i32 to index
      %get3A_143 = tpu.vector_load %arg9[%get3A] {strides = array<i32>} : memref<3136xi32, #tpu.memory_space<vmem>>, vector<16xi32>,
      %get3A_144 = arith.index_cast %add3A_140 : i32 to index
      %get3A_145 = tpu.vector_load %arg8[%get3A_144] {strides = array<i32>} : memref<12544xi32, #tpu.memory_space<vmem>>, vector<16xi32>,
      %mul3A_146 = arith.constant 64 : i32
      %mul3A_147 = vector.broadcast %mul3A_146 : i32 to vector<16xi32>
      %mul3A_148 = arith.muli %get3A_145, %mul3A_147 : vector<16xi32>
      %add3A_149 = arith.addi %mul3A_148, %get3A_143 : vector<16xi32>
      %swap3A = arith.index_cast %add3A_140 : i32 to index
      %swap3A_150 = tpu.vector_load %arg8[%swap3A] {strides = array<i32>} : memref<12544xi32, #tpu.memory_space<vmem>>, vector<16xi32>,
      tpu.vector_store %arg8[%swap3A], %add3A_149 {strides = array<i32>} : memref<12544xi32, #tpu.memory_space<vmem>>, vector<16xi32>,
    }
    %scan3A_54 = arith.constant 196 : i32
    %add3A_55 = arith.constant 9408 : i32
    %add3A_56 = arith.addi %mul3A_0, %add3A_55 : i32
    "tpu.region"() ({
      %run_scoped3A = tpu.sem_alloc : memref<!tpu.dma_semaphore, #tpu.memory_space<semaphore_mem>>
      %dma_start3A = tpu.memref_slice %arg3[%add3A_56] : memref<200704xi32, #tpu.memory_space<hbm>> -> memref<3136xi32, #tpu.memory_space<hbm>>
      %dma_start3A_136 = tpu.memref_slice %arg3[%add3A_56] : memref<200704xi32, #tpu.memory_space<hbm>> -> memref<3136xi32, #tpu.memory_space<hbm>>
      tpu.enqueue_dma source(%dma_start3A_136 : memref<3136xi32, #tpu.memory_space<hbm>>) target(%arg9 : memref<3136xi32, #tpu.memory_space<vmem>>) target_semaphore(%run_scoped3A : memref<!tpu.dma_semaphore, #tpu.memory_space<semaphore_mem>>)
      %dma_wait3A = tpu.memref_slice %arg3[%add3A_56] : memref<200704xi32, #tpu.memory_space<hbm>> -> memref<3136xi32, #tpu.memory_space<hbm>>
      %dma_wait3A_137 = tpu.memref_slice %arg3[%add3A_56] : memref<200704xi32, #tpu.memory_space<hbm>> -> memref<3136xi32, #tpu.memory_space<hbm>>
      tpu.wait_dma2 semaphore(%run_scoped3A : memref<!tpu.dma_semaphore, #tpu.memory_space<semaphore_mem>>) src(%dma_wait3A_137 : memref<3136xi32, #tpu.memory_space<hbm>>) dst(%arg9 : memref<3136xi32, #tpu.memory_space<vmem>>)
      tpu.yield
    }) : () -> ()
    %scan3A_57 = arith.constant 0 : i32
    %scan3A_58 = arith.constant 0 : i32
    %scan3A_59 = arith.constant 196 : i32
    %scan3A_60 = arith.addi %scan3A_58, %scan3A_59 : i32
    %scan3A_61 = arith.constant 1 : i32
    scf.for %scan3A_136 = %scan3A_58 to %scan3A_60 step %scan3A_61  : i32 {
      %mul3A_137 = arith.constant 16 : i32
      %mul3A_138 = arith.muli %scan3A_136, %mul3A_137 : i32
      %add3A_139 = arith.constant 9408 : i32
      %add3A_140 = arith.addi %add3A_139, %mul3A_138 : i32
      %mul3A_141 = arith.constant 16 : i32
      %mul3A_142 = arith.muli %scan3A_136, %mul3A_141 : i32
      %get3A = arith.index_cast %mul3A_142 : i32 to index
      %get3A_143 = tpu.vector_load %arg9[%get3A] {strides = array<i32>} : memref<3136xi32, #tpu.memory_space<vmem>>, vector<16xi32>,
      %get3A_144 = arith.index_cast %add3A_140 : i32 to index
      %get3A_145 = tpu.vector_load %arg8[%get3A_144] {strides = array<i32>} : memref<12544xi32, #tpu.memory_space<vmem>>, vector<16xi32>,
      %mul3A_146 = arith.constant 64 : i32
      %mul3A_147 = vector.broadcast %mul3A_146 : i32 to vector<16xi32>
      %mul3A_148 = arith.muli %get3A_145, %mul3A_147 : vector<16xi32>
      %add3A_149 = arith.addi %mul3A_148, %get3A_143 : vector<16xi32>
      %swap3A = arith.index_cast %add3A_140 : i32 to index
      %swap3A_150 = tpu.vector_load %arg8[%swap3A] {strides = array<i32>} : memref<12544xi32, #tpu.memory_space<vmem>>, vector<16xi32>,
      tpu.vector_store %arg8[%swap3A], %add3A_149 {strides = array<i32>} : memref<12544xi32, #tpu.memory_space<vmem>>, vector<16xi32>,
    }
    %scan3A_62 = arith.constant 196 : i32
    %add3A_63 = arith.constant 0 : i32
    %add3A_64 = arith.addi %mul3A_0, %add3A_63 : i32
    "tpu.region"() ({
      %run_scoped3A = tpu.sem_alloc : memref<!tpu.dma_semaphore, #tpu.memory_space<semaphore_mem>>
      %dma_start3A = tpu.memref_slice %arg4[%add3A_64] : memref<200704xi32, #tpu.memory_space<hbm>> -> memref<3136xi32, #tpu.memory_space<hbm>>
      %dma_start3A_136 = tpu.memref_slice %arg4[%add3A_64] : memref<200704xi32, #tpu.memory_space<hbm>> -> memref<3136xi32, #tpu.memory_space<hbm>>
      tpu.enqueue_dma source(%dma_start3A_136 : memref<3136xi32, #tpu.memory_space<hbm>>) target(%arg9 : memref<3136xi32, #tpu.memory_space<vmem>>) target_semaphore(%run_scoped3A : memref<!tpu.dma_semaphore, #tpu.memory_space<semaphore_mem>>)
      %dma_wait3A = tpu.memref_slice %arg4[%add3A_64] : memref<200704xi32, #tpu.memory_space<hbm>> -> memref<3136xi32, #tpu.memory_space<hbm>>
      %dma_wait3A_137 = tpu.memref_slice %arg4[%add3A_64] : memref<200704xi32, #tpu.memory_space<hbm>> -> memref<3136xi32, #tpu.memory_space<hbm>>
      tpu.wait_dma2 semaphore(%run_scoped3A : memref<!tpu.dma_semaphore, #tpu.memory_space<semaphore_mem>>) src(%dma_wait3A_137 : memref<3136xi32, #tpu.memory_space<hbm>>) dst(%arg9 : memref<3136xi32, #tpu.memory_space<vmem>>)
      tpu.yield
    }) : () -> ()
    %scan3A_65 = arith.constant 0 : i32
    %scan3A_66 = arith.constant 0 : i32
    %scan3A_67 = arith.constant 196 : i32
    %scan3A_68 = arith.addi %scan3A_66, %scan3A_67 : i32
    %scan3A_69 = arith.constant 1 : i32
    scf.for %scan3A_136 = %scan3A_66 to %scan3A_68 step %scan3A_69  : i32 {
      %mul3A_137 = arith.constant 16 : i32
      %mul3A_138 = arith.muli %scan3A_136, %mul3A_137 : i32
      %add3A_139 = arith.constant 0 : i32
      %add3A_140 = arith.addi %add3A_139, %mul3A_138 : i32
      %mul3A_141 = arith.constant 16 : i32
      %mul3A_142 = arith.muli %scan3A_136, %mul3A_141 : i32
      %get3A = arith.index_cast %mul3A_142 : i32 to index
      %get3A_143 = tpu.vector_load %arg9[%get3A] {strides = array<i32>} : memref<3136xi32, #tpu.memory_space<vmem>>, vector<16xi32>,
      %get3A_144 = arith.index_cast %add3A_140 : i32 to index
      %get3A_145 = tpu.vector_load %arg8[%get3A_144] {strides = array<i32>} : memref<12544xi32, #tpu.memory_space<vmem>>, vector<16xi32>,
      %mul3A_146 = arith.constant 64 : i32
      %mul3A_147 = vector.broadcast %mul3A_146 : i32 to vector<16xi32>
      %mul3A_148 = arith.muli %get3A_145, %mul3A_147 : vector<16xi32>
      %add3A_149 = arith.addi %mul3A_148, %get3A_143 : vector<16xi32>
      %swap3A = arith.index_cast %add3A_140 : i32 to index
      %swap3A_150 = tpu.vector_load %arg8[%swap3A] {strides = array<i32>} : memref<12544xi32, #tpu.memory_space<vmem>>, vector<16xi32>,
      tpu.vector_store %arg8[%swap3A], %add3A_149 {strides = array<i32>} : memref<12544xi32, #tpu.memory_space<vmem>>, vector<16xi32>,
    }
    %scan3A_70 = arith.constant 196 : i32
    %add3A_71 = arith.constant 3136 : i32
    %add3A_72 = arith.addi %mul3A_0, %add3A_71 : i32
    "tpu.region"() ({
      %run_scoped3A = tpu.sem_alloc : memref<!tpu.dma_semaphore, #tpu.memory_space<semaphore_mem>>
      %dma_start3A = tpu.memref_slice %arg4[%add3A_72] : memref<200704xi32, #tpu.memory_space<hbm>> -> memref<3136xi32, #tpu.memory_space<hbm>>
      %dma_start3A_136 = tpu.memref_slice %arg4[%add3A_72] : memref<200704xi32, #tpu.memory_space<hbm>> -> memref<3136xi32, #tpu.memory_space<hbm>>
      tpu.enqueue_dma source(%dma_start3A_136 : memref<3136xi32, #tpu.memory_space<hbm>>) target(%arg9 : memref<3136xi32, #tpu.memory_space<vmem>>) target_semaphore(%run_scoped3A : memref<!tpu.dma_semaphore, #tpu.memory_space<semaphore_mem>>)
      %dma_wait3A = tpu.memref_slice %arg4[%add3A_72] : memref<200704xi32, #tpu.memory_space<hbm>> -> memref<3136xi32, #tpu.memory_space<hbm>>
      %dma_wait3A_137 = tpu.memref_slice %arg4[%add3A_72] : memref<200704xi32, #tpu.memory_space<hbm>> -> memref<3136xi32, #tpu.memory_space<hbm>>
      tpu.wait_dma2 semaphore(%run_scoped3A : memref<!tpu.dma_semaphore, #tpu.memory_space<semaphore_mem>>) src(%dma_wait3A_137 : memref<3136xi32, #tpu.memory_space<hbm>>) dst(%arg9 : memref<3136xi32, #tpu.memory_space<vmem>>)
      tpu.yield
    }) : () -> ()
    %scan3A_73 = arith.constant 0 : i32
    %scan3A_74 = arith.constant 0 : i32
    %scan3A_75 = arith.constant 196 : i32
    %scan3A_76 = arith.addi %scan3A_74, %scan3A_75 : i32
    %scan3A_77 = arith.constant 1 : i32
    scf.for %scan3A_136 = %scan3A_74 to %scan3A_76 step %scan3A_77  : i32 {
      %mul3A_137 = arith.constant 16 : i32
      %mul3A_138 = arith.muli %scan3A_136, %mul3A_137 : i32
      %add3A_139 = arith.constant 3136 : i32
      %add3A_140 = arith.addi %add3A_139, %mul3A_138 : i32
      %mul3A_141 = arith.constant 16 : i32
      %mul3A_142 = arith.muli %scan3A_136, %mul3A_141 : i32
      %get3A = arith.index_cast %mul3A_142 : i32 to index
      %get3A_143 = tpu.vector_load %arg9[%get3A] {strides = array<i32>} : memref<3136xi32, #tpu.memory_space<vmem>>, vector<16xi32>,
      %get3A_144 = arith.index_cast %add3A_140 : i32 to index
      %get3A_145 = tpu.vector_load %arg8[%get3A_144] {strides = array<i32>} : memref<12544xi32, #tpu.memory_space<vmem>>, vector<16xi32>,
      %mul3A_146 = arith.constant 64 : i32
      %mul3A_147 = vector.broadcast %mul3A_146 : i32 to vector<16xi32>
      %mul3A_148 = arith.muli %get3A_145, %mul3A_147 : vector<16xi32>
      %add3A_149 = arith.addi %mul3A_148, %get3A_143 : vector<16xi32>
      %swap3A = arith.index_cast %add3A_140 : i32 to index
      %swap3A_150 = tpu.vector_load %arg8[%swap3A] {strides = array<i32>} : memref<12544xi32, #tpu.memory_space<vmem>>, vector<16xi32>,
      tpu.vector_store %arg8[%swap3A], %add3A_149 {strides = array<i32>} : memref<12544xi32, #tpu.memory_space<vmem>>, vector<16xi32>,
    }
    %scan3A_78 = arith.constant 196 : i32
    %add3A_79 = arith.constant 6272 : i32
    %add3A_80 = arith.addi %mul3A_0, %add3A_79 : i32
    "tpu.region"() ({
      %run_scoped3A = tpu.sem_alloc : memref<!tpu.dma_semaphore, #tpu.memory_space<semaphore_mem>>
      %dma_start3A = tpu.memref_slice %arg4[%add3A_80] : memref<200704xi32, #tpu.memory_space<hbm>> -> memref<3136xi32, #tpu.memory_space<hbm>>
      %dma_start3A_136 = tpu.memref_slice %arg4[%add3A_80] : memref<200704xi32, #tpu.memory_space<hbm>> -> memref<3136xi32, #tpu.memory_space<hbm>>
      tpu.enqueue_dma source(%dma_start3A_136 : memref<3136xi32, #tpu.memory_space<hbm>>) target(%arg9 : memref<3136xi32, #tpu.memory_space<vmem>>) target_semaphore(%run_scoped3A : memref<!tpu.dma_semaphore, #tpu.memory_space<semaphore_mem>>)
      %dma_wait3A = tpu.memref_slice %arg4[%add3A_80] : memref<200704xi32, #tpu.memory_space<hbm>> -> memref<3136xi32, #tpu.memory_space<hbm>>
      %dma_wait3A_137 = tpu.memref_slice %arg4[%add3A_80] : memref<200704xi32, #tpu.memory_space<hbm>> -> memref<3136xi32, #tpu.memory_space<hbm>>
      tpu.wait_dma2 semaphore(%run_scoped3A : memref<!tpu.dma_semaphore, #tpu.memory_space<semaphore_mem>>) src(%dma_wait3A_137 : memref<3136xi32, #tpu.memory_space<hbm>>) dst(%arg9 : memref<3136xi32, #tpu.memory_space<vmem>>)
      tpu.yield
    }) : () -> ()
    %scan3A_81 = arith.constant 0 : i32
    %scan3A_82 = arith.constant 0 : i32
    %scan3A_83 = arith.constant 196 : i32
    %scan3A_84 = arith.addi %scan3A_82, %scan3A_83 : i32
    %scan3A_85 = arith.constant 1 : i32
    scf.for %scan3A_136 = %scan3A_82 to %scan3A_84 step %scan3A_85  : i32 {
      %mul3A_137 = arith.constant 16 : i32
      %mul3A_138 = arith.muli %scan3A_136, %mul3A_137 : i32
      %add3A_139 = arith.constant 6272 : i32
      %add3A_140 = arith.addi %add3A_139, %mul3A_138 : i32
      %mul3A_141 = arith.constant 16 : i32
      %mul3A_142 = arith.muli %scan3A_136, %mul3A_141 : i32
      %get3A = arith.index_cast %mul3A_142 : i32 to index
      %get3A_143 = tpu.vector_load %arg9[%get3A] {strides = array<i32>} : memref<3136xi32, #tpu.memory_space<vmem>>, vector<16xi32>,
      %get3A_144 = arith.index_cast %add3A_140 : i32 to index
      %get3A_145 = tpu.vector_load %arg8[%get3A_144] {strides = array<i32>} : memref<12544xi32, #tpu.memory_space<vmem>>, vector<16xi32>,
      %mul3A_146 = arith.constant 64 : i32
      %mul3A_147 = vector.broadcast %mul3A_146 : i32 to vector<16xi32>
      %mul3A_148 = arith.muli %get3A_145, %mul3A_147 : vector<16xi32>
      %add3A_149 = arith.addi %mul3A_148, %get3A_143 : vector<16xi32>
      %swap3A = arith.index_cast %add3A_140 : i32 to index
      %swap3A_150 = tpu.vector_load %arg8[%swap3A] {strides = array<i32>} : memref<12544xi32, #tpu.memory_space<vmem>>, vector<16xi32>,
      tpu.vector_store %arg8[%swap3A], %add3A_149 {strides = array<i32>} : memref<12544xi32, #tpu.memory_space<vmem>>, vector<16xi32>,
    }
    %scan3A_86 = arith.constant 196 : i32
    %add3A_87 = arith.constant 9408 : i32
    %add3A_88 = arith.addi %mul3A_0, %add3A_87 : i32
    "tpu.region"() ({
      %run_scoped3A = tpu.sem_alloc : memref<!tpu.dma_semaphore, #tpu.memory_space<semaphore_mem>>
      %dma_start3A = tpu.memref_slice %arg4[%add3A_88] : memref<200704xi32, #tpu.memory_space<hbm>> -> memref<3136xi32, #tpu.memory_space<hbm>>
      %dma_start3A_136 = tpu.memref_slice %arg4[%add3A_88] : memref<200704xi32, #tpu.memory_space<hbm>> -> memref<3136xi32, #tpu.memory_space<hbm>>
      tpu.enqueue_dma source(%dma_start3A_136 : memref<3136xi32, #tpu.memory_space<hbm>>) target(%arg9 : memref<3136xi32, #tpu.memory_space<vmem>>) target_semaphore(%run_scoped3A : memref<!tpu.dma_semaphore, #tpu.memory_space<semaphore_mem>>)
      %dma_wait3A = tpu.memref_slice %arg4[%add3A_88] : memref<200704xi32, #tpu.memory_space<hbm>> -> memref<3136xi32, #tpu.memory_space<hbm>>
      %dma_wait3A_137 = tpu.memref_slice %arg4[%add3A_88] : memref<200704xi32, #tpu.memory_space<hbm>> -> memref<3136xi32, #tpu.memory_space<hbm>>
      tpu.wait_dma2 semaphore(%run_scoped3A : memref<!tpu.dma_semaphore, #tpu.memory_space<semaphore_mem>>) src(%dma_wait3A_137 : memref<3136xi32, #tpu.memory_space<hbm>>) dst(%arg9 : memref<3136xi32, #tpu.memory_space<vmem>>)
      tpu.yield
    }) : () -> ()
    %scan3A_89 = arith.constant 0 : i32
    %scan3A_90 = arith.constant 0 : i32
    %scan3A_91 = arith.constant 196 : i32
    %scan3A_92 = arith.addi %scan3A_90, %scan3A_91 : i32
    %scan3A_93 = arith.constant 1 : i32
    scf.for %scan3A_136 = %scan3A_90 to %scan3A_92 step %scan3A_93  : i32 {
      %mul3A_137 = arith.constant 16 : i32
      %mul3A_138 = arith.muli %scan3A_136, %mul3A_137 : i32
      %add3A_139 = arith.constant 9408 : i32
      %add3A_140 = arith.addi %add3A_139, %mul3A_138 : i32
      %mul3A_141 = arith.constant 16 : i32
      %mul3A_142 = arith.muli %scan3A_136, %mul3A_141 : i32
      %get3A = arith.index_cast %mul3A_142 : i32 to index
      %get3A_143 = tpu.vector_load %arg9[%get3A] {strides = array<i32>} : memref<3136xi32, #tpu.memory_space<vmem>>, vector<16xi32>,
      %get3A_144 = arith.index_cast %add3A_140 : i32 to index
      %get3A_145 = tpu.vector_load %arg8[%get3A_144] {strides = array<i32>} : memref<12544xi32, #tpu.memory_space<vmem>>, vector<16xi32>,
      %mul3A_146 = arith.constant 64 : i32
      %mul3A_147 = vector.broadcast %mul3A_146 : i32 to vector<16xi32>
      %mul3A_148 = arith.muli %get3A_145, %mul3A_147 : vector<16xi32>
      %add3A_149 = arith.addi %mul3A_148, %get3A_143 : vector<16xi32>
      %swap3A = arith.index_cast %add3A_140 : i32 to index
      %swap3A_150 = tpu.vector_load %arg8[%swap3A] {strides = array<i32>} : memref<12544xi32, #tpu.memory_space<vmem>>, vector<16xi32>,
      tpu.vector_store %arg8[%swap3A], %add3A_149 {strides = array<i32>} : memref<12544xi32, #tpu.memory_space<vmem>>, vector<16xi32>,
    }
    %scan3A_94 = arith.constant 196 : i32
    %add3A_95 = arith.constant 0 : i32
    %add3A_96 = arith.addi %mul3A_0, %add3A_95 : i32
    "tpu.region"() ({
      %run_scoped3A = tpu.sem_alloc : memref<!tpu.dma_semaphore, #tpu.memory_space<semaphore_mem>>
      %dma_start3A = tpu.memref_slice %arg5[%add3A_96] : memref<200704xi32, #tpu.memory_space<hbm>> -> memref<3136xi32, #tpu.memory_space<hbm>>
      %dma_start3A_136 = tpu.memref_slice %arg5[%add3A_96] : memref<200704xi32, #tpu.memory_space<hbm>> -> memref<3136xi32, #tpu.memory_space<hbm>>
      tpu.enqueue_dma source(%dma_start3A_136 : memref<3136xi32, #tpu.memory_space<hbm>>) target(%arg9 : memref<3136xi32, #tpu.memory_space<vmem>>) target_semaphore(%run_scoped3A : memref<!tpu.dma_semaphore, #tpu.memory_space<semaphore_mem>>)
      %dma_wait3A = tpu.memref_slice %arg5[%add3A_96] : memref<200704xi32, #tpu.memory_space<hbm>> -> memref<3136xi32, #tpu.memory_space<hbm>>
      %dma_wait3A_137 = tpu.memref_slice %arg5[%add3A_96] : memref<200704xi32, #tpu.memory_space<hbm>> -> memref<3136xi32, #tpu.memory_space<hbm>>
      tpu.wait_dma2 semaphore(%run_scoped3A : memref<!tpu.dma_semaphore, #tpu.memory_space<semaphore_mem>>) src(%dma_wait3A_137 : memref<3136xi32, #tpu.memory_space<hbm>>) dst(%arg9 : memref<3136xi32, #tpu.memory_space<vmem>>)
      tpu.yield
    }) : () -> ()
    %scan3A_97 = arith.constant 0 : i32
    %scan3A_98 = arith.constant 0 : i32
    %scan3A_99 = arith.constant 196 : i32
    %scan3A_100 = arith.addi %scan3A_98, %scan3A_99 : i32
    %scan3A_101 = arith.constant 1 : i32
    scf.for %scan3A_136 = %scan3A_98 to %scan3A_100 step %scan3A_101  : i32 {
      %mul3A_137 = arith.constant 16 : i32
      %mul3A_138 = arith.muli %scan3A_136, %mul3A_137 : i32
      %add3A_139 = arith.constant 0 : i32
      %add3A_140 = arith.addi %add3A_139, %mul3A_138 : i32
      %mul3A_141 = arith.constant 16 : i32
      %mul3A_142 = arith.muli %scan3A_136, %mul3A_141 : i32
      %get3A = arith.index_cast %mul3A_142 : i32 to index
      %get3A_143 = tpu.vector_load %arg9[%get3A] {strides = array<i32>} : memref<3136xi32, #tpu.memory_space<vmem>>, vector<16xi32>,
      %get3A_144 = arith.index_cast %add3A_140 : i32 to index
      %get3A_145 = tpu.vector_load %arg8[%get3A_144] {strides = array<i32>} : memref<12544xi32, #tpu.memory_space<vmem>>, vector<16xi32>,
      %mul3A_146 = arith.constant 64 : i32
      %mul3A_147 = vector.broadcast %mul3A_146 : i32 to vector<16xi32>
      %mul3A_148 = arith.muli %get3A_145, %mul3A_147 : vector<16xi32>
      %add3A_149 = arith.addi %mul3A_148, %get3A_143 : vector<16xi32>
      %swap3A = arith.index_cast %add3A_140 : i32 to index
      %swap3A_150 = tpu.vector_load %arg8[%swap3A] {strides = array<i32>} : memref<12544xi32, #tpu.memory_space<vmem>>, vector<16xi32>,
      tpu.vector_store %arg8[%swap3A], %add3A_149 {strides = array<i32>} : memref<12544xi32, #tpu.memory_space<vmem>>, vector<16xi32>,
    }
    %scan3A_102 = arith.constant 196 : i32
    %add3A_103 = arith.constant 3136 : i32
    %add3A_104 = arith.addi %mul3A_0, %add3A_103 : i32
    "tpu.region"() ({
      %run_scoped3A = tpu.sem_alloc : memref<!tpu.dma_semaphore, #tpu.memory_space<semaphore_mem>>
      %dma_start3A = tpu.memref_slice %arg5[%add3A_104] : memref<200704xi32, #tpu.memory_space<hbm>> -> memref<3136xi32, #tpu.memory_space<hbm>>
      %dma_start3A_136 = tpu.memref_slice %arg5[%add3A_104] : memref<200704xi32, #tpu.memory_space<hbm>> -> memref<3136xi32, #tpu.memory_space<hbm>>
      tpu.enqueue_dma source(%dma_start3A_136 : memref<3136xi32, #tpu.memory_space<hbm>>) target(%arg9 : memref<3136xi32, #tpu.memory_space<vmem>>) target_semaphore(%run_scoped3A : memref<!tpu.dma_semaphore, #tpu.memory_space<semaphore_mem>>)
      %dma_wait3A = tpu.memref_slice %arg5[%add3A_104] : memref<200704xi32, #tpu.memory_space<hbm>> -> memref<3136xi32, #tpu.memory_space<hbm>>
      %dma_wait3A_137 = tpu.memref_slice %arg5[%add3A_104] : memref<200704xi32, #tpu.memory_space<hbm>> -> memref<3136xi32, #tpu.memory_space<hbm>>
      tpu.wait_dma2 semaphore(%run_scoped3A : memref<!tpu.dma_semaphore, #tpu.memory_space<semaphore_mem>>) src(%dma_wait3A_137 : memref<3136xi32, #tpu.memory_space<hbm>>) dst(%arg9 : memref<3136xi32, #tpu.memory_space<vmem>>)
      tpu.yield
    }) : () -> ()
    %scan3A_105 = arith.constant 0 : i32
    %scan3A_106 = arith.constant 0 : i32
    %scan3A_107 = arith.constant 196 : i32
    %scan3A_108 = arith.addi %scan3A_106, %scan3A_107 : i32
    %scan3A_109 = arith.constant 1 : i32
    scf.for %scan3A_136 = %scan3A_106 to %scan3A_108 step %scan3A_109  : i32 {
      %mul3A_137 = arith.constant 16 : i32
      %mul3A_138 = arith.muli %scan3A_136, %mul3A_137 : i32
      %add3A_139 = arith.constant 3136 : i32
      %add3A_140 = arith.addi %add3A_139, %mul3A_138 : i32
      %mul3A_141 = arith.constant 16 : i32
      %mul3A_142 = arith.muli %scan3A_136, %mul3A_141 : i32
      %get3A = arith.index_cast %mul3A_142 : i32 to index
      %get3A_143 = tpu.vector_load %arg9[%get3A] {strides = array<i32>} : memref<3136xi32, #tpu.memory_space<vmem>>, vector<16xi32>,
      %get3A_144 = arith.index_cast %add3A_140 : i32 to index
      %get3A_145 = tpu.vector_load %arg8[%get3A_144] {strides = array<i32>} : memref<12544xi32, #tpu.memory_space<vmem>>, vector<16xi32>,
      %mul3A_146 = arith.constant 64 : i32
      %mul3A_147 = vector.broadcast %mul3A_146 : i32 to vector<16xi32>
      %mul3A_148 = arith.muli %get3A_145, %mul3A_147 : vector<16xi32>
      %add3A_149 = arith.addi %mul3A_148, %get3A_143 : vector<16xi32>
      %swap3A = arith.index_cast %add3A_140 : i32 to index
      %swap3A_150 = tpu.vector_load %arg8[%swap3A] {strides = array<i32>} : memref<12544xi32, #tpu.memory_space<vmem>>, vector<16xi32>,
      tpu.vector_store %arg8[%swap3A], %add3A_149 {strides = array<i32>} : memref<12544xi32, #tpu.memory_space<vmem>>, vector<16xi32>,
    }
    %scan3A_110 = arith.constant 196 : i32
    %add3A_111 = arith.constant 6272 : i32
    %add3A_112 = arith.addi %mul3A_0, %add3A_111 : i32
    "tpu.region"() ({
      %run_scoped3A = tpu.sem_alloc : memref<!tpu.dma_semaphore, #tpu.memory_space<semaphore_mem>>
      %dma_start3A = tpu.memref_slice %arg5[%add3A_112] : memref<200704xi32, #tpu.memory_space<hbm>> -> memref<3136xi32, #tpu.memory_space<hbm>>
      %dma_start3A_136 = tpu.memref_slice %arg5[%add3A_112] : memref<200704xi32, #tpu.memory_space<hbm>> -> memref<3136xi32, #tpu.memory_space<hbm>>
      tpu.enqueue_dma source(%dma_start3A_136 : memref<3136xi32, #tpu.memory_space<hbm>>) target(%arg9 : memref<3136xi32, #tpu.memory_space<vmem>>) target_semaphore(%run_scoped3A : memref<!tpu.dma_semaphore, #tpu.memory_space<semaphore_mem>>)
      %dma_wait3A = tpu.memref_slice %arg5[%add3A_112] : memref<200704xi32, #tpu.memory_space<hbm>> -> memref<3136xi32, #tpu.memory_space<hbm>>
      %dma_wait3A_137 = tpu.memref_slice %arg5[%add3A_112] : memref<200704xi32, #tpu.memory_space<hbm>> -> memref<3136xi32, #tpu.memory_space<hbm>>
      tpu.wait_dma2 semaphore(%run_scoped3A : memref<!tpu.dma_semaphore, #tpu.memory_space<semaphore_mem>>) src(%dma_wait3A_137 : memref<3136xi32, #tpu.memory_space<hbm>>) dst(%arg9 : memref<3136xi32, #tpu.memory_space<vmem>>)
      tpu.yield
    }) : () -> ()
    %scan3A_113 = arith.constant 0 : i32
    %scan3A_114 = arith.constant 0 : i32
    %scan3A_115 = arith.constant 196 : i32
    %scan3A_116 = arith.addi %scan3A_114, %scan3A_115 : i32
    %scan3A_117 = arith.constant 1 : i32
    scf.for %scan3A_136 = %scan3A_114 to %scan3A_116 step %scan3A_117  : i32 {
      %mul3A_137 = arith.constant 16 : i32
      %mul3A_138 = arith.muli %scan3A_136, %mul3A_137 : i32
      %add3A_139 = arith.constant 6272 : i32
      %add3A_140 = arith.addi %add3A_139, %mul3A_138 : i32
      %mul3A_141 = arith.constant 16 : i32
      %mul3A_142 = arith.muli %scan3A_136, %mul3A_141 : i32
      %get3A = arith.index_cast %mul3A_142 : i32 to index
      %get3A_143 = tpu.vector_load %arg9[%get3A] {strides = array<i32>} : memref<3136xi32, #tpu.memory_space<vmem>>, vector<16xi32>,
      %get3A_144 = arith.index_cast %add3A_140 : i32 to index
      %get3A_145 = tpu.vector_load %arg8[%get3A_144] {strides = array<i32>} : memref<12544xi32, #tpu.memory_space<vmem>>, vector<16xi32>,
      %mul3A_146 = arith.constant 64 : i32
      %mul3A_147 = vector.broadcast %mul3A_146 : i32 to vector<16xi32>
      %mul3A_148 = arith.muli %get3A_145, %mul3A_147 : vector<16xi32>
      %add3A_149 = arith.addi %mul3A_148, %get3A_143 : vector<16xi32>
      %swap3A = arith.index_cast %add3A_140 : i32 to index
      %swap3A_150 = tpu.vector_load %arg8[%swap3A] {strides = array<i32>} : memref<12544xi32, #tpu.memory_space<vmem>>, vector<16xi32>,
      tpu.vector_store %arg8[%swap3A], %add3A_149 {strides = array<i32>} : memref<12544xi32, #tpu.memory_space<vmem>>, vector<16xi32>,
    }
    %scan3A_118 = arith.constant 196 : i32
    %add3A_119 = arith.constant 9408 : i32
    %add3A_120 = arith.addi %mul3A_0, %add3A_119 : i32
    "tpu.region"() ({
      %run_scoped3A = tpu.sem_alloc : memref<!tpu.dma_semaphore, #tpu.memory_space<semaphore_mem>>
      %dma_start3A = tpu.memref_slice %arg5[%add3A_120] : memref<200704xi32, #tpu.memory_space<hbm>> -> memref<3136xi32, #tpu.memory_space<hbm>>
      %dma_start3A_136 = tpu.memref_slice %arg5[%add3A_120] : memref<200704xi32, #tpu.memory_space<hbm>> -> memref<3136xi32, #tpu.memory_space<hbm>>
      tpu.enqueue_dma source(%dma_start3A_136 : memref<3136xi32, #tpu.memory_space<hbm>>) target(%arg9 : memref<3136xi32, #tpu.memory_space<vmem>>) target_semaphore(%run_scoped3A : memref<!tpu.dma_semaphore, #tpu.memory_space<semaphore_mem>>)
      %dma_wait3A = tpu.memref_slice %arg5[%add3A_120] : memref<200704xi32, #tpu.memory_space<hbm>> -> memref<3136xi32, #tpu.memory_space<hbm>>
      %dma_wait3A_137 = tpu.memref_slice %arg5[%add3A_120] : memref<200704xi32, #tpu.memory_space<hbm>> -> memref<3136xi32, #tpu.memory_space<hbm>>
      tpu.wait_dma2 semaphore(%run_scoped3A : memref<!tpu.dma_semaphore, #tpu.memory_space<semaphore_mem>>) src(%dma_wait3A_137 : memref<3136xi32, #tpu.memory_space<hbm>>) dst(%arg9 : memref<3136xi32, #tpu.memory_space<vmem>>)
      tpu.yield
    }) : () -> ()
    %scan3A_121 = arith.constant 0 : i32
    %scan3A_122 = arith.constant 0 : i32
    %scan3A_123 = arith.constant 196 : i32
    %scan3A_124 = arith.addi %scan3A_122, %scan3A_123 : i32
    %scan3A_125 = arith.constant 1 : i32
    scf.for %scan3A_136 = %scan3A_122 to %scan3A_124 step %scan3A_125  : i32 {
      %mul3A_137 = arith.constant 16 : i32
      %mul3A_138 = arith.muli %scan3A_136, %mul3A_137 : i32
      %add3A_139 = arith.constant 9408 : i32
      %add3A_140 = arith.addi %add3A_139, %mul3A_138 : i32
      %mul3A_141 = arith.constant 16 : i32
      %mul3A_142 = arith.muli %scan3A_136, %mul3A_141 : i32
      %get3A = arith.index_cast %mul3A_142 : i32 to index
      %get3A_143 = tpu.vector_load %arg9[%get3A] {strides = array<i32>} : memref<3136xi32, #tpu.memory_space<vmem>>, vector<16xi32>,
      %get3A_144 = arith.index_cast %add3A_140 : i32 to index
      %get3A_145 = tpu.vector_load %arg8[%get3A_144] {strides = array<i32>} : memref<12544xi32, #tpu.memory_space<vmem>>, vector<16xi32>,
      %mul3A_146 = arith.constant 64 : i32
      %mul3A_147 = vector.broadcast %mul3A_146 : i32 to vector<16xi32>
      %mul3A_148 = arith.muli %get3A_145, %mul3A_147 : vector<16xi32>
      %add3A_149 = arith.addi %mul3A_148, %get3A_143 : vector<16xi32>
      %swap3A = arith.index_cast %add3A_140 : i32 to index
      %swap3A_150 = tpu.vector_load %arg8[%swap3A] {strides = array<i32>} : memref<12544xi32, #tpu.memory_space<vmem>>, vector<16xi32>,
      tpu.vector_store %arg8[%swap3A], %add3A_149 {strides = array<i32>} : memref<12544xi32, #tpu.memory_space<vmem>>, vector<16xi32>,
    }
    %scan3A_126 = arith.constant 196 : i32
    %broadcast_in_dim3A = arith.constant 0.000000e+00 : f32
    %broadcast_in_dim3A_127 = vector.broadcast %broadcast_in_dim3A : f32 to vector<16xf32>
    %scan3A_128 = arith.constant 0 : i32
    %scan3A_129 = arith.constant 0 : i32
    %scan3A_130 = arith.constant 5 : i32
    %scan3A_131 = arith.addi %scan3A_129, %scan3A_130 : i32
    %scan3A_132 = arith.constant 1 : i32
    scf.for %scan3A_136 = %scan3A_129 to %scan3A_131 step %scan3A_132  : i32 {
      %mul3A_137 = arith.constant 2 : i32
      %mul3A_138 = arith.muli %scan3A_136, %mul3A_137 : i32
      %add3A_139 = arith.addi %mul3A_138, %arg0 : i32
      %mul3A_140 = arith.constant 53248 : i32
      %mul3A_141 = arith.muli %add3A_139, %mul3A_140 : i32
      %scan3A_142 = arith.constant 0 : i32
      %scan3A_143 = arith.constant 0 : i32
      %scan3A_144 = arith.constant 128 : i32
      %scan3A_145 = arith.addi %scan3A_143, %scan3A_144 : i32
      %scan3A_146 = arith.constant 1 : i32
      scf.for %scan3A_933 = %scan3A_143 to %scan3A_145 step %scan3A_146  : i32 {
        %swap3A_934 = arith.index_cast %scan3A_933 : i32 to index
        %swap3A_935 = arith.constant 0 : index
        %swap3A_936 = tpu.vector_load %arg12[%swap3A_934, %swap3A_935] {strides = array<i32>} : memref<128x32xf32, #tpu.memory_space<vmem>>, vector<16xf32>,
        tpu.vector_store %arg12[%swap3A_934, %swap3A_935], %broadcast_in_dim3A_127 {strides = array<i32>} : memref<128x32xf32, #tpu.memory_space<vmem>>, vector<16xf32>,
        %swap3A_937 = arith.index_cast %scan3A_933 : i32 to index
        %swap3A_938 = arith.constant 16 : index
        %swap3A_939 = tpu.vector_load %arg12[%swap3A_937, %swap3A_938] {strides = array<i32>} : memref<128x32xf32, #tpu.memory_space<vmem>>, vector<16xf32>,
        tpu.vector_store %arg12[%swap3A_937, %swap3A_938], %broadcast_in_dim3A_127 {strides = array<i32>} : memref<128x32xf32, #tpu.memory_space<vmem>>, vector<16xf32>,
      }
      %scan3A_147 = arith.constant 128 : i32
      %gt3A = arith.constant 0 : i32
      %gt3A_148 = arith.cmpi sgt, %scan3A_136, %gt3A : i32
      %convert_element_type3A_149 = arith.extui %gt3A_148 : i1 to i32
      %cond3A_150 = arith.constant 0 : i32
      %cond3A_151 = arith.cmpi ne, %convert_element_type3A_149, %cond3A_150 : i32
      scf.if %cond3A_151 {
        %sub3A_933 = arith.constant 1 : i32
        %sub3A_934 = arith.subi %scan3A_136, %sub3A_933 : i32
        %mul3A_935 = arith.constant 2 : i32
        %mul3A_936 = arith.muli %sub3A_934, %mul3A_935 : i32
        %mul3A_937 = arith.constant 53248 : i32
        %mul3A_938 = arith.muli %mul3A_936, %mul3A_937 : i32
        %mul3A_939 = arith.constant 53248 : i32
        %mul3A_940 = arith.muli %arg0, %mul3A_939 : i32
        %add3A_941 = arith.addi %mul3A_938, %mul3A_940 : i32
        %mul3A_942 = arith.constant 3328 : i32
        %mul3A_943 = arith.muli %arg1, %mul3A_942 : i32
        %mul3A_944 = arith.constant 3328 : i32
        %mul3A_945 = arith.muli %arg1, %mul3A_944 : i32
        %add3A_946 = arith.addi %add3A_941, %mul3A_945 : i32
        %dma_wait3A_947 = arith.constant 0 : i32
        %dma_wait3A_948 = tpu.memref_slice %arg7[%add3A_946, %dma_wait3A_947] : memref<524288x32xf32, #tpu.memory_space<hbm>> -> memref<3328x32xf32, #tpu.memory_space<hbm>>
        %dma_wait3A_949 = arith.constant 0 : i32
        %dma_wait3A_950 = tpu.memref_slice %arg14[%mul3A_943, %dma_wait3A_949] : memref<53376x32xf32, #tpu.memory_space<vmem_shared>> -> memref<3328x32xf32, #tpu.memory_space<vmem_shared>>
        tpu.wait_dma2 semaphore(%arg17 : memref<!tpu.dma_semaphore, #tpu.memory_space<semaphore_mem>>) src(%dma_wait3A_950 : memref<3328x32xf32, #tpu.memory_space<vmem_shared>>) dst(%dma_wait3A_948 : memref<3328x32xf32, #tpu.memory_space<hbm>>)
      } else {
      }
      %mul3A_152 = arith.constant 3328 : i32
      %mul3A_153 = arith.muli %arg1, %mul3A_152 : i32
      %add3A_154 = arith.constant 0 : i32
      %add3A_155 = arith.addi %mul3A_153, %add3A_154 : i32
      %dma_start3A = arith.constant 0 : i32
      %dma_start3A_156 = tpu.memref_slice %arg14[%add3A_155, %dma_start3A] : memref<53376x32xf32, #tpu.memory_space<vmem_shared>> -> memref<128x32xf32, #tpu.memory_space<vmem_shared>>
      %dma_start3A_157 = arith.constant 0 : i32
      %dma_start3A_158 = tpu.memref_slice %arg14[%add3A_155, %dma_start3A_157] : memref<53376x32xf32, #tpu.memory_space<vmem_shared>> -> memref<128x32xf32, #tpu.memory_space<vmem_shared>>
      tpu.enqueue_dma source(%arg12 : memref<128x32xf32, #tpu.memory_space<vmem>>) target(%dma_start3A_158 : memref<128x32xf32, #tpu.memory_space<vmem_shared>>) target_semaphore(%arg17 : memref<!tpu.dma_semaphore, #tpu.memory_space<semaphore_mem>>)
      %mul3A_159 = arith.constant 3328 : i32
      %mul3A_160 = arith.muli %arg1, %mul3A_159 : i32
      %add3A_161 = arith.constant 128 : i32
      %add3A_162 = arith.addi %mul3A_160, %add3A_161 : i32
      %dma_start3A_163 = arith.constant 0 : i32
      %dma_start3A_164 = tpu.memref_slice %arg14[%add3A_162, %dma_start3A_163] : memref<53376x32xf32, #tpu.memory_space<vmem_shared>> -> memref<128x32xf32, #tpu.memory_space<vmem_shared>>
      %dma_start3A_165 = arith.constant 0 : i32
      %dma_start3A_166 = tpu.memref_slice %arg14[%add3A_162, %dma_start3A_165] : memref<53376x32xf32, #tpu.memory_space<vmem_shared>> -> memref<128x32xf32, #tpu.memory_space<vmem_shared>>
      tpu.enqueue_dma source(%arg12 : memref<128x32xf32, #tpu.memory_space<vmem>>) target(%dma_start3A_166 : memref<128x32xf32, #tpu.memory_space<vmem_shared>>) target_semaphore(%arg17 : memref<!tpu.dma_semaphore, #tpu.memory_space<semaphore_mem>>)
      %mul3A_167 = arith.constant 3328 : i32
      %mul3A_168 = arith.muli %arg1, %mul3A_167 : i32
      %add3A_169 = arith.constant 256 : i32
      %add3A_170 = arith.addi %mul3A_168, %add3A_169 : i32
      %dma_start3A_171 = arith.constant 0 : i32
      %dma_start3A_172 = tpu.memref_slice %arg14[%add3A_170, %dma_start3A_171] : memref<53376x32xf32, #tpu.memory_space<vmem_shared>> -> memref<128x32xf32, #tpu.memory_space<vmem_shared>>
      %dma_start3A_173 = arith.constant 0 : i32
      %dma_start3A_174 = tpu.memref_slice %arg14[%add3A_170, %dma_start3A_173] : memref<53376x32xf32, #tpu.memory_space<vmem_shared>> -> memref<128x32xf32, #tpu.memory_space<vmem_shared>>
      tpu.enqueue_dma source(%arg12 : memref<128x32xf32, #tpu.memory_space<vmem>>) target(%dma_start3A_174 : memref<128x32xf32, #tpu.memory_space<vmem_shared>>) target_semaphore(%arg17 : memref<!tpu.dma_semaphore, #tpu.memory_space<semaphore_mem>>)
      %mul3A_175 = arith.constant 3328 : i32
      %mul3A_176 = arith.muli %arg1, %mul3A_175 : i32
      %add3A_177 = arith.constant 384 : i32
      %add3A_178 = arith.addi %mul3A_176, %add3A_177 : i32
      %dma_start3A_179 = arith.constant 0 : i32
      %dma_start3A_180 = tpu.memref_slice %arg14[%add3A_178, %dma_start3A_179] : memref<53376x32xf32, #tpu.memory_space<vmem_shared>> -> memref<128x32xf32, #tpu.memory_space<vmem_shared>>
      %dma_start3A_181 = arith.constant 0 : i32
      %dma_start3A_182 = tpu.memref_slice %arg14[%add3A_178, %dma_start3A_181] : memref<53376x32xf32, #tpu.memory_space<vmem_shared>> -> memref<128x32xf32, #tpu.memory_space<vmem_shared>>
      tpu.enqueue_dma source(%arg12 : memref<128x32xf32, #tpu.memory_space<vmem>>) target(%dma_start3A_182 : memref<128x32xf32, #tpu.memory_space<vmem_shared>>) target_semaphore(%arg17 : memref<!tpu.dma_semaphore, #tpu.memory_space<semaphore_mem>>)
      %mul3A_183 = arith.constant 3328 : i32
      %mul3A_184 = arith.muli %arg1, %mul3A_183 : i32
      %add3A_185 = arith.constant 512 : i32
      %add3A_186 = arith.addi %mul3A_184, %add3A_185 : i32
      %dma_start3A_187 = arith.constant 0 : i32
      %dma_start3A_188 = tpu.memref_slice %arg14[%add3A_186, %dma_start3A_187] : memref<53376x32xf32, #tpu.memory_space<vmem_shared>> -> memref<128x32xf32, #tpu.memory_space<vmem_shared>>
      %dma_start3A_189 = arith.constant 0 : i32
      %dma_start3A_190 = tpu.memref_slice %arg14[%add3A_186, %dma_start3A_189] : memref<53376x32xf32, #tpu.memory_space<vmem_shared>> -> memref<128x32xf32, #tpu.memory_space<vmem_shared>>
      tpu.enqueue_dma source(%arg12 : memref<128x32xf32, #tpu.memory_space<vmem>>) target(%dma_start3A_190 : memref<128x32xf32, #tpu.memory_space<vmem_shared>>) target_semaphore(%arg17 : memref<!tpu.dma_semaphore, #tpu.memory_space<semaphore_mem>>)
      %mul3A_191 = arith.constant 3328 : i32
      %mul3A_192 = arith.muli %arg1, %mul3A_191 : i32
      %add3A_193 = arith.constant 640 : i32
      %add3A_194 = arith.addi %mul3A_192, %add3A_193 : i32
      %dma_start3A_195 = arith.constant 0 : i32
      %dma_start3A_196 = tpu.memref_slice %arg14[%add3A_194, %dma_start3A_195] : memref<53376x32xf32, #tpu.memory_space<vmem_shared>> -> memref<128x32xf32, #tpu.memory_space<vmem_shared>>
      %dma_start3A_197 = arith.constant 0 : i32
      %dma_start3A_198 = tpu.memref_slice %arg14[%add3A_194, %dma_start3A_197] : memref<53376x32xf32, #tpu.memory_space<vmem_shared>> -> memref<128x32xf32, #tpu.memory_space<vmem_shared>>
      tpu.enqueue_dma source(%arg12 : memref<128x32xf32, #tpu.memory_space<vmem>>) target(%dma_start3A_198 : memref<128x32xf32, #tpu.memory_space<vmem_shared>>) target_semaphore(%arg17 : memref<!tpu.dma_semaphore, #tpu.memory_space<semaphore_mem>>)
      %mul3A_199 = arith.constant 3328 : i32
      %mul3A_200 = arith.muli %arg1, %mul3A_199 : i32
      %add3A_201 = arith.constant 768 : i32
      %add3A_202 = arith.addi %mul3A_200, %add3A_201 : i32
      %dma_start3A_203 = arith.constant 0 : i32
      %dma_start3A_204 = tpu.memref_slice %arg14[%add3A_202, %dma_start3A_203] : memref<53376x32xf32, #tpu.memory_space<vmem_shared>> -> memref<128x32xf32, #tpu.memory_space<vmem_shared>>
      %dma_start3A_205 = arith.constant 0 : i32
      %dma_start3A_206 = tpu.memref_slice %arg14[%add3A_202, %dma_start3A_205] : memref<53376x32xf32, #tpu.memory_space<vmem_shared>> -> memref<128x32xf32, #tpu.memory_space<vmem_shared>>
      tpu.enqueue_dma source(%arg12 : memref<128x32xf32, #tpu.memory_space<vmem>>) target(%dma_start3A_206 : memref<128x32xf32, #tpu.memory_space<vmem_shared>>) target_semaphore(%arg17 : memref<!tpu.dma_semaphore, #tpu.memory_space<semaphore_mem>>)
      %mul3A_207 = arith.constant 3328 : i32
      %mul3A_208 = arith.muli %arg1, %mul3A_207 : i32
      %add3A_209 = arith.constant 896 : i32
      %add3A_210 = arith.addi %mul3A_208, %add3A_209 : i32
      %dma_start3A_211 = arith.constant 0 : i32
      %dma_start3A_212 = tpu.memref_slice %arg14[%add3A_210, %dma_start3A_211] : memref<53376x32xf32, #tpu.memory_space<vmem_shared>> -> memref<128x32xf32, #tpu.memory_space<vmem_shared>>
      %dma_start3A_213 = arith.constant 0 : i32
      %dma_start3A_214 = tpu.memref_slice %arg14[%add3A_210, %dma_start3A_213] : memref<53376x32xf32, #tpu.memory_space<vmem_shared>> -> memref<128x32xf32, #tpu.memory_space<vmem_shared>>
      tpu.enqueue_dma source(%arg12 : memref<128x32xf32, #tpu.memory_space<vmem>>) target(%dma_start3A_214 : memref<128x32xf32, #tpu.memory_space<vmem_shared>>) target_semaphore(%arg17 : memref<!tpu.dma_semaphore, #tpu.memory_space<semaphore_mem>>)
      %mul3A_215 = arith.constant 3328 : i32
      %mul3A_216 = arith.muli %arg1, %mul3A_215 : i32
      %add3A_217 = arith.constant 1024 : i32
      %add3A_218 = arith.addi %mul3A_216, %add3A_217 : i32
      %dma_start3A_219 = arith.constant 0 : i32
      %dma_start3A_220 = tpu.memref_slice %arg14[%add3A_218, %dma_start3A_219] : memref<53376x32xf32, #tpu.memory_space<vmem_shared>> -> memref<128x32xf32, #tpu.memory_space<vmem_shared>>
      %dma_start3A_221 = arith.constant 0 : i32
      %dma_start3A_222 = tpu.memref_slice %arg14[%add3A_218, %dma_start3A_221] : memref<53376x32xf32, #tpu.memory_space<vmem_shared>> -> memref<128x32xf32, #tpu.memory_space<vmem_shared>>
      tpu.enqueue_dma source(%arg12 : memref<128x32xf32, #tpu.memory_space<vmem>>) target(%dma_start3A_222 : memref<128x32xf32, #tpu.memory_space<vmem_shared>>) target_semaphore(%arg17 : memref<!tpu.dma_semaphore, #tpu.memory_space<semaphore_mem>>)
      %mul3A_223 = arith.constant 3328 : i32
      %mul3A_224 = arith.muli %arg1, %mul3A_223 : i32
      %add3A_225 = arith.constant 1152 : i32
      %add3A_226 = arith.addi %mul3A_224, %add3A_225 : i32
      %dma_start3A_227 = arith.constant 0 : i32
      %dma_start3A_228 = tpu.memref_slice %arg14[%add3A_226, %dma_start3A_227] : memref<53376x32xf32, #tpu.memory_space<vmem_shared>> -> memref<128x32xf32, #tpu.memory_space<vmem_shared>>
      %dma_start3A_229 = arith.constant 0 : i32
      %dma_start3A_230 = tpu.memref_slice %arg14[%add3A_226, %dma_start3A_229] : memref<53376x32xf32, #tpu.memory_space<vmem_shared>> -> memref<128x32xf32, #tpu.memory_space<vmem_shared>>
      tpu.enqueue_dma source(%arg12 : memref<128x32xf32, #tpu.memory_space<vmem>>) target(%dma_start3A_230 : memref<128x32xf32, #tpu.memory_space<vmem_shared>>) target_semaphore(%arg17 : memref<!tpu.dma_semaphore, #tpu.memory_space<semaphore_mem>>)
      %mul3A_231 = arith.constant 3328 : i32
      %mul3A_232 = arith.muli %arg1, %mul3A_231 : i32
      %add3A_233 = arith.constant 1280 : i32
      %add3A_234 = arith.addi %mul3A_232, %add3A_233 : i32
      %dma_start3A_235 = arith.constant 0 : i32
      %dma_start3A_236 = tpu.memref_slice %arg14[%add3A_234, %dma_start3A_235] : memref<53376x32xf32, #tpu.memory_space<vmem_shared>> -> memref<128x32xf32, #tpu.memory_space<vmem_shared>>
      %dma_start3A_237 = arith.constant 0 : i32
      %dma_start3A_238 = tpu.memref_slice %arg14[%add3A_234, %dma_start3A_237] : memref<53376x32xf32, #tpu.memory_space<vmem_shared>> -> memref<128x32xf32, #tpu.memory_space<vmem_shared>>
      tpu.enqueue_dma source(%arg12 : memref<128x32xf32, #tpu.memory_space<vmem>>) target(%dma_start3A_238 : memref<128x32xf32, #tpu.memory_space<vmem_shared>>) target_semaphore(%arg17 : memref<!tpu.dma_semaphore, #tpu.memory_space<semaphore_mem>>)
      %mul3A_239 = arith.constant 3328 : i32
      %mul3A_240 = arith.muli %arg1, %mul3A_239 : i32
      %add3A_241 = arith.constant 1408 : i32
      %add3A_242 = arith.addi %mul3A_240, %add3A_241 : i32
      %dma_start3A_243 = arith.constant 0 : i32
      %dma_start3A_244 = tpu.memref_slice %arg14[%add3A_242, %dma_start3A_243] : memref<53376x32xf32, #tpu.memory_space<vmem_shared>> -> memref<128x32xf32, #tpu.memory_space<vmem_shared>>
      %dma_start3A_245 = arith.constant 0 : i32
      %dma_start3A_246 = tpu.memref_slice %arg14[%add3A_242, %dma_start3A_245] : memref<53376x32xf32, #tpu.memory_space<vmem_shared>> -> memref<128x32xf32, #tpu.memory_space<vmem_shared>>
      tpu.enqueue_dma source(%arg12 : memref<128x32xf32, #tpu.memory_space<vmem>>) target(%dma_start3A_246 : memref<128x32xf32, #tpu.memory_space<vmem_shared>>) target_semaphore(%arg17 : memref<!tpu.dma_semaphore, #tpu.memory_space<semaphore_mem>>)
      %mul3A_247 = arith.constant 3328 : i32
      %mul3A_248 = arith.muli %arg1, %mul3A_247 : i32
      %add3A_249 = arith.constant 1536 : i32
      %add3A_250 = arith.addi %mul3A_248, %add3A_249 : i32
      %dma_start3A_251 = arith.constant 0 : i32
      %dma_start3A_252 = tpu.memref_slice %arg14[%add3A_250, %dma_start3A_251] : memref<53376x32xf32, #tpu.memory_space<vmem_shared>> -> memref<128x32xf32, #tpu.memory_space<vmem_shared>>
      %dma_start3A_253 = arith.constant 0 : i32
      %dma_start3A_254 = tpu.memref_slice %arg14[%add3A_250, %dma_start3A_253] : memref<53376x32xf32, #tpu.memory_space<vmem_shared>> -> memref<128x32xf32, #tpu.memory_space<vmem_shared>>
      tpu.enqueue_dma source(%arg12 : memref<128x32xf32, #tpu.memory_space<vmem>>) target(%dma_start3A_254 : memref<128x32xf32, #tpu.memory_space<vmem_shared>>) target_semaphore(%arg17 : memref<!tpu.dma_semaphore, #tpu.memory_space<semaphore_mem>>)
      %mul3A_255 = arith.constant 3328 : i32
      %mul3A_256 = arith.muli %arg1, %mul3A_255 : i32
      %add3A_257 = arith.constant 1664 : i32
      %add3A_258 = arith.addi %mul3A_256, %add3A_257 : i32
      %dma_start3A_259 = arith.constant 0 : i32
      %dma_start3A_260 = tpu.memref_slice %arg14[%add3A_258, %dma_start3A_259] : memref<53376x32xf32, #tpu.memory_space<vmem_shared>> -> memref<128x32xf32, #tpu.memory_space<vmem_shared>>
      %dma_start3A_261 = arith.constant 0 : i32
      %dma_start3A_262 = tpu.memref_slice %arg14[%add3A_258, %dma_start3A_261] : memref<53376x32xf32, #tpu.memory_space<vmem_shared>> -> memref<128x32xf32, #tpu.memory_space<vmem_shared>>
      tpu.enqueue_dma source(%arg12 : memref<128x32xf32, #tpu.memory_space<vmem>>) target(%dma_start3A_262 : memref<128x32xf32, #tpu.memory_space<vmem_shared>>) target_semaphore(%arg17 : memref<!tpu.dma_semaphore, #tpu.memory_space<semaphore_mem>>)
      %mul3A_263 = arith.constant 3328 : i32
      %mul3A_264 = arith.muli %arg1, %mul3A_263 : i32
      %add3A_265 = arith.constant 1792 : i32
      %add3A_266 = arith.addi %mul3A_264, %add3A_265 : i32
      %dma_start3A_267 = arith.constant 0 : i32
      %dma_start3A_268 = tpu.memref_slice %arg14[%add3A_266, %dma_start3A_267] : memref<53376x32xf32, #tpu.memory_space<vmem_shared>> -> memref<128x32xf32, #tpu.memory_space<vmem_shared>>
      %dma_start3A_269 = arith.constant 0 : i32
      %dma_start3A_270 = tpu.memref_slice %arg14[%add3A_266, %dma_start3A_269] : memref<53376x32xf32, #tpu.memory_space<vmem_shared>> -> memref<128x32xf32, #tpu.memory_space<vmem_shared>>
      tpu.enqueue_dma source(%arg12 : memref<128x32xf32, #tpu.memory_space<vmem>>) target(%dma_start3A_270 : memref<128x32xf32, #tpu.memory_space<vmem_shared>>) target_semaphore(%arg17 : memref<!tpu.dma_semaphore, #tpu.memory_space<semaphore_mem>>)
      %mul3A_271 = arith.constant 3328 : i32
      %mul3A_272 = arith.muli %arg1, %mul3A_271 : i32
      %add3A_273 = arith.constant 1920 : i32
      %add3A_274 = arith.addi %mul3A_272, %add3A_273 : i32
      %dma_start3A_275 = arith.constant 0 : i32
      %dma_start3A_276 = tpu.memref_slice %arg14[%add3A_274, %dma_start3A_275] : memref<53376x32xf32, #tpu.memory_space<vmem_shared>> -> memref<128x32xf32, #tpu.memory_space<vmem_shared>>
      %dma_start3A_277 = arith.constant 0 : i32
      %dma_start3A_278 = tpu.memref_slice %arg14[%add3A_274, %dma_start3A_277] : memref<53376x32xf32, #tpu.memory_space<vmem_shared>> -> memref<128x32xf32, #tpu.memory_space<vmem_shared>>
      tpu.enqueue_dma source(%arg12 : memref<128x32xf32, #tpu.memory_space<vmem>>) target(%dma_start3A_278 : memref<128x32xf32, #tpu.memory_space<vmem_shared>>) target_semaphore(%arg17 : memref<!tpu.dma_semaphore, #tpu.memory_space<semaphore_mem>>)
      %mul3A_279 = arith.constant 3328 : i32
      %mul3A_280 = arith.muli %arg1, %mul3A_279 : i32
      %add3A_281 = arith.constant 2048 : i32
      %add3A_282 = arith.addi %mul3A_280, %add3A_281 : i32
      %dma_start3A_283 = arith.constant 0 : i32
      %dma_start3A_284 = tpu.memref_slice %arg14[%add3A_282, %dma_start3A_283] : memref<53376x32xf32, #tpu.memory_space<vmem_shared>> -> memref<128x32xf32, #tpu.memory_space<vmem_shared>>
      %dma_start3A_285 = arith.constant 0 : i32
      %dma_start3A_286 = tpu.memref_slice %arg14[%add3A_282, %dma_start3A_285] : memref<53376x32xf32, #tpu.memory_space<vmem_shared>> -> memref<128x32xf32, #tpu.memory_space<vmem_shared>>
      tpu.enqueue_dma source(%arg12 : memref<128x32xf32, #tpu.memory_space<vmem>>) target(%dma_start3A_286 : memref<128x32xf32, #tpu.memory_space<vmem_shared>>) target_semaphore(%arg17 : memref<!tpu.dma_semaphore, #tpu.memory_space<semaphore_mem>>)
      %mul3A_287 = arith.constant 3328 : i32
      %mul3A_288 = arith.muli %arg1, %mul3A_287 : i32
      %add3A_289 = arith.constant 2176 : i32
      %add3A_290 = arith.addi %mul3A_288, %add3A_289 : i32
      %dma_start3A_291 = arith.constant 0 : i32
      %dma_start3A_292 = tpu.memref_slice %arg14[%add3A_290, %dma_start3A_291] : memref<53376x32xf32, #tpu.memory_space<vmem_shared>> -> memref<128x32xf32, #tpu.memory_space<vmem_shared>>
      %dma_start3A_293 = arith.constant 0 : i32
      %dma_start3A_294 = tpu.memref_slice %arg14[%add3A_290, %dma_start3A_293] : memref<53376x32xf32, #tpu.memory_space<vmem_shared>> -> memref<128x32xf32, #tpu.memory_space<vmem_shared>>
      tpu.enqueue_dma source(%arg12 : memref<128x32xf32, #tpu.memory_space<vmem>>) target(%dma_start3A_294 : memref<128x32xf32, #tpu.memory_space<vmem_shared>>) target_semaphore(%arg17 : memref<!tpu.dma_semaphore, #tpu.memory_space<semaphore_mem>>)
      %mul3A_295 = arith.constant 3328 : i32
      %mul3A_296 = arith.muli %arg1, %mul3A_295 : i32
      %add3A_297 = arith.constant 2304 : i32
      %add3A_298 = arith.addi %mul3A_296, %add3A_297 : i32
      %dma_start3A_299 = arith.constant 0 : i32
      %dma_start3A_300 = tpu.memref_slice %arg14[%add3A_298, %dma_start3A_299] : memref<53376x32xf32, #tpu.memory_space<vmem_shared>> -> memref<128x32xf32, #tpu.memory_space<vmem_shared>>
      %dma_start3A_301 = arith.constant 0 : i32
      %dma_start3A_302 = tpu.memref_slice %arg14[%add3A_298, %dma_start3A_301] : memref<53376x32xf32, #tpu.memory_space<vmem_shared>> -> memref<128x32xf32, #tpu.memory_space<vmem_shared>>
      tpu.enqueue_dma source(%arg12 : memref<128x32xf32, #tpu.memory_space<vmem>>) target(%dma_start3A_302 : memref<128x32xf32, #tpu.memory_space<vmem_shared>>) target_semaphore(%arg17 : memref<!tpu.dma_semaphore, #tpu.memory_space<semaphore_mem>>)
      %mul3A_303 = arith.constant 3328 : i32
      %mul3A_304 = arith.muli %arg1, %mul3A_303 : i32
      %add3A_305 = arith.constant 2432 : i32
      %add3A_306 = arith.addi %mul3A_304, %add3A_305 : i32
      %dma_start3A_307 = arith.constant 0 : i32
      %dma_start3A_308 = tpu.memref_slice %arg14[%add3A_306, %dma_start3A_307] : memref<53376x32xf32, #tpu.memory_space<vmem_shared>> -> memref<128x32xf32, #tpu.memory_space<vmem_shared>>
      %dma_start3A_309 = arith.constant 0 : i32
      %dma_start3A_310 = tpu.memref_slice %arg14[%add3A_306, %dma_start3A_309] : memref<53376x32xf32, #tpu.memory_space<vmem_shared>> -> memref<128x32xf32, #tpu.memory_space<vmem_shared>>
      tpu.enqueue_dma source(%arg12 : memref<128x32xf32, #tpu.memory_space<vmem>>) target(%dma_start3A_310 : memref<128x32xf32, #tpu.memory_space<vmem_shared>>) target_semaphore(%arg17 : memref<!tpu.dma_semaphore, #tpu.memory_space<semaphore_mem>>)
      %mul3A_311 = arith.constant 3328 : i32
      %mul3A_312 = arith.muli %arg1, %mul3A_311 : i32
      %add3A_313 = arith.constant 2560 : i32
      %add3A_314 = arith.addi %mul3A_312, %add3A_313 : i32
      %dma_start3A_315 = arith.constant 0 : i32
      %dma_start3A_316 = tpu.memref_slice %arg14[%add3A_314, %dma_start3A_315] : memref<53376x32xf32, #tpu.memory_space<vmem_shared>> -> memref<128x32xf32, #tpu.memory_space<vmem_shared>>
      %dma_start3A_317 = arith.constant 0 : i32
      %dma_start3A_318 = tpu.memref_slice %arg14[%add3A_314, %dma_start3A_317] : memref<53376x32xf32, #tpu.memory_space<vmem_shared>> -> memref<128x32xf32, #tpu.memory_space<vmem_shared>>
      tpu.enqueue_dma source(%arg12 : memref<128x32xf32, #tpu.memory_space<vmem>>) target(%dma_start3A_318 : memref<128x32xf32, #tpu.memory_space<vmem_shared>>) target_semaphore(%arg17 : memref<!tpu.dma_semaphore, #tpu.memory_space<semaphore_mem>>)
      %mul3A_319 = arith.constant 3328 : i32
      %mul3A_320 = arith.muli %arg1, %mul3A_319 : i32
      %add3A_321 = arith.constant 2688 : i32
      %add3A_322 = arith.addi %mul3A_320, %add3A_321 : i32
      %dma_start3A_323 = arith.constant 0 : i32
      %dma_start3A_324 = tpu.memref_slice %arg14[%add3A_322, %dma_start3A_323] : memref<53376x32xf32, #tpu.memory_space<vmem_shared>> -> memref<128x32xf32, #tpu.memory_space<vmem_shared>>
      %dma_start3A_325 = arith.constant 0 : i32
      %dma_start3A_326 = tpu.memref_slice %arg14[%add3A_322, %dma_start3A_325] : memref<53376x32xf32, #tpu.memory_space<vmem_shared>> -> memref<128x32xf32, #tpu.memory_space<vmem_shared>>
      tpu.enqueue_dma source(%arg12 : memref<128x32xf32, #tpu.memory_space<vmem>>) target(%dma_start3A_326 : memref<128x32xf32, #tpu.memory_space<vmem_shared>>) target_semaphore(%arg17 : memref<!tpu.dma_semaphore, #tpu.memory_space<semaphore_mem>>)
      %mul3A_327 = arith.constant 3328 : i32
      %mul3A_328 = arith.muli %arg1, %mul3A_327 : i32
      %add3A_329 = arith.constant 2816 : i32
      %add3A_330 = arith.addi %mul3A_328, %add3A_329 : i32
      %dma_start3A_331 = arith.constant 0 : i32
      %dma_start3A_332 = tpu.memref_slice %arg14[%add3A_330, %dma_start3A_331] : memref<53376x32xf32, #tpu.memory_space<vmem_shared>> -> memref<128x32xf32, #tpu.memory_space<vmem_shared>>
      %dma_start3A_333 = arith.constant 0 : i32
      %dma_start3A_334 = tpu.memref_slice %arg14[%add3A_330, %dma_start3A_333] : memref<53376x32xf32, #tpu.memory_space<vmem_shared>> -> memref<128x32xf32, #tpu.memory_space<vmem_shared>>
      tpu.enqueue_dma source(%arg12 : memref<128x32xf32, #tpu.memory_space<vmem>>) target(%dma_start3A_334 : memref<128x32xf32, #tpu.memory_space<vmem_shared>>) target_semaphore(%arg17 : memref<!tpu.dma_semaphore, #tpu.memory_space<semaphore_mem>>)
      %mul3A_335 = arith.constant 3328 : i32
      %mul3A_336 = arith.muli %arg1, %mul3A_335 : i32
      %add3A_337 = arith.constant 2944 : i32
      %add3A_338 = arith.addi %mul3A_336, %add3A_337 : i32
      %dma_start3A_339 = arith.constant 0 : i32
      %dma_start3A_340 = tpu.memref_slice %arg14[%add3A_338, %dma_start3A_339] : memref<53376x32xf32, #tpu.memory_space<vmem_shared>> -> memref<128x32xf32, #tpu.memory_space<vmem_shared>>
      %dma_start3A_341 = arith.constant 0 : i32
      %dma_start3A_342 = tpu.memref_slice %arg14[%add3A_338, %dma_start3A_341] : memref<53376x32xf32, #tpu.memory_space<vmem_shared>> -> memref<128x32xf32, #tpu.memory_space<vmem_shared>>
      tpu.enqueue_dma source(%arg12 : memref<128x32xf32, #tpu.memory_space<vmem>>) target(%dma_start3A_342 : memref<128x32xf32, #tpu.memory_space<vmem_shared>>) target_semaphore(%arg17 : memref<!tpu.dma_semaphore, #tpu.memory_space<semaphore_mem>>)
      %mul3A_343 = arith.constant 3328 : i32
      %mul3A_344 = arith.muli %arg1, %mul3A_343 : i32
      %add3A_345 = arith.constant 3072 : i32
      %add3A_346 = arith.addi %mul3A_344, %add3A_345 : i32
      %dma_start3A_347 = arith.constant 0 : i32
      %dma_start3A_348 = tpu.memref_slice %arg14[%add3A_346, %dma_start3A_347] : memref<53376x32xf32, #tpu.memory_space<vmem_shared>> -> memref<128x32xf32, #tpu.memory_space<vmem_shared>>
      %dma_start3A_349 = arith.constant 0 : i32
      %dma_start3A_350 = tpu.memref_slice %arg14[%add3A_346, %dma_start3A_349] : memref<53376x32xf32, #tpu.memory_space<vmem_shared>> -> memref<128x32xf32, #tpu.memory_space<vmem_shared>>
      tpu.enqueue_dma source(%arg12 : memref<128x32xf32, #tpu.memory_space<vmem>>) target(%dma_start3A_350 : memref<128x32xf32, #tpu.memory_space<vmem_shared>>) target_semaphore(%arg17 : memref<!tpu.dma_semaphore, #tpu.memory_space<semaphore_mem>>)
      %mul3A_351 = arith.constant 3328 : i32
      %mul3A_352 = arith.muli %arg1, %mul3A_351 : i32
      %add3A_353 = arith.constant 3200 : i32
      %add3A_354 = arith.addi %mul3A_352, %add3A_353 : i32
      %dma_start3A_355 = arith.constant 0 : i32
      %dma_start3A_356 = tpu.memref_slice %arg14[%add3A_354, %dma_start3A_355] : memref<53376x32xf32, #tpu.memory_space<vmem_shared>> -> memref<128x32xf32, #tpu.memory_space<vmem_shared>>
      %dma_start3A_357 = arith.constant 0 : i32
      %dma_start3A_358 = tpu.memref_slice %arg14[%add3A_354, %dma_start3A_357] : memref<53376x32xf32, #tpu.memory_space<vmem_shared>> -> memref<128x32xf32, #tpu.memory_space<vmem_shared>>
      tpu.enqueue_dma source(%arg12 : memref<128x32xf32, #tpu.memory_space<vmem>>) target(%dma_start3A_358 : memref<128x32xf32, #tpu.memory_space<vmem_shared>>) target_semaphore(%arg17 : memref<!tpu.dma_semaphore, #tpu.memory_space<semaphore_mem>>)
      %mul3A_359 = arith.constant 1 : i32
      %mul3A_360 = arith.constant 128 : i32
      %mul3A_361 = arith.muli %mul3A_359, %mul3A_360 : i32
      %add3A_362 = arith.addi %mul3A_0, %mul3A_361 : i32
      %dma_start3A_363 = arith.constant 0 : i32
      %dma_start3A_364 = tpu.memref_slice %arg6[%add3A_362, %dma_start3A_363] : memref<200704x32xf32, #tpu.memory_space<hbm>> -> memref<128x32xf32, #tpu.memory_space<hbm>>
      %dma_start3A_365 = arith.constant 0 : i32
      %dma_start3A_366 = tpu.memref_slice %arg6[%add3A_362, %dma_start3A_365] : memref<200704x32xf32, #tpu.memory_space<hbm>> -> memref<128x32xf32, #tpu.memory_space<hbm>>
      tpu.enqueue_dma source(%dma_start3A_366 : memref<128x32xf32, #tpu.memory_space<hbm>>) target(%arg13 : memref<128x32xf32, #tpu.memory_space<vmem>>) target_semaphore(%arg16 : memref<!tpu.dma_semaphore, #tpu.memory_space<semaphore_mem>>)
      %mul3A_367 = arith.constant 3328 : i32
      %mul3A_368 = arith.muli %arg1, %mul3A_367 : i32
      %add3A_369 = arith.constant 0 : i32
      %add3A_370 = arith.addi %mul3A_368, %add3A_369 : i32
      %dma_wait3A = arith.constant 0 : i32
      %dma_wait3A_371 = tpu.memref_slice %arg14[%add3A_370, %dma_wait3A] : memref<53376x32xf32, #tpu.memory_space<vmem_shared>> -> memref<128x32xf32, #tpu.memory_space<vmem_shared>>
      %dma_wait3A_372 = arith.constant 0 : i32
      %dma_wait3A_373 = tpu.memref_slice %arg14[%add3A_370, %dma_wait3A_372] : memref<53376x32xf32, #tpu.memory_space<vmem_shared>> -> memref<128x32xf32, #tpu.memory_space<vmem_shared>>
      tpu.wait_dma2 semaphore(%arg17 : memref<!tpu.dma_semaphore, #tpu.memory_space<semaphore_mem>>) src(%arg12 : memref<128x32xf32, #tpu.memory_space<vmem>>) dst(%dma_wait3A_373 : memref<128x32xf32, #tpu.memory_space<vmem_shared>>)
      %mul3A_374 = arith.constant 3328 : i32
      %mul3A_375 = arith.muli %arg1, %mul3A_374 : i32
      %add3A_376 = arith.constant 128 : i32
      %add3A_377 = arith.addi %mul3A_375, %add3A_376 : i32
      %dma_wait3A_378 = arith.constant 0 : i32
      %dma_wait3A_379 = tpu.memref_slice %arg14[%add3A_377, %dma_wait3A_378] : memref<53376x32xf32, #tpu.memory_space<vmem_shared>> -> memref<128x32xf32, #tpu.memory_space<vmem_shared>>
      %dma_wait3A_380 = arith.constant 0 : i32
      %dma_wait3A_381 = tpu.memref_slice %arg14[%add3A_377, %dma_wait3A_380] : memref<53376x32xf32, #tpu.memory_space<vmem_shared>> -> memref<128x32xf32, #tpu.memory_space<vmem_shared>>
      tpu.wait_dma2 semaphore(%arg17 : memref<!tpu.dma_semaphore, #tpu.memory_space<semaphore_mem>>) src(%arg12 : memref<128x32xf32, #tpu.memory_space<vmem>>) dst(%dma_wait3A_381 : memref<128x32xf32, #tpu.memory_space<vmem_shared>>)
      %mul3A_382 = arith.constant 3328 : i32
      %mul3A_383 = arith.muli %arg1, %mul3A_382 : i32
      %add3A_384 = arith.constant 256 : i32
      %add3A_385 = arith.addi %mul3A_383, %add3A_384 : i32
      %dma_wait3A_386 = arith.constant 0 : i32
      %dma_wait3A_387 = tpu.memref_slice %arg14[%add3A_385, %dma_wait3A_386] : memref<53376x32xf32, #tpu.memory_space<vmem_shared>> -> memref<128x32xf32, #tpu.memory_space<vmem_shared>>
      %dma_wait3A_388 = arith.constant 0 : i32
      %dma_wait3A_389 = tpu.memref_slice %arg14[%add3A_385, %dma_wait3A_388] : memref<53376x32xf32, #tpu.memory_space<vmem_shared>> -> memref<128x32xf32, #tpu.memory_space<vmem_shared>>
      tpu.wait_dma2 semaphore(%arg17 : memref<!tpu.dma_semaphore, #tpu.memory_space<semaphore_mem>>) src(%arg12 : memref<128x32xf32, #tpu.memory_space<vmem>>) dst(%dma_wait3A_389 : memref<128x32xf32, #tpu.memory_space<vmem_shared>>)
      %mul3A_390 = arith.constant 3328 : i32
      %mul3A_391 = arith.muli %arg1, %mul3A_390 : i32
      %add3A_392 = arith.constant 384 : i32
      %add3A_393 = arith.addi %mul3A_391, %add3A_392 : i32
      %dma_wait3A_394 = arith.constant 0 : i32
      %dma_wait3A_395 = tpu.memref_slice %arg14[%add3A_393, %dma_wait3A_394] : memref<53376x32xf32, #tpu.memory_space<vmem_shared>> -> memref<128x32xf32, #tpu.memory_space<vmem_shared>>
      %dma_wait3A_396 = arith.constant 0 : i32
      %dma_wait3A_397 = tpu.memref_slice %arg14[%add3A_393, %dma_wait3A_396] : memref<53376x32xf32, #tpu.memory_space<vmem_shared>> -> memref<128x32xf32, #tpu.memory_space<vmem_shared>>
      tpu.wait_dma2 semaphore(%arg17 : memref<!tpu.dma_semaphore, #tpu.memory_space<semaphore_mem>>) src(%arg12 : memref<128x32xf32, #tpu.memory_space<vmem>>) dst(%dma_wait3A_397 : memref<128x32xf32, #tpu.memory_space<vmem_shared>>)
      %mul3A_398 = arith.constant 3328 : i32
      %mul3A_399 = arith.muli %arg1, %mul3A_398 : i32
      %add3A_400 = arith.constant 512 : i32
      %add3A_401 = arith.addi %mul3A_399, %add3A_400 : i32
      %dma_wait3A_402 = arith.constant 0 : i32
      %dma_wait3A_403 = tpu.memref_slice %arg14[%add3A_401, %dma_wait3A_402] : memref<53376x32xf32, #tpu.memory_space<vmem_shared>> -> memref<128x32xf32, #tpu.memory_space<vmem_shared>>
      %dma_wait3A_404 = arith.constant 0 : i32
      %dma_wait3A_405 = tpu.memref_slice %arg14[%add3A_401, %dma_wait3A_404] : memref<53376x32xf32, #tpu.memory_space<vmem_shared>> -> memref<128x32xf32, #tpu.memory_space<vmem_shared>>
      tpu.wait_dma2 semaphore(%arg17 : memref<!tpu.dma_semaphore, #tpu.memory_space<semaphore_mem>>) src(%arg12 : memref<128x32xf32, #tpu.memory_space<vmem>>) dst(%dma_wait3A_405 : memref<128x32xf32, #tpu.memory_space<vmem_shared>>)
      %mul3A_406 = arith.constant 3328 : i32
      %mul3A_407 = arith.muli %arg1, %mul3A_406 : i32
      %add3A_408 = arith.constant 640 : i32
      %add3A_409 = arith.addi %mul3A_407, %add3A_408 : i32
      %dma_wait3A_410 = arith.constant 0 : i32
      %dma_wait3A_411 = tpu.memref_slice %arg14[%add3A_409, %dma_wait3A_410] : memref<53376x32xf32, #tpu.memory_space<vmem_shared>> -> memref<128x32xf32, #tpu.memory_space<vmem_shared>>
      %dma_wait3A_412 = arith.constant 0 : i32
      %dma_wait3A_413 = tpu.memref_slice %arg14[%add3A_409, %dma_wait3A_412] : memref<53376x32xf32, #tpu.memory_space<vmem_shared>> -> memref<128x32xf32, #tpu.memory_space<vmem_shared>>
      tpu.wait_dma2 semaphore(%arg17 : memref<!tpu.dma_semaphore, #tpu.memory_space<semaphore_mem>>) src(%arg12 : memref<128x32xf32, #tpu.memory_space<vmem>>) dst(%dma_wait3A_413 : memref<128x32xf32, #tpu.memory_space<vmem_shared>>)
      %mul3A_414 = arith.constant 3328 : i32
      %mul3A_415 = arith.muli %arg1, %mul3A_414 : i32
      %add3A_416 = arith.constant 768 : i32
      %add3A_417 = arith.addi %mul3A_415, %add3A_416 : i32
      %dma_wait3A_418 = arith.constant 0 : i32
      %dma_wait3A_419 = tpu.memref_slice %arg14[%add3A_417, %dma_wait3A_418] : memref<53376x32xf32, #tpu.memory_space<vmem_shared>> -> memref<128x32xf32, #tpu.memory_space<vmem_shared>>
      %dma_wait3A_420 = arith.constant 0 : i32
      %dma_wait3A_421 = tpu.memref_slice %arg14[%add3A_417, %dma_wait3A_420] : memref<53376x32xf32, #tpu.memory_space<vmem_shared>> -> memref<128x32xf32, #tpu.memory_space<vmem_shared>>
      tpu.wait_dma2 semaphore(%arg17 : memref<!tpu.dma_semaphore, #tpu.memory_space<semaphore_mem>>) src(%arg12 : memref<128x32xf32, #tpu.memory_space<vmem>>) dst(%dma_wait3A_421 : memref<128x32xf32, #tpu.memory_space<vmem_shared>>)
      %mul3A_422 = arith.constant 3328 : i32
      %mul3A_423 = arith.muli %arg1, %mul3A_422 : i32
      %add3A_424 = arith.constant 896 : i32
      %add3A_425 = arith.addi %mul3A_423, %add3A_424 : i32
      %dma_wait3A_426 = arith.constant 0 : i32
      %dma_wait3A_427 = tpu.memref_slice %arg14[%add3A_425, %dma_wait3A_426] : memref<53376x32xf32, #tpu.memory_space<vmem_shared>> -> memref<128x32xf32, #tpu.memory_space<vmem_shared>>
      %dma_wait3A_428 = arith.constant 0 : i32
      %dma_wait3A_429 = tpu.memref_slice %arg14[%add3A_425, %dma_wait3A_428] : memref<53376x32xf32, #tpu.memory_space<vmem_shared>> -> memref<128x32xf32, #tpu.memory_space<vmem_shared>>
      tpu.wait_dma2 semaphore(%arg17 : memref<!tpu.dma_semaphore, #tpu.memory_space<semaphore_mem>>) src(%arg12 : memref<128x32xf32, #tpu.memory_space<vmem>>) dst(%dma_wait3A_429 : memref<128x32xf32, #tpu.memory_space<vmem_shared>>)
      %mul3A_430 = arith.constant 3328 : i32
      %mul3A_431 = arith.muli %arg1, %mul3A_430 : i32
      %add3A_432 = arith.constant 1024 : i32
      %add3A_433 = arith.addi %mul3A_431, %add3A_432 : i32
      %dma_wait3A_434 = arith.constant 0 : i32
      %dma_wait3A_435 = tpu.memref_slice %arg14[%add3A_433, %dma_wait3A_434] : memref<53376x32xf32, #tpu.memory_space<vmem_shared>> -> memref<128x32xf32, #tpu.memory_space<vmem_shared>>
      %dma_wait3A_436 = arith.constant 0 : i32
      %dma_wait3A_437 = tpu.memref_slice %arg14[%add3A_433, %dma_wait3A_436] : memref<53376x32xf32, #tpu.memory_space<vmem_shared>> -> memref<128x32xf32, #tpu.memory_space<vmem_shared>>
      tpu.wait_dma2 semaphore(%arg17 : memref<!tpu.dma_semaphore, #tpu.memory_space<semaphore_mem>>) src(%arg12 : memref<128x32xf32, #tpu.memory_space<vmem>>) dst(%dma_wait3A_437 : memref<128x32xf32, #tpu.memory_space<vmem_shared>>)
      %mul3A_438 = arith.constant 3328 : i32
      %mul3A_439 = arith.muli %arg1, %mul3A_438 : i32
      %add3A_440 = arith.constant 1152 : i32
      %add3A_441 = arith.addi %mul3A_439, %add3A_440 : i32
      %dma_wait3A_442 = arith.constant 0 : i32
      %dma_wait3A_443 = tpu.memref_slice %arg14[%add3A_441, %dma_wait3A_442] : memref<53376x32xf32, #tpu.memory_space<vmem_shared>> -> memref<128x32xf32, #tpu.memory_space<vmem_shared>>
      %dma_wait3A_444 = arith.constant 0 : i32
      %dma_wait3A_445 = tpu.memref_slice %arg14[%add3A_441, %dma_wait3A_444] : memref<53376x32xf32, #tpu.memory_space<vmem_shared>> -> memref<128x32xf32, #tpu.memory_space<vmem_shared>>
      tpu.wait_dma2 semaphore(%arg17 : memref<!tpu.dma_semaphore, #tpu.memory_space<semaphore_mem>>) src(%arg12 : memref<128x32xf32, #tpu.memory_space<vmem>>) dst(%dma_wait3A_445 : memref<128x32xf32, #tpu.memory_space<vmem_shared>>)
      %mul3A_446 = arith.constant 3328 : i32
      %mul3A_447 = arith.muli %arg1, %mul3A_446 : i32
      %add3A_448 = arith.constant 1280 : i32
      %add3A_449 = arith.addi %mul3A_447, %add3A_448 : i32
      %dma_wait3A_450 = arith.constant 0 : i32
      %dma_wait3A_451 = tpu.memref_slice %arg14[%add3A_449, %dma_wait3A_450] : memref<53376x32xf32, #tpu.memory_space<vmem_shared>> -> memref<128x32xf32, #tpu.memory_space<vmem_shared>>
      %dma_wait3A_452 = arith.constant 0 : i32
      %dma_wait3A_453 = tpu.memref_slice %arg14[%add3A_449, %dma_wait3A_452] : memref<53376x32xf32, #tpu.memory_space<vmem_shared>> -> memref<128x32xf32, #tpu.memory_space<vmem_shared>>
      tpu.wait_dma2 semaphore(%arg17 : memref<!tpu.dma_semaphore, #tpu.memory_space<semaphore_mem>>) src(%arg12 : memref<128x32xf32, #tpu.memory_space<vmem>>) dst(%dma_wait3A_453 : memref<128x32xf32, #tpu.memory_space<vmem_shared>>)
      %mul3A_454 = arith.constant 3328 : i32
      %mul3A_455 = arith.muli %arg1, %mul3A_454 : i32
      %add3A_456 = arith.constant 1408 : i32
      %add3A_457 = arith.addi %mul3A_455, %add3A_456 : i32
      %dma_wait3A_458 = arith.constant 0 : i32
      %dma_wait3A_459 = tpu.memref_slice %arg14[%add3A_457, %dma_wait3A_458] : memref<53376x32xf32, #tpu.memory_space<vmem_shared>> -> memref<128x32xf32, #tpu.memory_space<vmem_shared>>
      %dma_wait3A_460 = arith.constant 0 : i32
      %dma_wait3A_461 = tpu.memref_slice %arg14[%add3A_457, %dma_wait3A_460] : memref<53376x32xf32, #tpu.memory_space<vmem_shared>> -> memref<128x32xf32, #tpu.memory_space<vmem_shared>>
      tpu.wait_dma2 semaphore(%arg17 : memref<!tpu.dma_semaphore, #tpu.memory_space<semaphore_mem>>) src(%arg12 : memref<128x32xf32, #tpu.memory_space<vmem>>) dst(%dma_wait3A_461 : memref<128x32xf32, #tpu.memory_space<vmem_shared>>)
      %mul3A_462 = arith.constant 3328 : i32
      %mul3A_463 = arith.muli %arg1, %mul3A_462 : i32
      %add3A_464 = arith.constant 1536 : i32
      %add3A_465 = arith.addi %mul3A_463, %add3A_464 : i32
      %dma_wait3A_466 = arith.constant 0 : i32
      %dma_wait3A_467 = tpu.memref_slice %arg14[%add3A_465, %dma_wait3A_466] : memref<53376x32xf32, #tpu.memory_space<vmem_shared>> -> memref<128x32xf32, #tpu.memory_space<vmem_shared>>
      %dma_wait3A_468 = arith.constant 0 : i32
      %dma_wait3A_469 = tpu.memref_slice %arg14[%add3A_465, %dma_wait3A_468] : memref<53376x32xf32, #tpu.memory_space<vmem_shared>> -> memref<128x32xf32, #tpu.memory_space<vmem_shared>>
      tpu.wait_dma2 semaphore(%arg17 : memref<!tpu.dma_semaphore, #tpu.memory_space<semaphore_mem>>) src(%arg12 : memref<128x32xf32, #tpu.memory_space<vmem>>) dst(%dma_wait3A_469 : memref<128x32xf32, #tpu.memory_space<vmem_shared>>)
      %mul3A_470 = arith.constant 3328 : i32
      %mul3A_471 = arith.muli %arg1, %mul3A_470 : i32
      %add3A_472 = arith.constant 1664 : i32
      %add3A_473 = arith.addi %mul3A_471, %add3A_472 : i32
      %dma_wait3A_474 = arith.constant 0 : i32
      %dma_wait3A_475 = tpu.memref_slice %arg14[%add3A_473, %dma_wait3A_474] : memref<53376x32xf32, #tpu.memory_space<vmem_shared>> -> memref<128x32xf32, #tpu.memory_space<vmem_shared>>
      %dma_wait3A_476 = arith.constant 0 : i32
      %dma_wait3A_477 = tpu.memref_slice %arg14[%add3A_473, %dma_wait3A_476] : memref<53376x32xf32, #tpu.memory_space<vmem_shared>> -> memref<128x32xf32, #tpu.memory_space<vmem_shared>>
      tpu.wait_dma2 semaphore(%arg17 : memref<!tpu.dma_semaphore, #tpu.memory_space<semaphore_mem>>) src(%arg12 : memref<128x32xf32, #tpu.memory_space<vmem>>) dst(%dma_wait3A_477 : memref<128x32xf32, #tpu.memory_space<vmem_shared>>)
      %mul3A_478 = arith.constant 3328 : i32
      %mul3A_479 = arith.muli %arg1, %mul3A_478 : i32
      %add3A_480 = arith.constant 1792 : i32
      %add3A_481 = arith.addi %mul3A_479, %add3A_480 : i32
      %dma_wait3A_482 = arith.constant 0 : i32
      %dma_wait3A_483 = tpu.memref_slice %arg14[%add3A_481, %dma_wait3A_482] : memref<53376x32xf32, #tpu.memory_space<vmem_shared>> -> memref<128x32xf32, #tpu.memory_space<vmem_shared>>
      %dma_wait3A_484 = arith.constant 0 : i32
      %dma_wait3A_485 = tpu.memref_slice %arg14[%add3A_481, %dma_wait3A_484] : memref<53376x32xf32, #tpu.memory_space<vmem_shared>> -> memref<128x32xf32, #tpu.memory_space<vmem_shared>>
      tpu.wait_dma2 semaphore(%arg17 : memref<!tpu.dma_semaphore, #tpu.memory_space<semaphore_mem>>) src(%arg12 : memref<128x32xf32, #tpu.memory_space<vmem>>) dst(%dma_wait3A_485 : memref<128x32xf32, #tpu.memory_space<vmem_shared>>)
      %mul3A_486 = arith.constant 3328 : i32
      %mul3A_487 = arith.muli %arg1, %mul3A_486 : i32
      %add3A_488 = arith.constant 1920 : i32
      %add3A_489 = arith.addi %mul3A_487, %add3A_488 : i32
      %dma_wait3A_490 = arith.constant 0 : i32
      %dma_wait3A_491 = tpu.memref_slice %arg14[%add3A_489, %dma_wait3A_490] : memref<53376x32xf32, #tpu.memory_space<vmem_shared>> -> memref<128x32xf32, #tpu.memory_space<vmem_shared>>
      %dma_wait3A_492 = arith.constant 0 : i32
      %dma_wait3A_493 = tpu.memref_slice %arg14[%add3A_489, %dma_wait3A_492] : memref<53376x32xf32, #tpu.memory_space<vmem_shared>> -> memref<128x32xf32, #tpu.memory_space<vmem_shared>>
      tpu.wait_dma2 semaphore(%arg17 : memref<!tpu.dma_semaphore, #tpu.memory_space<semaphore_mem>>) src(%arg12 : memref<128x32xf32, #tpu.memory_space<vmem>>) dst(%dma_wait3A_493 : memref<128x32xf32, #tpu.memory_space<vmem_shared>>)
      %mul3A_494 = arith.constant 3328 : i32
      %mul3A_495 = arith.muli %arg1, %mul3A_494 : i32
      %add3A_496 = arith.constant 2048 : i32
      %add3A_497 = arith.addi %mul3A_495, %add3A_496 : i32
      %dma_wait3A_498 = arith.constant 0 : i32
      %dma_wait3A_499 = tpu.memref_slice %arg14[%add3A_497, %dma_wait3A_498] : memref<53376x32xf32, #tpu.memory_space<vmem_shared>> -> memref<128x32xf32, #tpu.memory_space<vmem_shared>>
      %dma_wait3A_500 = arith.constant 0 : i32
      %dma_wait3A_501 = tpu.memref_slice %arg14[%add3A_497, %dma_wait3A_500] : memref<53376x32xf32, #tpu.memory_space<vmem_shared>> -> memref<128x32xf32, #tpu.memory_space<vmem_shared>>
      tpu.wait_dma2 semaphore(%arg17 : memref<!tpu.dma_semaphore, #tpu.memory_space<semaphore_mem>>) src(%arg12 : memref<128x32xf32, #tpu.memory_space<vmem>>) dst(%dma_wait3A_501 : memref<128x32xf32, #tpu.memory_space<vmem_shared>>)
      %mul3A_502 = arith.constant 3328 : i32
      %mul3A_503 = arith.muli %arg1, %mul3A_502 : i32
      %add3A_504 = arith.constant 2176 : i32
      %add3A_505 = arith.addi %mul3A_503, %add3A_504 : i32
      %dma_wait3A_506 = arith.constant 0 : i32
      %dma_wait3A_507 = tpu.memref_slice %arg14[%add3A_505, %dma_wait3A_506] : memref<53376x32xf32, #tpu.memory_space<vmem_shared>> -> memref<128x32xf32, #tpu.memory_space<vmem_shared>>
      %dma_wait3A_508 = arith.constant 0 : i32
      %dma_wait3A_509 = tpu.memref_slice %arg14[%add3A_505, %dma_wait3A_508] : memref<53376x32xf32, #tpu.memory_space<vmem_shared>> -> memref<128x32xf32, #tpu.memory_space<vmem_shared>>
      tpu.wait_dma2 semaphore(%arg17 : memref<!tpu.dma_semaphore, #tpu.memory_space<semaphore_mem>>) src(%arg12 : memref<128x32xf32, #tpu.memory_space<vmem>>) dst(%dma_wait3A_509 : memref<128x32xf32, #tpu.memory_space<vmem_shared>>)
      %mul3A_510 = arith.constant 3328 : i32
      %mul3A_511 = arith.muli %arg1, %mul3A_510 : i32
      %add3A_512 = arith.constant 2304 : i32
      %add3A_513 = arith.addi %mul3A_511, %add3A_512 : i32
      %dma_wait3A_514 = arith.constant 0 : i32
      %dma_wait3A_515 = tpu.memref_slice %arg14[%add3A_513, %dma_wait3A_514] : memref<53376x32xf32, #tpu.memory_space<vmem_shared>> -> memref<128x32xf32, #tpu.memory_space<vmem_shared>>
      %dma_wait3A_516 = arith.constant 0 : i32
      %dma_wait3A_517 = tpu.memref_slice %arg14[%add3A_513, %dma_wait3A_516] : memref<53376x32xf32, #tpu.memory_space<vmem_shared>> -> memref<128x32xf32, #tpu.memory_space<vmem_shared>>
      tpu.wait_dma2 semaphore(%arg17 : memref<!tpu.dma_semaphore, #tpu.memory_space<semaphore_mem>>) src(%arg12 : memref<128x32xf32, #tpu.memory_space<vmem>>) dst(%dma_wait3A_517 : memref<128x32xf32, #tpu.memory_space<vmem_shared>>)
      %mul3A_518 = arith.constant 3328 : i32
      %mul3A_519 = arith.muli %arg1, %mul3A_518 : i32
      %add3A_520 = arith.constant 2432 : i32
      %add3A_521 = arith.addi %mul3A_519, %add3A_520 : i32
      %dma_wait3A_522 = arith.constant 0 : i32
      %dma_wait3A_523 = tpu.memref_slice %arg14[%add3A_521, %dma_wait3A_522] : memref<53376x32xf32, #tpu.memory_space<vmem_shared>> -> memref<128x32xf32, #tpu.memory_space<vmem_shared>>
      %dma_wait3A_524 = arith.constant 0 : i32
      %dma_wait3A_525 = tpu.memref_slice %arg14[%add3A_521, %dma_wait3A_524] : memref<53376x32xf32, #tpu.memory_space<vmem_shared>> -> memref<128x32xf32, #tpu.memory_space<vmem_shared>>
      tpu.wait_dma2 semaphore(%arg17 : memref<!tpu.dma_semaphore, #tpu.memory_space<semaphore_mem>>) src(%arg12 : memref<128x32xf32, #tpu.memory_space<vmem>>) dst(%dma_wait3A_525 : memref<128x32xf32, #tpu.memory_space<vmem_shared>>)
      %mul3A_526 = arith.constant 3328 : i32
      %mul3A_527 = arith.muli %arg1, %mul3A_526 : i32
      %add3A_528 = arith.constant 2560 : i32
      %add3A_529 = arith.addi %mul3A_527, %add3A_528 : i32
      %dma_wait3A_530 = arith.constant 0 : i32
      %dma_wait3A_531 = tpu.memref_slice %arg14[%add3A_529, %dma_wait3A_530] : memref<53376x32xf32, #tpu.memory_space<vmem_shared>> -> memref<128x32xf32, #tpu.memory_space<vmem_shared>>
      %dma_wait3A_532 = arith.constant 0 : i32
      %dma_wait3A_533 = tpu.memref_slice %arg14[%add3A_529, %dma_wait3A_532] : memref<53376x32xf32, #tpu.memory_space<vmem_shared>> -> memref<128x32xf32, #tpu.memory_space<vmem_shared>>
      tpu.wait_dma2 semaphore(%arg17 : memref<!tpu.dma_semaphore, #tpu.memory_space<semaphore_mem>>) src(%arg12 : memref<128x32xf32, #tpu.memory_space<vmem>>) dst(%dma_wait3A_533 : memref<128x32xf32, #tpu.memory_space<vmem_shared>>)
      %mul3A_534 = arith.constant 3328 : i32
      %mul3A_535 = arith.muli %arg1, %mul3A_534 : i32
      %add3A_536 = arith.constant 2688 : i32
      %add3A_537 = arith.addi %mul3A_535, %add3A_536 : i32
      %dma_wait3A_538 = arith.constant 0 : i32
      %dma_wait3A_539 = tpu.memref_slice %arg14[%add3A_537, %dma_wait3A_538] : memref<53376x32xf32, #tpu.memory_space<vmem_shared>> -> memref<128x32xf32, #tpu.memory_space<vmem_shared>>
      %dma_wait3A_540 = arith.constant 0 : i32
      %dma_wait3A_541 = tpu.memref_slice %arg14[%add3A_537, %dma_wait3A_540] : memref<53376x32xf32, #tpu.memory_space<vmem_shared>> -> memref<128x32xf32, #tpu.memory_space<vmem_shared>>
      tpu.wait_dma2 semaphore(%arg17 : memref<!tpu.dma_semaphore, #tpu.memory_space<semaphore_mem>>) src(%arg12 : memref<128x32xf32, #tpu.memory_space<vmem>>) dst(%dma_wait3A_541 : memref<128x32xf32, #tpu.memory_space<vmem_shared>>)
      %mul3A_542 = arith.constant 3328 : i32
      %mul3A_543 = arith.muli %arg1, %mul3A_542 : i32
      %add3A_544 = arith.constant 2816 : i32
      %add3A_545 = arith.addi %mul3A_543, %add3A_544 : i32
      %dma_wait3A_546 = arith.constant 0 : i32
      %dma_wait3A_547 = tpu.memref_slice %arg14[%add3A_545, %dma_wait3A_546] : memref<53376x32xf32, #tpu.memory_space<vmem_shared>> -> memref<128x32xf32, #tpu.memory_space<vmem_shared>>
      %dma_wait3A_548 = arith.constant 0 : i32
      %dma_wait3A_549 = tpu.memref_slice %arg14[%add3A_545, %dma_wait3A_548] : memref<53376x32xf32, #tpu.memory_space<vmem_shared>> -> memref<128x32xf32, #tpu.memory_space<vmem_shared>>
      tpu.wait_dma2 semaphore(%arg17 : memref<!tpu.dma_semaphore, #tpu.memory_space<semaphore_mem>>) src(%arg12 : memref<128x32xf32, #tpu.memory_space<vmem>>) dst(%dma_wait3A_549 : memref<128x32xf32, #tpu.memory_space<vmem_shared>>)
      %mul3A_550 = arith.constant 3328 : i32
      %mul3A_551 = arith.muli %arg1, %mul3A_550 : i32
      %add3A_552 = arith.constant 2944 : i32
      %add3A_553 = arith.addi %mul3A_551, %add3A_552 : i32
      %dma_wait3A_554 = arith.constant 0 : i32
      %dma_wait3A_555 = tpu.memref_slice %arg14[%add3A_553, %dma_wait3A_554] : memref<53376x32xf32, #tpu.memory_space<vmem_shared>> -> memref<128x32xf32, #tpu.memory_space<vmem_shared>>
      %dma_wait3A_556 = arith.constant 0 : i32
      %dma_wait3A_557 = tpu.memref_slice %arg14[%add3A_553, %dma_wait3A_556] : memref<53376x32xf32, #tpu.memory_space<vmem_shared>> -> memref<128x32xf32, #tpu.memory_space<vmem_shared>>
      tpu.wait_dma2 semaphore(%arg17 : memref<!tpu.dma_semaphore, #tpu.memory_space<semaphore_mem>>) src(%arg12 : memref<128x32xf32, #tpu.memory_space<vmem>>) dst(%dma_wait3A_557 : memref<128x32xf32, #tpu.memory_space<vmem_shared>>)
      %mul3A_558 = arith.constant 3328 : i32
      %mul3A_559 = arith.muli %arg1, %mul3A_558 : i32
      %add3A_560 = arith.constant 3072 : i32
      %add3A_561 = arith.addi %mul3A_559, %add3A_560 : i32
      %dma_wait3A_562 = arith.constant 0 : i32
      %dma_wait3A_563 = tpu.memref_slice %arg14[%add3A_561, %dma_wait3A_562] : memref<53376x32xf32, #tpu.memory_space<vmem_shared>> -> memref<128x32xf32, #tpu.memory_space<vmem_shared>>
      %dma_wait3A_564 = arith.constant 0 : i32
      %dma_wait3A_565 = tpu.memref_slice %arg14[%add3A_561, %dma_wait3A_564] : memref<53376x32xf32, #tpu.memory_space<vmem_shared>> -> memref<128x32xf32, #tpu.memory_space<vmem_shared>>
      tpu.wait_dma2 semaphore(%arg17 : memref<!tpu.dma_semaphore, #tpu.memory_space<semaphore_mem>>) src(%arg12 : memref<128x32xf32, #tpu.memory_space<vmem>>) dst(%dma_wait3A_565 : memref<128x32xf32, #tpu.memory_space<vmem_shared>>)
      %mul3A_566 = arith.constant 3328 : i32
      %mul3A_567 = arith.muli %arg1, %mul3A_566 : i32
      %add3A_568 = arith.constant 3200 : i32
      %add3A_569 = arith.addi %mul3A_567, %add3A_568 : i32
      %dma_wait3A_570 = arith.constant 0 : i32
      %dma_wait3A_571 = tpu.memref_slice %arg14[%add3A_569, %dma_wait3A_570] : memref<53376x32xf32, #tpu.memory_space<vmem_shared>> -> memref<128x32xf32, #tpu.memory_space<vmem_shared>>
      %dma_wait3A_572 = arith.constant 0 : i32
      %dma_wait3A_573 = tpu.memref_slice %arg14[%add3A_569, %dma_wait3A_572] : memref<53376x32xf32, #tpu.memory_space<vmem_shared>> -> memref<128x32xf32, #tpu.memory_space<vmem_shared>>
      tpu.wait_dma2 semaphore(%arg17 : memref<!tpu.dma_semaphore, #tpu.memory_space<semaphore_mem>>) src(%arg12 : memref<128x32xf32, #tpu.memory_space<vmem>>) dst(%dma_wait3A_573 : memref<128x32xf32, #tpu.memory_space<vmem_shared>>)
      %barrier3A = arith.constant 0 : index
      tpu.barrier barrier_id(%barrier3A)
      %mul3A_574 = arith.constant 0 : i32
      %mul3A_575 = arith.constant 128 : i32
      %mul3A_576 = arith.muli %mul3A_574, %mul3A_575 : i32
      %add3A_577 = arith.addi %mul3A_0, %mul3A_576 : i32
      %dma_start3A_578 = arith.constant 0 : i32
      %dma_start3A_579 = tpu.memref_slice %arg6[%add3A_577, %dma_start3A_578] : memref<200704x32xf32, #tpu.memory_space<hbm>> -> memref<128x32xf32, #tpu.memory_space<hbm>>
      %dma_start3A_580 = arith.constant 0 : i32
      %dma_start3A_581 = tpu.memref_slice %arg6[%add3A_577, %dma_start3A_580] : memref<200704x32xf32, #tpu.memory_space<hbm>> -> memref<128x32xf32, #tpu.memory_space<hbm>>
      tpu.enqueue_dma source(%dma_start3A_581 : memref<128x32xf32, #tpu.memory_space<hbm>>) target(%arg12 : memref<128x32xf32, #tpu.memory_space<vmem>>) target_semaphore(%arg15 : memref<!tpu.dma_semaphore, #tpu.memory_space<semaphore_mem>>)
      %scan3A_582 = arith.constant 0 : i32
      %scan3A_583 = arith.constant 0 : i32
      %scan3A_584 = arith.constant 48 : i32
      %scan3A_585 = arith.addi %scan3A_583, %scan3A_584 : i32
      %scan3A_586 = arith.constant 1 : i32
      scf.for %scan3A_933 = %scan3A_583 to %scan3A_585 step %scan3A_586  : i32 {
        %mul3A_934 = arith.constant 2 : i32
        %mul3A_935 = arith.muli %mul3A_934, %scan3A_933 : i32
        %mul3A_936 = arith.constant 2 : i32
        %mul3A_937 = arith.muli %mul3A_936, %scan3A_933 : i32
        %add3A_938 = arith.constant 1 : i32
        %add3A_939 = arith.addi %mul3A_937, %add3A_938 : i32
        %mul3A_940 = arith.constant 128 : i32
        %mul3A_941 = arith.muli %mul3A_935, %mul3A_940 : i32
        %add3A_942 = arith.constant 0 : i32
        %add3A_943 = arith.addi %mul3A_941, %add3A_942 : i32
        %get3A_944 = arith.index_cast %add3A_943 : i32 to index
        %get3A_945 = tpu.vector_load %arg8[%get3A_944] {strides = array<i32>} : memref<12544xi32, #tpu.memory_space<vmem>>, vector<16xi32>,
        %ge3A_946 = vector.broadcast %mul3A_141 : i32 to vector<16xi32>
        %ge3A_947 = arith.cmpi sge, %get3A_945, %ge3A_946 : vector<16xi32>
        %add3A_948 = arith.constant 53248 : i32
        %add3A_949 = arith.addi %mul3A_141, %add3A_948 : i32
        %lt3A_950 = vector.broadcast %add3A_949 : i32 to vector<16xi32>
        %lt3A_951 = arith.cmpi slt, %get3A_945, %lt3A_950 : vector<16xi32>
        %and3A_952 = arith.andi %ge3A_947, %lt3A_951 : vector<16xi1>
        %iota3A_953 = tpu.iota {dimensions = array<i32: 0>} : vector<16xi32>
        %add3A_954 = arith.constant 53248 : i32
        %add3A_955 = vector.broadcast %add3A_954 : i32 to vector<16xi32>
        %add3A_956 = arith.addi %add3A_955, %iota3A_953 : vector<16xi32>
        %sub3A_957 = vector.broadcast %mul3A_141 : i32 to vector<16xi32>
        %sub3A_958 = arith.subi %get3A_945, %sub3A_957 : vector<16xi32>
        %select_n3A_959 = arith.select %and3A_952, %sub3A_958, %add3A_956 : vector<16xi1>, vector<16xi32>
        %swap3A_960 = arith.constant 0 : index
        %swap3A_961 = tpu.vector_load %arg10[%swap3A_960] {strides = array<i32>} : memref<128xi32, #tpu.memory_space<vmem>>, vector<16xi32>,
        tpu.vector_store %arg10[%swap3A_960], %select_n3A_959 {strides = array<i32>} : memref<128xi32, #tpu.memory_space<vmem>>, vector<16xi32>,
        %add3A_962 = arith.constant 16 : i32
        %add3A_963 = arith.addi %mul3A_941, %add3A_962 : i32
        %get3A_964 = arith.index_cast %add3A_963 : i32 to index
        %get3A_965 = tpu.vector_load %arg8[%get3A_964] {strides = array<i32>} : memref<12544xi32, #tpu.memory_space<vmem>>, vector<16xi32>,
        %ge3A_966 = vector.broadcast %mul3A_141 : i32 to vector<16xi32>
        %ge3A_967 = arith.cmpi sge, %get3A_965, %ge3A_966 : vector<16xi32>
        %add3A_968 = arith.constant 53248 : i32
        %add3A_969 = arith.addi %mul3A_141, %add3A_968 : i32
        %lt3A_970 = vector.broadcast %add3A_969 : i32 to vector<16xi32>
        %lt3A_971 = arith.cmpi slt, %get3A_965, %lt3A_970 : vector<16xi32>
        %and3A_972 = arith.andi %ge3A_967, %lt3A_971 : vector<16xi1>
        %iota3A_973 = tpu.iota {dimensions = array<i32: 0>} : vector<16xi32>
        %add3A_974 = arith.constant 53264 : i32
        %add3A_975 = vector.broadcast %add3A_974 : i32 to vector<16xi32>
        %add3A_976 = arith.addi %add3A_975, %iota3A_973 : vector<16xi32>
        %sub3A_977 = vector.broadcast %mul3A_141 : i32 to vector<16xi32>
        %sub3A_978 = arith.subi %get3A_965, %sub3A_977 : vector<16xi32>
        %select_n3A_979 = arith.select %and3A_972, %sub3A_978, %add3A_976 : vector<16xi1>, vector<16xi32>
        %swap3A_980 = arith.constant 16 : index
        %swap3A_981 = tpu.vector_load %arg10[%swap3A_980] {strides = array<i32>} : memref<128xi32, #tpu.memory_space<vmem>>, vector<16xi32>,
        tpu.vector_store %arg10[%swap3A_980], %select_n3A_979 {strides = array<i32>} : memref<128xi32, #tpu.memory_space<vmem>>, vector<16xi32>,
        %add3A_982 = arith.constant 32 : i32
        %add3A_983 = arith.addi %mul3A_941, %add3A_982 : i32
        %get3A_984 = arith.index_cast %add3A_983 : i32 to index
        %get3A_985 = tpu.vector_load %arg8[%get3A_984] {strides = array<i32>} : memref<12544xi32, #tpu.memory_space<vmem>>, vector<16xi32>,
        %ge3A_986 = vector.broadcast %mul3A_141 : i32 to vector<16xi32>
        %ge3A_987 = arith.cmpi sge, %get3A_985, %ge3A_986 : vector<16xi32>
        %add3A_988 = arith.constant 53248 : i32
        %add3A_989 = arith.addi %mul3A_141, %add3A_988 : i32
        %lt3A_990 = vector.broadcast %add3A_989 : i32 to vector<16xi32>
        %lt3A_991 = arith.cmpi slt, %get3A_985, %lt3A_990 : vector<16xi32>
        %and3A_992 = arith.andi %ge3A_987, %lt3A_991 : vector<16xi1>
        %iota3A_993 = tpu.iota {dimensions = array<i32: 0>} : vector<16xi32>
        %add3A_994 = arith.constant 53280 : i32
        %add3A_995 = vector.broadcast %add3A_994 : i32 to vector<16xi32>
        %add3A_996 = arith.addi %add3A_995, %iota3A_993 : vector<16xi32>
        %sub3A_997 = vector.broadcast %mul3A_141 : i32 to vector<16xi32>
        %sub3A_998 = arith.subi %get3A_985, %sub3A_997 : vector<16xi32>
        %select_n3A_999 = arith.select %and3A_992, %sub3A_998, %add3A_996 : vector<16xi1>, vector<16xi32>
        %swap3A_1000 = arith.constant 32 : index
        %swap3A_1001 = tpu.vector_load %arg10[%swap3A_1000] {strides = array<i32>} : memref<128xi32, #tpu.memory_space<vmem>>, vector<16xi32>,
        tpu.vector_store %arg10[%swap3A_1000], %select_n3A_999 {strides = array<i32>} : memref<128xi32, #tpu.memory_space<vmem>>, vector<16xi32>,
        %add3A_1002 = arith.constant 48 : i32
        %add3A_1003 = arith.addi %mul3A_941, %add3A_1002 : i32
        %get3A_1004 = arith.index_cast %add3A_1003 : i32 to index
        %get3A_1005 = tpu.vector_load %arg8[%get3A_1004] {strides = array<i32>} : memref<12544xi32, #tpu.memory_space<vmem>>, vector<16xi32>,
        %ge3A_1006 = vector.broadcast %mul3A_141 : i32 to vector<16xi32>
        %ge3A_1007 = arith.cmpi sge, %get3A_1005, %ge3A_1006 : vector<16xi32>
        %add3A_1008 = arith.constant 53248 : i32
        %add3A_1009 = arith.addi %mul3A_141, %add3A_1008 : i32
        %lt3A_1010 = vector.broadcast %add3A_1009 : i32 to vector<16xi32>
        %lt3A_1011 = arith.cmpi slt, %get3A_1005, %lt3A_1010 : vector<16xi32>
        %and3A_1012 = arith.andi %ge3A_1007, %lt3A_1011 : vector<16xi1>
        %iota3A_1013 = tpu.iota {dimensions = array<i32: 0>} : vector<16xi32>
        %add3A_1014 = arith.constant 53296 : i32
        %add3A_1015 = vector.broadcast %add3A_1014 : i32 to vector<16xi32>
        %add3A_1016 = arith.addi %add3A_1015, %iota3A_1013 : vector<16xi32>
        %sub3A_1017 = vector.broadcast %mul3A_141 : i32 to vector<16xi32>
        %sub3A_1018 = arith.subi %get3A_1005, %sub3A_1017 : vector<16xi32>
        %select_n3A_1019 = arith.select %and3A_1012, %sub3A_1018, %add3A_1016 : vector<16xi1>, vector<16xi32>
        %swap3A_1020 = arith.constant 48 : index
        %swap3A_1021 = tpu.vector_load %arg10[%swap3A_1020] {strides = array<i32>} : memref<128xi32, #tpu.memory_space<vmem>>, vector<16xi32>,
        tpu.vector_store %arg10[%swap3A_1020], %select_n3A_1019 {strides = array<i32>} : memref<128xi32, #tpu.memory_space<vmem>>, vector<16xi32>,
        %add3A_1022 = arith.constant 64 : i32
        %add3A_1023 = arith.addi %mul3A_941, %add3A_1022 : i32
        %get3A_1024 = arith.index_cast %add3A_1023 : i32 to index
        %get3A_1025 = tpu.vector_load %arg8[%get3A_1024] {strides = array<i32>} : memref<12544xi32, #tpu.memory_space<vmem>>, vector<16xi32>,
        %ge3A_1026 = vector.broadcast %mul3A_141 : i32 to vector<16xi32>
        %ge3A_1027 = arith.cmpi sge, %get3A_1025, %ge3A_1026 : vector<16xi32>
        %add3A_1028 = arith.constant 53248 : i32
        %add3A_1029 = arith.addi %mul3A_141, %add3A_1028 : i32
        %lt3A_1030 = vector.broadcast %add3A_1029 : i32 to vector<16xi32>
        %lt3A_1031 = arith.cmpi slt, %get3A_1025, %lt3A_1030 : vector<16xi32>
        %and3A_1032 = arith.andi %ge3A_1027, %lt3A_1031 : vector<16xi1>
        %iota3A_1033 = tpu.iota {dimensions = array<i32: 0>} : vector<16xi32>
        %add3A_1034 = arith.constant 53312 : i32
        %add3A_1035 = vector.broadcast %add3A_1034 : i32 to vector<16xi32>
        %add3A_1036 = arith.addi %add3A_1035, %iota3A_1033 : vector<16xi32>
        %sub3A_1037 = vector.broadcast %mul3A_141 : i32 to vector<16xi32>
        %sub3A_1038 = arith.subi %get3A_1025, %sub3A_1037 : vector<16xi32>
        %select_n3A_1039 = arith.select %and3A_1032, %sub3A_1038, %add3A_1036 : vector<16xi1>, vector<16xi32>
        %swap3A_1040 = arith.constant 64 : index
        %swap3A_1041 = tpu.vector_load %arg10[%swap3A_1040] {strides = array<i32>} : memref<128xi32, #tpu.memory_space<vmem>>, vector<16xi32>,
        tpu.vector_store %arg10[%swap3A_1040], %select_n3A_1039 {strides = array<i32>} : memref<128xi32, #tpu.memory_space<vmem>>, vector<16xi32>,
        %add3A_1042 = arith.constant 80 : i32
        %add3A_1043 = arith.addi %mul3A_941, %add3A_1042 : i32
        %get3A_1044 = arith.index_cast %add3A_1043 : i32 to index
        %get3A_1045 = tpu.vector_load %arg8[%get3A_1044] {strides = array<i32>} : memref<12544xi32, #tpu.memory_space<vmem>>, vector<16xi32>,
        %ge3A_1046 = vector.broadcast %mul3A_141 : i32 to vector<16xi32>
        %ge3A_1047 = arith.cmpi sge, %get3A_1045, %ge3A_1046 : vector<16xi32>
        %add3A_1048 = arith.constant 53248 : i32
        %add3A_1049 = arith.addi %mul3A_141, %add3A_1048 : i32
        %lt3A_1050 = vector.broadcast %add3A_1049 : i32 to vector<16xi32>
        %lt3A_1051 = arith.cmpi slt, %get3A_1045, %lt3A_1050 : vector<16xi32>
        %and3A_1052 = arith.andi %ge3A_1047, %lt3A_1051 : vector<16xi1>
        %iota3A_1053 = tpu.iota {dimensions = array<i32: 0>} : vector<16xi32>
        %add3A_1054 = arith.constant 53328 : i32
        %add3A_1055 = vector.broadcast %add3A_1054 : i32 to vector<16xi32>
        %add3A_1056 = arith.addi %add3A_1055, %iota3A_1053 : vector<16xi32>
        %sub3A_1057 = vector.broadcast %mul3A_141 : i32 to vector<16xi32>
        %sub3A_1058 = arith.subi %get3A_1045, %sub3A_1057 : vector<16xi32>
        %select_n3A_1059 = arith.select %and3A_1052, %sub3A_1058, %add3A_1056 : vector<16xi1>, vector<16xi32>
        %swap3A_1060 = arith.constant 80 : index
        %swap3A_1061 = tpu.vector_load %arg10[%swap3A_1060] {strides = array<i32>} : memref<128xi32, #tpu.memory_space<vmem>>, vector<16xi32>,
        tpu.vector_store %arg10[%swap3A_1060], %select_n3A_1059 {strides = array<i32>} : memref<128xi32, #tpu.memory_space<vmem>>, vector<16xi32>,
        %add3A_1062 = arith.constant 96 : i32
        %add3A_1063 = arith.addi %mul3A_941, %add3A_1062 : i32
        %get3A_1064 = arith.index_cast %add3A_1063 : i32 to index
        %get3A_1065 = tpu.vector_load %arg8[%get3A_1064] {strides = array<i32>} : memref<12544xi32, #tpu.memory_space<vmem>>, vector<16xi32>,
        %ge3A_1066 = vector.broadcast %mul3A_141 : i32 to vector<16xi32>
        %ge3A_1067 = arith.cmpi sge, %get3A_1065, %ge3A_1066 : vector<16xi32>
        %add3A_1068 = arith.constant 53248 : i32
        %add3A_1069 = arith.addi %mul3A_141, %add3A_1068 : i32
        %lt3A_1070 = vector.broadcast %add3A_1069 : i32 to vector<16xi32>
        %lt3A_1071 = arith.cmpi slt, %get3A_1065, %lt3A_1070 : vector<16xi32>
        %and3A_1072 = arith.andi %ge3A_1067, %lt3A_1071 : vector<16xi1>
        %iota3A_1073 = tpu.iota {dimensions = array<i32: 0>} : vector<16xi32>
        %add3A_1074 = arith.constant 53344 : i32
        %add3A_1075 = vector.broadcast %add3A_1074 : i32 to vector<16xi32>
        %add3A_1076 = arith.addi %add3A_1075, %iota3A_1073 : vector<16xi32>
        %sub3A_1077 = vector.broadcast %mul3A_141 : i32 to vector<16xi32>
        %sub3A_1078 = arith.subi %get3A_1065, %sub3A_1077 : vector<16xi32>
        %select_n3A_1079 = arith.select %and3A_1072, %sub3A_1078, %add3A_1076 : vector<16xi1>, vector<16xi32>
        %swap3A_1080 = arith.constant 96 : index
        %swap3A_1081 = tpu.vector_load %arg10[%swap3A_1080] {strides = array<i32>} : memref<128xi32, #tpu.memory_space<vmem>>, vector<16xi32>,
        tpu.vector_store %arg10[%swap3A_1080], %select_n3A_1079 {strides = array<i32>} : memref<128xi32, #tpu.memory_space<vmem>>, vector<16xi32>,
        %add3A_1082 = arith.constant 112 : i32
        %add3A_1083 = arith.addi %mul3A_941, %add3A_1082 : i32
        %get3A_1084 = arith.index_cast %add3A_1083 : i32 to index
        %get3A_1085 = tpu.vector_load %arg8[%get3A_1084] {strides = array<i32>} : memref<12544xi32, #tpu.memory_space<vmem>>, vector<16xi32>,
        %ge3A_1086 = vector.broadcast %mul3A_141 : i32 to vector<16xi32>
        %ge3A_1087 = arith.cmpi sge, %get3A_1085, %ge3A_1086 : vector<16xi32>
        %add3A_1088 = arith.constant 53248 : i32
        %add3A_1089 = arith.addi %mul3A_141, %add3A_1088 : i32
        %lt3A_1090 = vector.broadcast %add3A_1089 : i32 to vector<16xi32>
        %lt3A_1091 = arith.cmpi slt, %get3A_1085, %lt3A_1090 : vector<16xi32>
        %and3A_1092 = arith.andi %ge3A_1087, %lt3A_1091 : vector<16xi1>
        %iota3A_1093 = tpu.iota {dimensions = array<i32: 0>} : vector<16xi32>
        %add3A_1094 = arith.constant 53360 : i32
        %add3A_1095 = vector.broadcast %add3A_1094 : i32 to vector<16xi32>
        %add3A_1096 = arith.addi %add3A_1095, %iota3A_1093 : vector<16xi32>
        %sub3A_1097 = vector.broadcast %mul3A_141 : i32 to vector<16xi32>
        %sub3A_1098 = arith.subi %get3A_1085, %sub3A_1097 : vector<16xi32>
        %select_n3A_1099 = arith.select %and3A_1092, %sub3A_1098, %add3A_1096 : vector<16xi1>, vector<16xi32>
        %swap3A_1100 = arith.constant 112 : index
        %swap3A_1101 = tpu.vector_load %arg10[%swap3A_1100] {strides = array<i32>} : memref<128xi32, #tpu.memory_space<vmem>>, vector<16xi32>,
        tpu.vector_store %arg10[%swap3A_1100], %select_n3A_1099 {strides = array<i32>} : memref<128xi32, #tpu.memory_space<vmem>>, vector<16xi32>,
        %mul3A_1102 = arith.constant 128 : i32
        %mul3A_1103 = arith.muli %mul3A_935, %mul3A_1102 : i32
        %add3A_1104 = arith.addi %mul3A_0, %mul3A_1103 : i32
        %dma_wait3A_1105 = arith.constant 0 : i32
        %dma_wait3A_1106 = tpu.memref_slice %arg6[%add3A_1104, %dma_wait3A_1105] : memref<200704x32xf32, #tpu.memory_space<hbm>> -> memref<128x32xf32, #tpu.memory_space<hbm>>
        %dma_wait3A_1107 = arith.constant 0 : i32
        %dma_wait3A_1108 = tpu.memref_slice %arg6[%add3A_1104, %dma_wait3A_1107] : memref<200704x32xf32, #tpu.memory_space<hbm>> -> memref<128x32xf32, #tpu.memory_space<hbm>>
        tpu.wait_dma2 semaphore(%arg15 : memref<!tpu.dma_semaphore, #tpu.memory_space<semaphore_mem>>) src(%dma_wait3A_1108 : memref<128x32xf32, #tpu.memory_space<hbm>>) dst(%arg12 : memref<128x32xf32, #tpu.memory_space<vmem>>)
        "tpu.region"() ({
          %run_scoped3A = tpu.sem_alloc : memref<!tpu.dma_semaphore, #tpu.memory_space<semaphore_mem>>
          %dma_start3A_1296 = arith.constant 0 : i32
          %dma_start3A_1297 = arith.constant 0 : i32
          %dma_start3A_1298 = tpu.memref_slice %arg14[%dma_start3A_1296, %dma_start3A_1297] : memref<53376x32xf32, #tpu.memory_space<vmem_shared>> -> memref<53376x32xf32, #tpu.memory_space<vmem_shared>>
          tpu.enqueue_indirect_dma source(%arg12 : memref<128x32xf32, #tpu.memory_space<vmem>>) target(%dma_start3A_1298 : memref<53376x32xf32, #tpu.memory_space<vmem_shared>>) offsets(%arg10 : memref<128xi32, #tpu.memory_space<vmem>>) semaphore(%run_scoped3A : memref<!tpu.dma_semaphore, #tpu.memory_space<semaphore_mem>>) {add = true}
          %dma_wait3A_1299 = arith.constant 0 : i32
          %dma_wait3A_1300 = arith.constant 0 : i32
          %dma_wait3A_1301 = tpu.memref_slice %arg14[%dma_wait3A_1299, %dma_wait3A_1300] : memref<53376x32xf32, #tpu.memory_space<vmem_shared>> -> memref<53376x32xf32, #tpu.memory_space<vmem_shared>>
          tpu.wait_indirect_dma semaphore(%run_scoped3A : memref<!tpu.dma_semaphore, #tpu.memory_space<semaphore_mem>>) src(%arg12 : memref<128x32xf32, #tpu.memory_space<vmem>>) dst(%dma_wait3A_1301 : memref<53376x32xf32, #tpu.memory_space<vmem_shared>>)
          tpu.yield
        }) : () -> ()
        %add3A_1109 = arith.constant 2 : i32
        %add3A_1110 = arith.addi %mul3A_935, %add3A_1109 : i32
        %mul3A_1111 = arith.constant 128 : i32
        %mul3A_1112 = arith.muli %add3A_1110, %mul3A_1111 : i32
        %add3A_1113 = arith.addi %mul3A_0, %mul3A_1112 : i32
        %dma_start3A_1114 = arith.constant 0 : i32
        %dma_start3A_1115 = tpu.memref_slice %arg6[%add3A_1113, %dma_start3A_1114] : memref<200704x32xf32, #tpu.memory_space<hbm>> -> memref<128x32xf32, #tpu.memory_space<hbm>>
        %dma_start3A_1116 = arith.constant 0 : i32
        %dma_start3A_1117 = tpu.memref_slice %arg6[%add3A_1113, %dma_start3A_1116] : memref<200704x32xf32, #tpu.memory_space<hbm>> -> memref<128x32xf32, #tpu.memory_space<hbm>>
        tpu.enqueue_dma source(%dma_start3A_1117 : memref<128x32xf32, #tpu.memory_space<hbm>>) target(%arg12 : memref<128x32xf32, #tpu.memory_space<vmem>>) target_semaphore(%arg15 : memref<!tpu.dma_semaphore, #tpu.memory_space<semaphore_mem>>)
        %mul3A_1118 = arith.constant 128 : i32
        %mul3A_1119 = arith.muli %add3A_939, %mul3A_1118 : i32
        %add3A_1120 = arith.constant 0 : i32
        %add3A_1121 = arith.addi %mul3A_1119, %add3A_1120 : i32
        %get3A_1122 = arith.index_cast %add3A_1121 : i32 to index
        %get3A_1123 = tpu.vector_load %arg8[%get3A_1122] {strides = array<i32>} : memref<12544xi32, #tpu.memory_space<vmem>>, vector<16xi32>,
        %ge3A_1124 = vector.broadcast %mul3A_141 : i32 to vector<16xi32>
        %ge3A_1125 = arith.cmpi sge, %get3A_1123, %ge3A_1124 : vector<16xi32>
        %add3A_1126 = arith.constant 53248 : i32
        %add3A_1127 = arith.addi %mul3A_141, %add3A_1126 : i32
        %lt3A_1128 = vector.broadcast %add3A_1127 : i32 to vector<16xi32>
        %lt3A_1129 = arith.cmpi slt, %get3A_1123, %lt3A_1128 : vector<16xi32>
        %and3A_1130 = arith.andi %ge3A_1125, %lt3A_1129 : vector<16xi1>
        %iota3A_1131 = tpu.iota {dimensions = array<i32: 0>} : vector<16xi32>
        %add3A_1132 = arith.constant 53248 : i32
        %add3A_1133 = vector.broadcast %add3A_1132 : i32 to vector<16xi32>
        %add3A_1134 = arith.addi %add3A_1133, %iota3A_1131 : vector<16xi32>
        %sub3A_1135 = vector.broadcast %mul3A_141 : i32 to vector<16xi32>
        %sub3A_1136 = arith.subi %get3A_1123, %sub3A_1135 : vector<16xi32>
        %select_n3A_1137 = arith.select %and3A_1130, %sub3A_1136, %add3A_1134 : vector<16xi1>, vector<16xi32>
        %swap3A_1138 = arith.constant 0 : index
        %swap3A_1139 = tpu.vector_load %arg11[%swap3A_1138] {strides = array<i32>} : memref<128xi32, #tpu.memory_space<vmem>>, vector<16xi32>,
        tpu.vector_store %arg11[%swap3A_1138], %select_n3A_1137 {strides = array<i32>} : memref<128xi32, #tpu.memory_space<vmem>>, vector<16xi32>,
        %add3A_1140 = arith.constant 16 : i32
        %add3A_1141 = arith.addi %mul3A_1119, %add3A_1140 : i32
        %get3A_1142 = arith.index_cast %add3A_1141 : i32 to index
        %get3A_1143 = tpu.vector_load %arg8[%get3A_1142] {strides = array<i32>} : memref<12544xi32, #tpu.memory_space<vmem>>, vector<16xi32>,
        %ge3A_1144 = vector.broadcast %mul3A_141 : i32 to vector<16xi32>
        %ge3A_1145 = arith.cmpi sge, %get3A_1143, %ge3A_1144 : vector<16xi32>
        %add3A_1146 = arith.constant 53248 : i32
        %add3A_1147 = arith.addi %mul3A_141, %add3A_1146 : i32
        %lt3A_1148 = vector.broadcast %add3A_1147 : i32 to vector<16xi32>
        %lt3A_1149 = arith.cmpi slt, %get3A_1143, %lt3A_1148 : vector<16xi32>
        %and3A_1150 = arith.andi %ge3A_1145, %lt3A_1149 : vector<16xi1>
        %iota3A_1151 = tpu.iota {dimensions = array<i32: 0>} : vector<16xi32>
        %add3A_1152 = arith.constant 53264 : i32
        %add3A_1153 = vector.broadcast %add3A_1152 : i32 to vector<16xi32>
        %add3A_1154 = arith.addi %add3A_1153, %iota3A_1151 : vector<16xi32>
        %sub3A_1155 = vector.broadcast %mul3A_141 : i32 to vector<16xi32>
        %sub3A_1156 = arith.subi %get3A_1143, %sub3A_1155 : vector<16xi32>
        %select_n3A_1157 = arith.select %and3A_1150, %sub3A_1156, %add3A_1154 : vector<16xi1>, vector<16xi32>
        %swap3A_1158 = arith.constant 16 : index
        %swap3A_1159 = tpu.vector_load %arg11[%swap3A_1158] {strides = array<i32>} : memref<128xi32, #tpu.memory_space<vmem>>, vector<16xi32>,
        tpu.vector_store %arg11[%swap3A_1158], %select_n3A_1157 {strides = array<i32>} : memref<128xi32, #tpu.memory_space<vmem>>, vector<16xi32>,
        %add3A_1160 = arith.constant 32 : i32
        %add3A_1161 = arith.addi %mul3A_1119, %add3A_1160 : i32
        %get3A_1162 = arith.index_cast %add3A_1161 : i32 to index
        %get3A_1163 = tpu.vector_load %arg8[%get3A_1162] {strides = array<i32>} : memref<12544xi32, #tpu.memory_space<vmem>>, vector<16xi32>,
        %ge3A_1164 = vector.broadcast %mul3A_141 : i32 to vector<16xi32>
        %ge3A_1165 = arith.cmpi sge, %get3A_1163, %ge3A_1164 : vector<16xi32>
        %add3A_1166 = arith.constant 53248 : i32
        %add3A_1167 = arith.addi %mul3A_141, %add3A_1166 : i32
        %lt3A_1168 = vector.broadcast %add3A_1167 : i32 to vector<16xi32>
        %lt3A_1169 = arith.cmpi slt, %get3A_1163, %lt3A_1168 : vector<16xi32>
        %and3A_1170 = arith.andi %ge3A_1165, %lt3A_1169 : vector<16xi1>
        %iota3A_1171 = tpu.iota {dimensions = array<i32: 0>} : vector<16xi32>
        %add3A_1172 = arith.constant 53280 : i32
        %add3A_1173 = vector.broadcast %add3A_1172 : i32 to vector<16xi32>
        %add3A_1174 = arith.addi %add3A_1173, %iota3A_1171 : vector<16xi32>
        %sub3A_1175 = vector.broadcast %mul3A_141 : i32 to vector<16xi32>
        %sub3A_1176 = arith.subi %get3A_1163, %sub3A_1175 : vector<16xi32>
        %select_n3A_1177 = arith.select %and3A_1170, %sub3A_1176, %add3A_1174 : vector<16xi1>, vector<16xi32>
        %swap3A_1178 = arith.constant 32 : index
        %swap3A_1179 = tpu.vector_load %arg11[%swap3A_1178] {strides = array<i32>} : memref<128xi32, #tpu.memory_space<vmem>>, vector<16xi32>,
        tpu.vector_store %arg11[%swap3A_1178], %select_n3A_1177 {strides = array<i32>} : memref<128xi32, #tpu.memory_space<vmem>>, vector<16xi32>,
        %add3A_1180 = arith.constant 48 : i32
        %add3A_1181 = arith.addi %mul3A_1119, %add3A_1180 : i32
        %get3A_1182 = arith.index_cast %add3A_1181 : i32 to index
        %get3A_1183 = tpu.vector_load %arg8[%get3A_1182] {strides = array<i32>} : memref<12544xi32, #tpu.memory_space<vmem>>, vector<16xi32>,
        %ge3A_1184 = vector.broadcast %mul3A_141 : i32 to vector<16xi32>
        %ge3A_1185 = arith.cmpi sge, %get3A_1183, %ge3A_1184 : vector<16xi32>
        %add3A_1186 = arith.constant 53248 : i32
        %add3A_1187 = arith.addi %mul3A_141, %add3A_1186 : i32
        %lt3A_1188 = vector.broadcast %add3A_1187 : i32 to vector<16xi32>
        %lt3A_1189 = arith.cmpi slt, %get3A_1183, %lt3A_1188 : vector<16xi32>
        %and3A_1190 = arith.andi %ge3A_1185, %lt3A_1189 : vector<16xi1>
        %iota3A_1191 = tpu.iota {dimensions = array<i32: 0>} : vector<16xi32>
        %add3A_1192 = arith.constant 53296 : i32
        %add3A_1193 = vector.broadcast %add3A_1192 : i32 to vector<16xi32>
        %add3A_1194 = arith.addi %add3A_1193, %iota3A_1191 : vector<16xi32>
        %sub3A_1195 = vector.broadcast %mul3A_141 : i32 to vector<16xi32>
        %sub3A_1196 = arith.subi %get3A_1183, %sub3A_1195 : vector<16xi32>
        %select_n3A_1197 = arith.select %and3A_1190, %sub3A_1196, %add3A_1194 : vector<16xi1>, vector<16xi32>
        %swap3A_1198 = arith.constant 48 : index
        %swap3A_1199 = tpu.vector_load %arg11[%swap3A_1198] {strides = array<i32>} : memref<128xi32, #tpu.memory_space<vmem>>, vector<16xi32>,
        tpu.vector_store %arg11[%swap3A_1198], %select_n3A_1197 {strides = array<i32>} : memref<128xi32, #tpu.memory_space<vmem>>, vector<16xi32>,
        %add3A_1200 = arith.constant 64 : i32
        %add3A_1201 = arith.addi %mul3A_1119, %add3A_1200 : i32
        %get3A_1202 = arith.index_cast %add3A_1201 : i32 to index
        %get3A_1203 = tpu.vector_load %arg8[%get3A_1202] {strides = array<i32>} : memref<12544xi32, #tpu.memory_space<vmem>>, vector<16xi32>,
        %ge3A_1204 = vector.broadcast %mul3A_141 : i32 to vector<16xi32>
        %ge3A_1205 = arith.cmpi sge, %get3A_1203, %ge3A_1204 : vector<16xi32>
        %add3A_1206 = arith.constant 53248 : i32
        %add3A_1207 = arith.addi %mul3A_141, %add3A_1206 : i32
        %lt3A_1208 = vector.broadcast %add3A_1207 : i32 to vector<16xi32>
        %lt3A_1209 = arith.cmpi slt, %get3A_1203, %lt3A_1208 : vector<16xi32>
        %and3A_1210 = arith.andi %ge3A_1205, %lt3A_1209 : vector<16xi1>
        %iota3A_1211 = tpu.iota {dimensions = array<i32: 0>} : vector<16xi32>
        %add3A_1212 = arith.constant 53312 : i32
        %add3A_1213 = vector.broadcast %add3A_1212 : i32 to vector<16xi32>
        %add3A_1214 = arith.addi %add3A_1213, %iota3A_1211 : vector<16xi32>
        %sub3A_1215 = vector.broadcast %mul3A_141 : i32 to vector<16xi32>
        %sub3A_1216 = arith.subi %get3A_1203, %sub3A_1215 : vector<16xi32>
        %select_n3A_1217 = arith.select %and3A_1210, %sub3A_1216, %add3A_1214 : vector<16xi1>, vector<16xi32>
        %swap3A_1218 = arith.constant 64 : index
        %swap3A_1219 = tpu.vector_load %arg11[%swap3A_1218] {strides = array<i32>} : memref<128xi32, #tpu.memory_space<vmem>>, vector<16xi32>,
        tpu.vector_store %arg11[%swap3A_1218], %select_n3A_1217 {strides = array<i32>} : memref<128xi32, #tpu.memory_space<vmem>>, vector<16xi32>,
        %add3A_1220 = arith.constant 80 : i32
        %add3A_1221 = arith.addi %mul3A_1119, %add3A_1220 : i32
        %get3A_1222 = arith.index_cast %add3A_1221 : i32 to index
        %get3A_1223 = tpu.vector_load %arg8[%get3A_1222] {strides = array<i32>} : memref<12544xi32, #tpu.memory_space<vmem>>, vector<16xi32>,
        %ge3A_1224 = vector.broadcast %mul3A_141 : i32 to vector<16xi32>
        %ge3A_1225 = arith.cmpi sge, %get3A_1223, %ge3A_1224 : vector<16xi32>
        %add3A_1226 = arith.constant 53248 : i32
        %add3A_1227 = arith.addi %mul3A_141, %add3A_1226 : i32
        %lt3A_1228 = vector.broadcast %add3A_1227 : i32 to vector<16xi32>
        %lt3A_1229 = arith.cmpi slt, %get3A_1223, %lt3A_1228 : vector<16xi32>
        %and3A_1230 = arith.andi %ge3A_1225, %lt3A_1229 : vector<16xi1>
        %iota3A_1231 = tpu.iota {dimensions = array<i32: 0>} : vector<16xi32>
        %add3A_1232 = arith.constant 53328 : i32
        %add3A_1233 = vector.broadcast %add3A_1232 : i32 to vector<16xi32>
        %add3A_1234 = arith.addi %add3A_1233, %iota3A_1231 : vector<16xi32>
        %sub3A_1235 = vector.broadcast %mul3A_141 : i32 to vector<16xi32>
        %sub3A_1236 = arith.subi %get3A_1223, %sub3A_1235 : vector<16xi32>
        %select_n3A_1237 = arith.select %and3A_1230, %sub3A_1236, %add3A_1234 : vector<16xi1>, vector<16xi32>
        %swap3A_1238 = arith.constant 80 : index
        %swap3A_1239 = tpu.vector_load %arg11[%swap3A_1238] {strides = array<i32>} : memref<128xi32, #tpu.memory_space<vmem>>, vector<16xi32>,
        tpu.vector_store %arg11[%swap3A_1238], %select_n3A_1237 {strides = array<i32>} : memref<128xi32, #tpu.memory_space<vmem>>, vector<16xi32>,
        %add3A_1240 = arith.constant 96 : i32
        %add3A_1241 = arith.addi %mul3A_1119, %add3A_1240 : i32
        %get3A_1242 = arith.index_cast %add3A_1241 : i32 to index
        %get3A_1243 = tpu.vector_load %arg8[%get3A_1242] {strides = array<i32>} : memref<12544xi32, #tpu.memory_space<vmem>>, vector<16xi32>,
        %ge3A_1244 = vector.broadcast %mul3A_141 : i32 to vector<16xi32>
        %ge3A_1245 = arith.cmpi sge, %get3A_1243, %ge3A_1244 : vector<16xi32>
        %add3A_1246 = arith.constant 53248 : i32
        %add3A_1247 = arith.addi %mul3A_141, %add3A_1246 : i32
        %lt3A_1248 = vector.broadcast %add3A_1247 : i32 to vector<16xi32>
        %lt3A_1249 = arith.cmpi slt, %get3A_1243, %lt3A_1248 : vector<16xi32>
        %and3A_1250 = arith.andi %ge3A_1245, %lt3A_1249 : vector<16xi1>
        %iota3A_1251 = tpu.iota {dimensions = array<i32: 0>} : vector<16xi32>
        %add3A_1252 = arith.constant 53344 : i32
        %add3A_1253 = vector.broadcast %add3A_1252 : i32 to vector<16xi32>
        %add3A_1254 = arith.addi %add3A_1253, %iota3A_1251 : vector<16xi32>
        %sub3A_1255 = vector.broadcast %mul3A_141 : i32 to vector<16xi32>
        %sub3A_1256 = arith.subi %get3A_1243, %sub3A_1255 : vector<16xi32>
        %select_n3A_1257 = arith.select %and3A_1250, %sub3A_1256, %add3A_1254 : vector<16xi1>, vector<16xi32>
        %swap3A_1258 = arith.constant 96 : index
        %swap3A_1259 = tpu.vector_load %arg11[%swap3A_1258] {strides = array<i32>} : memref<128xi32, #tpu.memory_space<vmem>>, vector<16xi32>,
        tpu.vector_store %arg11[%swap3A_1258], %select_n3A_1257 {strides = array<i32>} : memref<128xi32, #tpu.memory_space<vmem>>, vector<16xi32>,
        %add3A_1260 = arith.constant 112 : i32
        %add3A_1261 = arith.addi %mul3A_1119, %add3A_1260 : i32
        %get3A_1262 = arith.index_cast %add3A_1261 : i32 to index
        %get3A_1263 = tpu.vector_load %arg8[%get3A_1262] {strides = array<i32>} : memref<12544xi32, #tpu.memory_space<vmem>>, vector<16xi32>,
        %ge3A_1264 = vector.broadcast %mul3A_141 : i32 to vector<16xi32>
        %ge3A_1265 = arith.cmpi sge, %get3A_1263, %ge3A_1264 : vector<16xi32>
        %add3A_1266 = arith.constant 53248 : i32
        %add3A_1267 = arith.addi %mul3A_141, %add3A_1266 : i32
        %lt3A_1268 = vector.broadcast %add3A_1267 : i32 to vector<16xi32>
        %lt3A_1269 = arith.cmpi slt, %get3A_1263, %lt3A_1268 : vector<16xi32>
        %and3A_1270 = arith.andi %ge3A_1265, %lt3A_1269 : vector<16xi1>
        %iota3A_1271 = tpu.iota {dimensions = array<i32: 0>} : vector<16xi32>
        %add3A_1272 = arith.constant 53360 : i32
        %add3A_1273 = vector.broadcast %add3A_1272 : i32 to vector<16xi32>
        %add3A_1274 = arith.addi %add3A_1273, %iota3A_1271 : vector<16xi32>
        %sub3A_1275 = vector.broadcast %mul3A_141 : i32 to vector<16xi32>
        %sub3A_1276 = arith.subi %get3A_1263, %sub3A_1275 : vector<16xi32>
        %select_n3A_1277 = arith.select %and3A_1270, %sub3A_1276, %add3A_1274 : vector<16xi1>, vector<16xi32>
        %swap3A_1278 = arith.constant 112 : index
        %swap3A_1279 = tpu.vector_load %arg11[%swap3A_1278] {strides = array<i32>} : memref<128xi32, #tpu.memory_space<vmem>>, vector<16xi32>,
        tpu.vector_store %arg11[%swap3A_1278], %select_n3A_1277 {strides = array<i32>} : memref<128xi32, #tpu.memory_space<vmem>>, vector<16xi32>,
        %mul3A_1280 = arith.constant 128 : i32
        %mul3A_1281 = arith.muli %add3A_939, %mul3A_1280 : i32
        %add3A_1282 = arith.addi %mul3A_0, %mul3A_1281 : i32
        %dma_wait3A_1283 = arith.constant 0 : i32
        %dma_wait3A_1284 = tpu.memref_slice %arg6[%add3A_1282, %dma_wait3A_1283] : memref<200704x32xf32, #tpu.memory_space<hbm>> -> memref<128x32xf32, #tpu.memory_space<hbm>>
        %dma_wait3A_1285 = arith.constant 0 : i32
        %dma_wait3A_1286 = tpu.memref_slice %arg6[%add3A_1282, %dma_wait3A_1285] : memref<200704x32xf32, #tpu.memory_space<hbm>> -> memref<128x32xf32, #tpu.memory_space<hbm>>
        tpu.wait_dma2 semaphore(%arg16 : memref<!tpu.dma_semaphore, #tpu.memory_space<semaphore_mem>>) src(%dma_wait3A_1286 : memref<128x32xf32, #tpu.memory_space<hbm>>) dst(%arg13 : memref<128x32xf32, #tpu.memory_space<vmem>>)
        "tpu.region"() ({
          %run_scoped3A = tpu.sem_alloc : memref<!tpu.dma_semaphore, #tpu.memory_space<semaphore_mem>>
          %dma_start3A_1296 = arith.constant 0 : i32
          %dma_start3A_1297 = arith.constant 0 : i32
          %dma_start3A_1298 = tpu.memref_slice %arg14[%dma_start3A_1296, %dma_start3A_1297] : memref<53376x32xf32, #tpu.memory_space<vmem_shared>> -> memref<53376x32xf32, #tpu.memory_space<vmem_shared>>
          tpu.enqueue_indirect_dma source(%arg13 : memref<128x32xf32, #tpu.memory_space<vmem>>) target(%dma_start3A_1298 : memref<53376x32xf32, #tpu.memory_space<vmem_shared>>) offsets(%arg11 : memref<128xi32, #tpu.memory_space<vmem>>) semaphore(%run_scoped3A : memref<!tpu.dma_semaphore, #tpu.memory_space<semaphore_mem>>) {add = true}
          %dma_wait3A_1299 = arith.constant 0 : i32
          %dma_wait3A_1300 = arith.constant 0 : i32
          %dma_wait3A_1301 = tpu.memref_slice %arg14[%dma_wait3A_1299, %dma_wait3A_1300] : memref<53376x32xf32, #tpu.memory_space<vmem_shared>> -> memref<53376x32xf32, #tpu.memory_space<vmem_shared>>
          tpu.wait_indirect_dma semaphore(%run_scoped3A : memref<!tpu.dma_semaphore, #tpu.memory_space<semaphore_mem>>) src(%arg13 : memref<128x32xf32, #tpu.memory_space<vmem>>) dst(%dma_wait3A_1301 : memref<53376x32xf32, #tpu.memory_space<vmem_shared>>)
          tpu.yield
        }) : () -> ()
        %add3A_1287 = arith.constant 2 : i32
        %add3A_1288 = arith.addi %add3A_939, %add3A_1287 : i32
        %mul3A_1289 = arith.constant 128 : i32
        %mul3A_1290 = arith.muli %add3A_1288, %mul3A_1289 : i32
        %add3A_1291 = arith.addi %mul3A_0, %mul3A_1290 : i32
        %dma_start3A_1292 = arith.constant 0 : i32
        %dma_start3A_1293 = tpu.memref_slice %arg6[%add3A_1291, %dma_start3A_1292] : memref<200704x32xf32, #tpu.memory_space<hbm>> -> memref<128x32xf32, #tpu.memory_space<hbm>>
        %dma_start3A_1294 = arith.constant 0 : i32
        %dma_start3A_1295 = tpu.memref_slice %arg6[%add3A_1291, %dma_start3A_1294] : memref<200704x32xf32, #tpu.memory_space<hbm>> -> memref<128x32xf32, #tpu.memory_space<hbm>>
        tpu.enqueue_dma source(%dma_start3A_1295 : memref<128x32xf32, #tpu.memory_space<hbm>>) target(%arg13 : memref<128x32xf32, #tpu.memory_space<vmem>>) target_semaphore(%arg16 : memref<!tpu.dma_semaphore, #tpu.memory_space<semaphore_mem>>)
      }
      %scan3A_587 = arith.constant 48 : i32
      %mul3A_588 = arith.constant 96 : i32
      %mul3A_589 = arith.constant 128 : i32
      %mul3A_590 = arith.muli %mul3A_588, %mul3A_589 : i32
      %add3A_591 = arith.constant 0 : i32
      %add3A_592 = arith.addi %mul3A_590, %add3A_591 : i32
      %get3A = arith.index_cast %add3A_592 : i32 to index
      %get3A_593 = tpu.vector_load %arg8[%get3A] {strides = array<i32>} : memref<12544xi32, #tpu.memory_space<vmem>>, vector<16xi32>,
      %ge3A = vector.broadcast %mul3A_141 : i32 to vector<16xi32>
      %ge3A_594 = arith.cmpi sge, %get3A_593, %ge3A : vector<16xi32>
      %add3A_595 = arith.constant 53248 : i32
      %add3A_596 = arith.addi %mul3A_141, %add3A_595 : i32
      %lt3A = vector.broadcast %add3A_596 : i32 to vector<16xi32>
      %lt3A_597 = arith.cmpi slt, %get3A_593, %lt3A : vector<16xi32>
      %and3A = arith.andi %ge3A_594, %lt3A_597 : vector<16xi1>
      %iota3A = tpu.iota {dimensions = array<i32: 0>} : vector<16xi32>
      %add3A_598 = arith.constant 53248 : i32
      %add3A_599 = vector.broadcast %add3A_598 : i32 to vector<16xi32>
      %add3A_600 = arith.addi %add3A_599, %iota3A : vector<16xi32>
      %sub3A = vector.broadcast %mul3A_141 : i32 to vector<16xi32>
      %sub3A_601 = arith.subi %get3A_593, %sub3A : vector<16xi32>
      %select_n3A = arith.select %and3A, %sub3A_601, %add3A_600 : vector<16xi1>, vector<16xi32>
      %swap3A = arith.constant 0 : index
      %swap3A_602 = tpu.vector_load %arg10[%swap3A] {strides = array<i32>} : memref<128xi32, #tpu.memory_space<vmem>>, vector<16xi32>,
      tpu.vector_store %arg10[%swap3A], %select_n3A {strides = array<i32>} : memref<128xi32, #tpu.memory_space<vmem>>, vector<16xi32>,
      %add3A_603 = arith.constant 16 : i32
      %add3A_604 = arith.addi %mul3A_590, %add3A_603 : i32
      %get3A_605 = arith.index_cast %add3A_604 : i32 to index
      %get3A_606 = tpu.vector_load %arg8[%get3A_605] {strides = array<i32>} : memref<12544xi32, #tpu.memory_space<vmem>>, vector<16xi32>,
      %ge3A_607 = vector.broadcast %mul3A_141 : i32 to vector<16xi32>
      %ge3A_608 = arith.cmpi sge, %get3A_606, %ge3A_607 : vector<16xi32>
      %add3A_609 = arith.constant 53248 : i32
      %add3A_610 = arith.addi %mul3A_141, %add3A_609 : i32
      %lt3A_611 = vector.broadcast %add3A_610 : i32 to vector<16xi32>
      %lt3A_612 = arith.cmpi slt, %get3A_606, %lt3A_611 : vector<16xi32>
      %and3A_613 = arith.andi %ge3A_608, %lt3A_612 : vector<16xi1>
      %iota3A_614 = tpu.iota {dimensions = array<i32: 0>} : vector<16xi32>
      %add3A_615 = arith.constant 53264 : i32
      %add3A_616 = vector.broadcast %add3A_615 : i32 to vector<16xi32>
      %add3A_617 = arith.addi %add3A_616, %iota3A_614 : vector<16xi32>
      %sub3A_618 = vector.broadcast %mul3A_141 : i32 to vector<16xi32>
      %sub3A_619 = arith.subi %get3A_606, %sub3A_618 : vector<16xi32>
      %select_n3A_620 = arith.select %and3A_613, %sub3A_619, %add3A_617 : vector<16xi1>, vector<16xi32>
      %swap3A_621 = arith.constant 16 : index
      %swap3A_622 = tpu.vector_load %arg10[%swap3A_621] {strides = array<i32>} : memref<128xi32, #tpu.memory_space<vmem>>, vector<16xi32>,
      tpu.vector_store %arg10[%swap3A_621], %select_n3A_620 {strides = array<i32>} : memref<128xi32, #tpu.memory_space<vmem>>, vector<16xi32>,
      %add3A_623 = arith.constant 32 : i32
      %add3A_624 = arith.addi %mul3A_590, %add3A_623 : i32
      %get3A_625 = arith.index_cast %add3A_624 : i32 to index
      %get3A_626 = tpu.vector_load %arg8[%get3A_625] {strides = array<i32>} : memref<12544xi32, #tpu.memory_space<vmem>>, vector<16xi32>,
      %ge3A_627 = vector.broadcast %mul3A_141 : i32 to vector<16xi32>
      %ge3A_628 = arith.cmpi sge, %get3A_626, %ge3A_627 : vector<16xi32>
      %add3A_629 = arith.constant 53248 : i32
      %add3A_630 = arith.addi %mul3A_141, %add3A_629 : i32
      %lt3A_631 = vector.broadcast %add3A_630 : i32 to vector<16xi32>
      %lt3A_632 = arith.cmpi slt, %get3A_626, %lt3A_631 : vector<16xi32>
      %and3A_633 = arith.andi %ge3A_628, %lt3A_632 : vector<16xi1>
      %iota3A_634 = tpu.iota {dimensions = array<i32: 0>} : vector<16xi32>
      %add3A_635 = arith.constant 53280 : i32
      %add3A_636 = vector.broadcast %add3A_635 : i32 to vector<16xi32>
      %add3A_637 = arith.addi %add3A_636, %iota3A_634 : vector<16xi32>
      %sub3A_638 = vector.broadcast %mul3A_141 : i32 to vector<16xi32>
      %sub3A_639 = arith.subi %get3A_626, %sub3A_638 : vector<16xi32>
      %select_n3A_640 = arith.select %and3A_633, %sub3A_639, %add3A_637 : vector<16xi1>, vector<16xi32>
      %swap3A_641 = arith.constant 32 : index
      %swap3A_642 = tpu.vector_load %arg10[%swap3A_641] {strides = array<i32>} : memref<128xi32, #tpu.memory_space<vmem>>, vector<16xi32>,
      tpu.vector_store %arg10[%swap3A_641], %select_n3A_640 {strides = array<i32>} : memref<128xi32, #tpu.memory_space<vmem>>, vector<16xi32>,
      %add3A_643 = arith.constant 48 : i32
      %add3A_644 = arith.addi %mul3A_590, %add3A_643 : i32
      %get3A_645 = arith.index_cast %add3A_644 : i32 to index
      %get3A_646 = tpu.vector_load %arg8[%get3A_645] {strides = array<i32>} : memref<12544xi32, #tpu.memory_space<vmem>>, vector<16xi32>,
      %ge3A_647 = vector.broadcast %mul3A_141 : i32 to vector<16xi32>
      %ge3A_648 = arith.cmpi sge, %get3A_646, %ge3A_647 : vector<16xi32>
      %add3A_649 = arith.constant 53248 : i32
      %add3A_650 = arith.addi %mul3A_141, %add3A_649 : i32
      %lt3A_651 = vector.broadcast %add3A_650 : i32 to vector<16xi32>
      %lt3A_652 = arith.cmpi slt, %get3A_646, %lt3A_651 : vector<16xi32>
      %and3A_653 = arith.andi %ge3A_648, %lt3A_652 : vector<16xi1>
      %iota3A_654 = tpu.iota {dimensions = array<i32: 0>} : vector<16xi32>
      %add3A_655 = arith.constant 53296 : i32
      %add3A_656 = vector.broadcast %add3A_655 : i32 to vector<16xi32>
      %add3A_657 = arith.addi %add3A_656, %iota3A_654 : vector<16xi32>
      %sub3A_658 = vector.broadcast %mul3A_141 : i32 to vector<16xi32>
      %sub3A_659 = arith.subi %get3A_646, %sub3A_658 : vector<16xi32>
      %select_n3A_660 = arith.select %and3A_653, %sub3A_659, %add3A_657 : vector<16xi1>, vector<16xi32>
      %swap3A_661 = arith.constant 48 : index
      %swap3A_662 = tpu.vector_load %arg10[%swap3A_661] {strides = array<i32>} : memref<128xi32, #tpu.memory_space<vmem>>, vector<16xi32>,
      tpu.vector_store %arg10[%swap3A_661], %select_n3A_660 {strides = array<i32>} : memref<128xi32, #tpu.memory_space<vmem>>, vector<16xi32>,
      %add3A_663 = arith.constant 64 : i32
      %add3A_664 = arith.addi %mul3A_590, %add3A_663 : i32
      %get3A_665 = arith.index_cast %add3A_664 : i32 to index
      %get3A_666 = tpu.vector_load %arg8[%get3A_665] {strides = array<i32>} : memref<12544xi32, #tpu.memory_space<vmem>>, vector<16xi32>,
      %ge3A_667 = vector.broadcast %mul3A_141 : i32 to vector<16xi32>
      %ge3A_668 = arith.cmpi sge, %get3A_666, %ge3A_667 : vector<16xi32>
      %add3A_669 = arith.constant 53248 : i32
      %add3A_670 = arith.addi %mul3A_141, %add3A_669 : i32
      %lt3A_671 = vector.broadcast %add3A_670 : i32 to vector<16xi32>
      %lt3A_672 = arith.cmpi slt, %get3A_666, %lt3A_671 : vector<16xi32>
      %and3A_673 = arith.andi %ge3A_668, %lt3A_672 : vector<16xi1>
      %iota3A_674 = tpu.iota {dimensions = array<i32: 0>} : vector<16xi32>
      %add3A_675 = arith.constant 53312 : i32
      %add3A_676 = vector.broadcast %add3A_675 : i32 to vector<16xi32>
      %add3A_677 = arith.addi %add3A_676, %iota3A_674 : vector<16xi32>
      %sub3A_678 = vector.broadcast %mul3A_141 : i32 to vector<16xi32>
      %sub3A_679 = arith.subi %get3A_666, %sub3A_678 : vector<16xi32>
      %select_n3A_680 = arith.select %and3A_673, %sub3A_679, %add3A_677 : vector<16xi1>, vector<16xi32>
      %swap3A_681 = arith.constant 64 : index
      %swap3A_682 = tpu.vector_load %arg10[%swap3A_681] {strides = array<i32>} : memref<128xi32, #tpu.memory_space<vmem>>, vector<16xi32>,
      tpu.vector_store %arg10[%swap3A_681], %select_n3A_680 {strides = array<i32>} : memref<128xi32, #tpu.memory_space<vmem>>, vector<16xi32>,
      %add3A_683 = arith.constant 80 : i32
      %add3A_684 = arith.addi %mul3A_590, %add3A_683 : i32
      %get3A_685 = arith.index_cast %add3A_684 : i32 to index
      %get3A_686 = tpu.vector_load %arg8[%get3A_685] {strides = array<i32>} : memref<12544xi32, #tpu.memory_space<vmem>>, vector<16xi32>,
      %ge3A_687 = vector.broadcast %mul3A_141 : i32 to vector<16xi32>
      %ge3A_688 = arith.cmpi sge, %get3A_686, %ge3A_687 : vector<16xi32>
      %add3A_689 = arith.constant 53248 : i32
      %add3A_690 = arith.addi %mul3A_141, %add3A_689 : i32
      %lt3A_691 = vector.broadcast %add3A_690 : i32 to vector<16xi32>
      %lt3A_692 = arith.cmpi slt, %get3A_686, %lt3A_691 : vector<16xi32>
      %and3A_693 = arith.andi %ge3A_688, %lt3A_692 : vector<16xi1>
      %iota3A_694 = tpu.iota {dimensions = array<i32: 0>} : vector<16xi32>
      %add3A_695 = arith.constant 53328 : i32
      %add3A_696 = vector.broadcast %add3A_695 : i32 to vector<16xi32>
      %add3A_697 = arith.addi %add3A_696, %iota3A_694 : vector<16xi32>
      %sub3A_698 = vector.broadcast %mul3A_141 : i32 to vector<16xi32>
      %sub3A_699 = arith.subi %get3A_686, %sub3A_698 : vector<16xi32>
      %select_n3A_700 = arith.select %and3A_693, %sub3A_699, %add3A_697 : vector<16xi1>, vector<16xi32>
      %swap3A_701 = arith.constant 80 : index
      %swap3A_702 = tpu.vector_load %arg10[%swap3A_701] {strides = array<i32>} : memref<128xi32, #tpu.memory_space<vmem>>, vector<16xi32>,
      tpu.vector_store %arg10[%swap3A_701], %select_n3A_700 {strides = array<i32>} : memref<128xi32, #tpu.memory_space<vmem>>, vector<16xi32>,
      %add3A_703 = arith.constant 96 : i32
      %add3A_704 = arith.addi %mul3A_590, %add3A_703 : i32
      %get3A_705 = arith.index_cast %add3A_704 : i32 to index
      %get3A_706 = tpu.vector_load %arg8[%get3A_705] {strides = array<i32>} : memref<12544xi32, #tpu.memory_space<vmem>>, vector<16xi32>,
      %ge3A_707 = vector.broadcast %mul3A_141 : i32 to vector<16xi32>
      %ge3A_708 = arith.cmpi sge, %get3A_706, %ge3A_707 : vector<16xi32>
      %add3A_709 = arith.constant 53248 : i32
      %add3A_710 = arith.addi %mul3A_141, %add3A_709 : i32
      %lt3A_711 = vector.broadcast %add3A_710 : i32 to vector<16xi32>
      %lt3A_712 = arith.cmpi slt, %get3A_706, %lt3A_711 : vector<16xi32>
      %and3A_713 = arith.andi %ge3A_708, %lt3A_712 : vector<16xi1>
      %iota3A_714 = tpu.iota {dimensions = array<i32: 0>} : vector<16xi32>
      %add3A_715 = arith.constant 53344 : i32
      %add3A_716 = vector.broadcast %add3A_715 : i32 to vector<16xi32>
      %add3A_717 = arith.addi %add3A_716, %iota3A_714 : vector<16xi32>
      %sub3A_718 = vector.broadcast %mul3A_141 : i32 to vector<16xi32>
      %sub3A_719 = arith.subi %get3A_706, %sub3A_718 : vector<16xi32>
      %select_n3A_720 = arith.select %and3A_713, %sub3A_719, %add3A_717 : vector<16xi1>, vector<16xi32>
      %swap3A_721 = arith.constant 96 : index
      %swap3A_722 = tpu.vector_load %arg10[%swap3A_721] {strides = array<i32>} : memref<128xi32, #tpu.memory_space<vmem>>, vector<16xi32>,
      tpu.vector_store %arg10[%swap3A_721], %select_n3A_720 {strides = array<i32>} : memref<128xi32, #tpu.memory_space<vmem>>, vector<16xi32>,
      %add3A_723 = arith.constant 112 : i32
      %add3A_724 = arith.addi %mul3A_590, %add3A_723 : i32
      %get3A_725 = arith.index_cast %add3A_724 : i32 to index
      %get3A_726 = tpu.vector_load %arg8[%get3A_725] {strides = array<i32>} : memref<12544xi32, #tpu.memory_space<vmem>>, vector<16xi32>,
      %ge3A_727 = vector.broadcast %mul3A_141 : i32 to vector<16xi32>
      %ge3A_728 = arith.cmpi sge, %get3A_726, %ge3A_727 : vector<16xi32>
      %add3A_729 = arith.constant 53248 : i32
      %add3A_730 = arith.addi %mul3A_141, %add3A_729 : i32
      %lt3A_731 = vector.broadcast %add3A_730 : i32 to vector<16xi32>
      %lt3A_732 = arith.cmpi slt, %get3A_726, %lt3A_731 : vector<16xi32>
      %and3A_733 = arith.andi %ge3A_728, %lt3A_732 : vector<16xi1>
      %iota3A_734 = tpu.iota {dimensions = array<i32: 0>} : vector<16xi32>
      %add3A_735 = arith.constant 53360 : i32
      %add3A_736 = vector.broadcast %add3A_735 : i32 to vector<16xi32>
      %add3A_737 = arith.addi %add3A_736, %iota3A_734 : vector<16xi32>
      %sub3A_738 = vector.broadcast %mul3A_141 : i32 to vector<16xi32>
      %sub3A_739 = arith.subi %get3A_726, %sub3A_738 : vector<16xi32>
      %select_n3A_740 = arith.select %and3A_733, %sub3A_739, %add3A_737 : vector<16xi1>, vector<16xi32>
      %swap3A_741 = arith.constant 112 : index
      %swap3A_742 = tpu.vector_load %arg10[%swap3A_741] {strides = array<i32>} : memref<128xi32, #tpu.memory_space<vmem>>, vector<16xi32>,
      tpu.vector_store %arg10[%swap3A_741], %select_n3A_740 {strides = array<i32>} : memref<128xi32, #tpu.memory_space<vmem>>, vector<16xi32>,
      %mul3A_743 = arith.constant 96 : i32
      %mul3A_744 = arith.constant 128 : i32
      %mul3A_745 = arith.muli %mul3A_743, %mul3A_744 : i32
      %add3A_746 = arith.addi %mul3A_0, %mul3A_745 : i32
      %dma_wait3A_747 = arith.constant 0 : i32
      %dma_wait3A_748 = tpu.memref_slice %arg6[%add3A_746, %dma_wait3A_747] : memref<200704x32xf32, #tpu.memory_space<hbm>> -> memref<128x32xf32, #tpu.memory_space<hbm>>
      %dma_wait3A_749 = arith.constant 0 : i32
      %dma_wait3A_750 = tpu.memref_slice %arg6[%add3A_746, %dma_wait3A_749] : memref<200704x32xf32, #tpu.memory_space<hbm>> -> memref<128x32xf32, #tpu.memory_space<hbm>>
      tpu.wait_dma2 semaphore(%arg15 : memref<!tpu.dma_semaphore, #tpu.memory_space<semaphore_mem>>) src(%dma_wait3A_750 : memref<128x32xf32, #tpu.memory_space<hbm>>) dst(%arg12 : memref<128x32xf32, #tpu.memory_space<vmem>>)
      "tpu.region"() ({
        %run_scoped3A = tpu.sem_alloc : memref<!tpu.dma_semaphore, #tpu.memory_space<semaphore_mem>>
        %dma_start3A_933 = arith.constant 0 : i32
        %dma_start3A_934 = arith.constant 0 : i32
        %dma_start3A_935 = tpu.memref_slice %arg14[%dma_start3A_933, %dma_start3A_934] : memref<53376x32xf32, #tpu.memory_space<vmem_shared>> -> memref<53376x32xf32, #tpu.memory_space<vmem_shared>>
        tpu.enqueue_indirect_dma source(%arg12 : memref<128x32xf32, #tpu.memory_space<vmem>>) target(%dma_start3A_935 : memref<53376x32xf32, #tpu.memory_space<vmem_shared>>) offsets(%arg10 : memref<128xi32, #tpu.memory_space<vmem>>) semaphore(%run_scoped3A : memref<!tpu.dma_semaphore, #tpu.memory_space<semaphore_mem>>) {add = true}
        %dma_wait3A_936 = arith.constant 0 : i32
        %dma_wait3A_937 = arith.constant 0 : i32
        %dma_wait3A_938 = tpu.memref_slice %arg14[%dma_wait3A_936, %dma_wait3A_937] : memref<53376x32xf32, #tpu.memory_space<vmem_shared>> -> memref<53376x32xf32, #tpu.memory_space<vmem_shared>>
        tpu.wait_indirect_dma semaphore(%run_scoped3A : memref<!tpu.dma_semaphore, #tpu.memory_space<semaphore_mem>>) src(%arg12 : memref<128x32xf32, #tpu.memory_space<vmem>>) dst(%dma_wait3A_938 : memref<53376x32xf32, #tpu.memory_space<vmem_shared>>)
        tpu.yield
      }) : () -> ()
      %mul3A_751 = arith.constant 97 : i32
      %mul3A_752 = arith.constant 128 : i32
      %mul3A_753 = arith.muli %mul3A_751, %mul3A_752 : i32
      %add3A_754 = arith.constant 0 : i32
      %add3A_755 = arith.addi %mul3A_753, %add3A_754 : i32
      %get3A_756 = arith.index_cast %add3A_755 : i32 to index
      %get3A_757 = tpu.vector_load %arg8[%get3A_756] {strides = array<i32>} : memref<12544xi32, #tpu.memory_space<vmem>>, vector<16xi32>,
      %ge3A_758 = vector.broadcast %mul3A_141 : i32 to vector<16xi32>
      %ge3A_759 = arith.cmpi sge, %get3A_757, %ge3A_758 : vector<16xi32>
      %add3A_760 = arith.constant 53248 : i32
      %add3A_761 = arith.addi %mul3A_141, %add3A_760 : i32
      %lt3A_762 = vector.broadcast %add3A_761 : i32 to vector<16xi32>
      %lt3A_763 = arith.cmpi slt, %get3A_757, %lt3A_762 : vector<16xi32>
      %and3A_764 = arith.andi %ge3A_759, %lt3A_763 : vector<16xi1>
      %iota3A_765 = tpu.iota {dimensions = array<i32: 0>} : vector<16xi32>
      %add3A_766 = arith.constant 53248 : i32
      %add3A_767 = vector.broadcast %add3A_766 : i32 to vector<16xi32>
      %add3A_768 = arith.addi %add3A_767, %iota3A_765 : vector<16xi32>
      %sub3A_769 = vector.broadcast %mul3A_141 : i32 to vector<16xi32>
      %sub3A_770 = arith.subi %get3A_757, %sub3A_769 : vector<16xi32>
      %select_n3A_771 = arith.select %and3A_764, %sub3A_770, %add3A_768 : vector<16xi1>, vector<16xi32>
      %swap3A_772 = arith.constant 0 : index
      %swap3A_773 = tpu.vector_load %arg11[%swap3A_772] {strides = array<i32>} : memref<128xi32, #tpu.memory_space<vmem>>, vector<16xi32>,
      tpu.vector_store %arg11[%swap3A_772], %select_n3A_771 {strides = array<i32>} : memref<128xi32, #tpu.memory_space<vmem>>, vector<16xi32>,
      %add3A_774 = arith.constant 16 : i32
      %add3A_775 = arith.addi %mul3A_753, %add3A_774 : i32
      %get3A_776 = arith.index_cast %add3A_775 : i32 to index
      %get3A_777 = tpu.vector_load %arg8[%get3A_776] {strides = array<i32>} : memref<12544xi32, #tpu.memory_space<vmem>>, vector<16xi32>,
      %ge3A_778 = vector.broadcast %mul3A_141 : i32 to vector<16xi32>
      %ge3A_779 = arith.cmpi sge, %get3A_777, %ge3A_778 : vector<16xi32>
      %add3A_780 = arith.constant 53248 : i32
      %add3A_781 = arith.addi %mul3A_141, %add3A_780 : i32
      %lt3A_782 = vector.broadcast %add3A_781 : i32 to vector<16xi32>
      %lt3A_783 = arith.cmpi slt, %get3A_777, %lt3A_782 : vector<16xi32>
      %and3A_784 = arith.andi %ge3A_779, %lt3A_783 : vector<16xi1>
      %iota3A_785 = tpu.iota {dimensions = array<i32: 0>} : vector<16xi32>
      %add3A_786 = arith.constant 53264 : i32
      %add3A_787 = vector.broadcast %add3A_786 : i32 to vector<16xi32>
      %add3A_788 = arith.addi %add3A_787, %iota3A_785 : vector<16xi32>
      %sub3A_789 = vector.broadcast %mul3A_141 : i32 to vector<16xi32>
      %sub3A_790 = arith.subi %get3A_777, %sub3A_789 : vector<16xi32>
      %select_n3A_791 = arith.select %and3A_784, %sub3A_790, %add3A_788 : vector<16xi1>, vector<16xi32>
      %swap3A_792 = arith.constant 16 : index
      %swap3A_793 = tpu.vector_load %arg11[%swap3A_792] {strides = array<i32>} : memref<128xi32, #tpu.memory_space<vmem>>, vector<16xi32>,
      tpu.vector_store %arg11[%swap3A_792], %select_n3A_791 {strides = array<i32>} : memref<128xi32, #tpu.memory_space<vmem>>, vector<16xi32>,
      %add3A_794 = arith.constant 32 : i32
      %add3A_795 = arith.addi %mul3A_753, %add3A_794 : i32
      %get3A_796 = arith.index_cast %add3A_795 : i32 to index
      %get3A_797 = tpu.vector_load %arg8[%get3A_796] {strides = array<i32>} : memref<12544xi32, #tpu.memory_space<vmem>>, vector<16xi32>,
      %ge3A_798 = vector.broadcast %mul3A_141 : i32 to vector<16xi32>
      %ge3A_799 = arith.cmpi sge, %get3A_797, %ge3A_798 : vector<16xi32>
      %add3A_800 = arith.constant 53248 : i32
      %add3A_801 = arith.addi %mul3A_141, %add3A_800 : i32
      %lt3A_802 = vector.broadcast %add3A_801 : i32 to vector<16xi32>
      %lt3A_803 = arith.cmpi slt, %get3A_797, %lt3A_802 : vector<16xi32>
      %and3A_804 = arith.andi %ge3A_799, %lt3A_803 : vector<16xi1>
      %iota3A_805 = tpu.iota {dimensions = array<i32: 0>} : vector<16xi32>
      %add3A_806 = arith.constant 53280 : i32
      %add3A_807 = vector.broadcast %add3A_806 : i32 to vector<16xi32>
      %add3A_808 = arith.addi %add3A_807, %iota3A_805 : vector<16xi32>
      %sub3A_809 = vector.broadcast %mul3A_141 : i32 to vector<16xi32>
      %sub3A_810 = arith.subi %get3A_797, %sub3A_809 : vector<16xi32>
      %select_n3A_811 = arith.select %and3A_804, %sub3A_810, %add3A_808 : vector<16xi1>, vector<16xi32>
      %swap3A_812 = arith.constant 32 : index
      %swap3A_813 = tpu.vector_load %arg11[%swap3A_812] {strides = array<i32>} : memref<128xi32, #tpu.memory_space<vmem>>, vector<16xi32>,
      tpu.vector_store %arg11[%swap3A_812], %select_n3A_811 {strides = array<i32>} : memref<128xi32, #tpu.memory_space<vmem>>, vector<16xi32>,
      %add3A_814 = arith.constant 48 : i32
      %add3A_815 = arith.addi %mul3A_753, %add3A_814 : i32
      %get3A_816 = arith.index_cast %add3A_815 : i32 to index
      %get3A_817 = tpu.vector_load %arg8[%get3A_816] {strides = array<i32>} : memref<12544xi32, #tpu.memory_space<vmem>>, vector<16xi32>,
      %ge3A_818 = vector.broadcast %mul3A_141 : i32 to vector<16xi32>
      %ge3A_819 = arith.cmpi sge, %get3A_817, %ge3A_818 : vector<16xi32>
      %add3A_820 = arith.constant 53248 : i32
      %add3A_821 = arith.addi %mul3A_141, %add3A_820 : i32
      %lt3A_822 = vector.broadcast %add3A_821 : i32 to vector<16xi32>
      %lt3A_823 = arith.cmpi slt, %get3A_817, %lt3A_822 : vector<16xi32>
      %and3A_824 = arith.andi %ge3A_819, %lt3A_823 : vector<16xi1>
      %iota3A_825 = tpu.iota {dimensions = array<i32: 0>} : vector<16xi32>
      %add3A_826 = arith.constant 53296 : i32
      %add3A_827 = vector.broadcast %add3A_826 : i32 to vector<16xi32>
      %add3A_828 = arith.addi %add3A_827, %iota3A_825 : vector<16xi32>
      %sub3A_829 = vector.broadcast %mul3A_141 : i32 to vector<16xi32>
      %sub3A_830 = arith.subi %get3A_817, %sub3A_829 : vector<16xi32>
      %select_n3A_831 = arith.select %and3A_824, %sub3A_830, %add3A_828 : vector<16xi1>, vector<16xi32>
      %swap3A_832 = arith.constant 48 : index
      %swap3A_833 = tpu.vector_load %arg11[%swap3A_832] {strides = array<i32>} : memref<128xi32, #tpu.memory_space<vmem>>, vector<16xi32>,
      tpu.vector_store %arg11[%swap3A_832], %select_n3A_831 {strides = array<i32>} : memref<128xi32, #tpu.memory_space<vmem>>, vector<16xi32>,
      %add3A_834 = arith.constant 64 : i32
      %add3A_835 = arith.addi %mul3A_753, %add3A_834 : i32
      %get3A_836 = arith.index_cast %add3A_835 : i32 to index
      %get3A_837 = tpu.vector_load %arg8[%get3A_836] {strides = array<i32>} : memref<12544xi32, #tpu.memory_space<vmem>>, vector<16xi32>,
      %ge3A_838 = vector.broadcast %mul3A_141 : i32 to vector<16xi32>
      %ge3A_839 = arith.cmpi sge, %get3A_837, %ge3A_838 : vector<16xi32>
      %add3A_840 = arith.constant 53248 : i32
      %add3A_841 = arith.addi %mul3A_141, %add3A_840 : i32
      %lt3A_842 = vector.broadcast %add3A_841 : i32 to vector<16xi32>
      %lt3A_843 = arith.cmpi slt, %get3A_837, %lt3A_842 : vector<16xi32>
      %and3A_844 = arith.andi %ge3A_839, %lt3A_843 : vector<16xi1>
      %iota3A_845 = tpu.iota {dimensions = array<i32: 0>} : vector<16xi32>
      %add3A_846 = arith.constant 53312 : i32
      %add3A_847 = vector.broadcast %add3A_846 : i32 to vector<16xi32>
      %add3A_848 = arith.addi %add3A_847, %iota3A_845 : vector<16xi32>
      %sub3A_849 = vector.broadcast %mul3A_141 : i32 to vector<16xi32>
      %sub3A_850 = arith.subi %get3A_837, %sub3A_849 : vector<16xi32>
      %select_n3A_851 = arith.select %and3A_844, %sub3A_850, %add3A_848 : vector<16xi1>, vector<16xi32>
      %swap3A_852 = arith.constant 64 : index
      %swap3A_853 = tpu.vector_load %arg11[%swap3A_852] {strides = array<i32>} : memref<128xi32, #tpu.memory_space<vmem>>, vector<16xi32>,
      tpu.vector_store %arg11[%swap3A_852], %select_n3A_851 {strides = array<i32>} : memref<128xi32, #tpu.memory_space<vmem>>, vector<16xi32>,
      %add3A_854 = arith.constant 80 : i32
      %add3A_855 = arith.addi %mul3A_753, %add3A_854 : i32
      %get3A_856 = arith.index_cast %add3A_855 : i32 to index
      %get3A_857 = tpu.vector_load %arg8[%get3A_856] {strides = array<i32>} : memref<12544xi32, #tpu.memory_space<vmem>>, vector<16xi32>,
      %ge3A_858 = vector.broadcast %mul3A_141 : i32 to vector<16xi32>
      %ge3A_859 = arith.cmpi sge, %get3A_857, %ge3A_858 : vector<16xi32>
      %add3A_860 = arith.constant 53248 : i32
      %add3A_861 = arith.addi %mul3A_141, %add3A_860 : i32
      %lt3A_862 = vector.broadcast %add3A_861 : i32 to vector<16xi32>
      %lt3A_863 = arith.cmpi slt, %get3A_857, %lt3A_862 : vector<16xi32>
      %and3A_864 = arith.andi %ge3A_859, %lt3A_863 : vector<16xi1>
      %iota3A_865 = tpu.iota {dimensions = array<i32: 0>} : vector<16xi32>
      %add3A_866 = arith.constant 53328 : i32
      %add3A_867 = vector.broadcast %add3A_866 : i32 to vector<16xi32>
      %add3A_868 = arith.addi %add3A_867, %iota3A_865 : vector<16xi32>
      %sub3A_869 = vector.broadcast %mul3A_141 : i32 to vector<16xi32>
      %sub3A_870 = arith.subi %get3A_857, %sub3A_869 : vector<16xi32>
      %select_n3A_871 = arith.select %and3A_864, %sub3A_870, %add3A_868 : vector<16xi1>, vector<16xi32>
      %swap3A_872 = arith.constant 80 : index
      %swap3A_873 = tpu.vector_load %arg11[%swap3A_872] {strides = array<i32>} : memref<128xi32, #tpu.memory_space<vmem>>, vector<16xi32>,
      tpu.vector_store %arg11[%swap3A_872], %select_n3A_871 {strides = array<i32>} : memref<128xi32, #tpu.memory_space<vmem>>, vector<16xi32>,
      %add3A_874 = arith.constant 96 : i32
      %add3A_875 = arith.addi %mul3A_753, %add3A_874 : i32
      %get3A_876 = arith.index_cast %add3A_875 : i32 to index
      %get3A_877 = tpu.vector_load %arg8[%get3A_876] {strides = array<i32>} : memref<12544xi32, #tpu.memory_space<vmem>>, vector<16xi32>,
      %ge3A_878 = vector.broadcast %mul3A_141 : i32 to vector<16xi32>
      %ge3A_879 = arith.cmpi sge, %get3A_877, %ge3A_878 : vector<16xi32>
      %add3A_880 = arith.constant 53248 : i32
      %add3A_881 = arith.addi %mul3A_141, %add3A_880 : i32
      %lt3A_882 = vector.broadcast %add3A_881 : i32 to vector<16xi32>
      %lt3A_883 = arith.cmpi slt, %get3A_877, %lt3A_882 : vector<16xi32>
      %and3A_884 = arith.andi %ge3A_879, %lt3A_883 : vector<16xi1>
      %iota3A_885 = tpu.iota {dimensions = array<i32: 0>} : vector<16xi32>
      %add3A_886 = arith.constant 53344 : i32
      %add3A_887 = vector.broadcast %add3A_886 : i32 to vector<16xi32>
      %add3A_888 = arith.addi %add3A_887, %iota3A_885 : vector<16xi32>
      %sub3A_889 = vector.broadcast %mul3A_141 : i32 to vector<16xi32>
      %sub3A_890 = arith.subi %get3A_877, %sub3A_889 : vector<16xi32>
      %select_n3A_891 = arith.select %and3A_884, %sub3A_890, %add3A_888 : vector<16xi1>, vector<16xi32>
      %swap3A_892 = arith.constant 96 : index
      %swap3A_893 = tpu.vector_load %arg11[%swap3A_892] {strides = array<i32>} : memref<128xi32, #tpu.memory_space<vmem>>, vector<16xi32>,
      tpu.vector_store %arg11[%swap3A_892], %select_n3A_891 {strides = array<i32>} : memref<128xi32, #tpu.memory_space<vmem>>, vector<16xi32>,
      %add3A_894 = arith.constant 112 : i32
      %add3A_895 = arith.addi %mul3A_753, %add3A_894 : i32
      %get3A_896 = arith.index_cast %add3A_895 : i32 to index
      %get3A_897 = tpu.vector_load %arg8[%get3A_896] {strides = array<i32>} : memref<12544xi32, #tpu.memory_space<vmem>>, vector<16xi32>,
      %ge3A_898 = vector.broadcast %mul3A_141 : i32 to vector<16xi32>
      %ge3A_899 = arith.cmpi sge, %get3A_897, %ge3A_898 : vector<16xi32>
      %add3A_900 = arith.constant 53248 : i32
      %add3A_901 = arith.addi %mul3A_141, %add3A_900 : i32
      %lt3A_902 = vector.broadcast %add3A_901 : i32 to vector<16xi32>
      %lt3A_903 = arith.cmpi slt, %get3A_897, %lt3A_902 : vector<16xi32>
      %and3A_904 = arith.andi %ge3A_899, %lt3A_903 : vector<16xi1>
      %iota3A_905 = tpu.iota {dimensions = array<i32: 0>} : vector<16xi32>
      %add3A_906 = arith.constant 53360 : i32
      %add3A_907 = vector.broadcast %add3A_906 : i32 to vector<16xi32>
      %add3A_908 = arith.addi %add3A_907, %iota3A_905 : vector<16xi32>
      %sub3A_909 = vector.broadcast %mul3A_141 : i32 to vector<16xi32>
      %sub3A_910 = arith.subi %get3A_897, %sub3A_909 : vector<16xi32>
      %select_n3A_911 = arith.select %and3A_904, %sub3A_910, %add3A_908 : vector<16xi1>, vector<16xi32>
      %swap3A_912 = arith.constant 112 : index
      %swap3A_913 = tpu.vector_load %arg11[%swap3A_912] {strides = array<i32>} : memref<128xi32, #tpu.memory_space<vmem>>, vector<16xi32>,
      tpu.vector_store %arg11[%swap3A_912], %select_n3A_911 {strides = array<i32>} : memref<128xi32, #tpu.memory_space<vmem>>, vector<16xi32>,
      %mul3A_914 = arith.constant 97 : i32
      %mul3A_915 = arith.constant 128 : i32
      %mul3A_916 = arith.muli %mul3A_914, %mul3A_915 : i32
      %add3A_917 = arith.addi %mul3A_0, %mul3A_916 : i32
      %dma_wait3A_918 = arith.constant 0 : i32
      %dma_wait3A_919 = tpu.memref_slice %arg6[%add3A_917, %dma_wait3A_918] : memref<200704x32xf32, #tpu.memory_space<hbm>> -> memref<128x32xf32, #tpu.memory_space<hbm>>
      %dma_wait3A_920 = arith.constant 0 : i32
      %dma_wait3A_921 = tpu.memref_slice %arg6[%add3A_917, %dma_wait3A_920] : memref<200704x32xf32, #tpu.memory_space<hbm>> -> memref<128x32xf32, #tpu.memory_space<hbm>>
      tpu.wait_dma2 semaphore(%arg16 : memref<!tpu.dma_semaphore, #tpu.memory_space<semaphore_mem>>) src(%dma_wait3A_921 : memref<128x32xf32, #tpu.memory_space<hbm>>) dst(%arg13 : memref<128x32xf32, #tpu.memory_space<vmem>>)
      "tpu.region"() ({
        %run_scoped3A = tpu.sem_alloc : memref<!tpu.dma_semaphore, #tpu.memory_space<semaphore_mem>>
        %dma_start3A_933 = arith.constant 0 : i32
        %dma_start3A_934 = arith.constant 0 : i32
        %dma_start3A_935 = tpu.memref_slice %arg14[%dma_start3A_933, %dma_start3A_934] : memref<53376x32xf32, #tpu.memory_space<vmem_shared>> -> memref<53376x32xf32, #tpu.memory_space<vmem_shared>>
        tpu.enqueue_indirect_dma source(%arg13 : memref<128x32xf32, #tpu.memory_space<vmem>>) target(%dma_start3A_935 : memref<53376x32xf32, #tpu.memory_space<vmem_shared>>) offsets(%arg11 : memref<128xi32, #tpu.memory_space<vmem>>) semaphore(%run_scoped3A : memref<!tpu.dma_semaphore, #tpu.memory_space<semaphore_mem>>) {add = true}
        %dma_wait3A_936 = arith.constant 0 : i32
        %dma_wait3A_937 = arith.constant 0 : i32
        %dma_wait3A_938 = tpu.memref_slice %arg14[%dma_wait3A_936, %dma_wait3A_937] : memref<53376x32xf32, #tpu.memory_space<vmem_shared>> -> memref<53376x32xf32, #tpu.memory_space<vmem_shared>>
        tpu.wait_indirect_dma semaphore(%run_scoped3A : memref<!tpu.dma_semaphore, #tpu.memory_space<semaphore_mem>>) src(%arg13 : memref<128x32xf32, #tpu.memory_space<vmem>>) dst(%dma_wait3A_938 : memref<53376x32xf32, #tpu.memory_space<vmem_shared>>)
        tpu.yield
      }) : () -> ()
      %barrier3A_922 = arith.constant 0 : index
      tpu.barrier barrier_id(%barrier3A_922)
      %add3A_923 = arith.constant 53248 : i32
      %add3A_924 = arith.addi %mul3A_141, %add3A_923 : i32
      %le3A = arith.constant 524288 : i32
      %le3A_925 = arith.cmpi sle, %add3A_924, %le3A : i32
      %convert_element_type3A_926 = arith.extui %le3A_925 : i1 to i32
      %cond3A_927 = arith.constant 0 : i32
      %cond3A_928 = arith.cmpi ne, %convert_element_type3A_926, %cond3A_927 : i32
      scf.if %cond3A_928 {
        %mul3A_933 = arith.constant 3328 : i32
        %mul3A_934 = arith.muli %arg1, %mul3A_933 : i32
        %mul3A_935 = arith.constant 3328 : i32
        %mul3A_936 = arith.muli %arg1, %mul3A_935 : i32
        %add3A_937 = arith.addi %mul3A_141, %mul3A_936 : i32
        %dma_start3A_938 = arith.constant 0 : i32
        %dma_start3A_939 = tpu.memref_slice %arg7[%add3A_937, %dma_start3A_938] : memref<524288x32xf32, #tpu.memory_space<hbm>> -> memref<3328x32xf32, #tpu.memory_space<hbm>>
        %dma_start3A_940 = arith.constant 0 : i32
        %dma_start3A_941 = tpu.memref_slice %arg14[%mul3A_934, %dma_start3A_940] : memref<53376x32xf32, #tpu.memory_space<vmem_shared>> -> memref<3328x32xf32, #tpu.memory_space<vmem_shared>>
        tpu.enqueue_dma source(%dma_start3A_941 : memref<3328x32xf32, #tpu.memory_space<vmem_shared>>) target(%dma_start3A_939 : memref<3328x32xf32, #tpu.memory_space<hbm>>) target_semaphore(%arg17 : memref<!tpu.dma_semaphore, #tpu.memory_space<semaphore_mem>>)
      } else {
      }
      %not3A = arith.constant true
      %not3A_929 = arith.xori %le3A_925, %not3A : i1
      %convert_element_type3A_930 = arith.extui %not3A_929 : i1 to i32
      %cond3A_931 = arith.constant 0 : i32
      %cond3A_932 = arith.cmpi ne, %convert_element_type3A_930, %cond3A_931 : i32
      scf.if %cond3A_932 {
        %mul3A_933 = arith.constant 2816 : i32
        %mul3A_934 = arith.muli %arg1, %mul3A_933 : i32
        %mul3A_935 = arith.constant 2816 : i32
        %mul3A_936 = arith.muli %arg1, %mul3A_935 : i32
        %add3A_937 = arith.addi %mul3A_141, %mul3A_936 : i32
        "tpu.region"() ({
          %run_scoped3A = tpu.sem_alloc : memref<!tpu.dma_semaphore, #tpu.memory_space<semaphore_mem>>
          %dma_start3A_938 = arith.constant 0 : i32
          %dma_start3A_939 = tpu.memref_slice %arg7[%add3A_937, %dma_start3A_938] : memref<524288x32xf32, #tpu.memory_space<hbm>> -> memref<2816x32xf32, #tpu.memory_space<hbm>>
          %dma_start3A_940 = arith.constant 0 : i32
          %dma_start3A_941 = tpu.memref_slice %arg14[%mul3A_934, %dma_start3A_940] : memref<53376x32xf32, #tpu.memory_space<vmem_shared>> -> memref<2816x32xf32, #tpu.memory_space<vmem_shared>>
          tpu.enqueue_dma source(%dma_start3A_941 : memref<2816x32xf32, #tpu.memory_space<vmem_shared>>) target(%dma_start3A_939 : memref<2816x32xf32, #tpu.memory_space<hbm>>) target_semaphore(%run_scoped3A : memref<!tpu.dma_semaphore, #tpu.memory_space<semaphore_mem>>)
          %dma_wait3A_942 = arith.constant 0 : i32
          %dma_wait3A_943 = tpu.memref_slice %arg7[%add3A_937, %dma_wait3A_942] : memref<524288x32xf32, #tpu.memory_space<hbm>> -> memref<2816x32xf32, #tpu.memory_space<hbm>>
          %dma_wait3A_944 = arith.constant 0 : i32
          %dma_wait3A_945 = tpu.memref_slice %arg14[%mul3A_934, %dma_wait3A_944] : memref<53376x32xf32, #tpu.memory_space<vmem_shared>> -> memref<2816x32xf32, #tpu.memory_space<vmem_shared>>
          tpu.wait_dma2 semaphore(%run_scoped3A : memref<!tpu.dma_semaphore, #tpu.memory_space<semaphore_mem>>) src(%dma_wait3A_945 : memref<2816x32xf32, #tpu.memory_space<vmem_shared>>) dst(%dma_wait3A_943 : memref<2816x32xf32, #tpu.memory_space<hbm>>)
          tpu.yield
        }) : () -> ()
      } else {
      }
    }
    %scan3A_133 = arith.constant 5 : i32
    %eq3A = arith.constant 0 : i32
    %eq3A_134 = arith.cmpi eq, %arg0, %eq3A : i32
    %convert_element_type3A = arith.extui %eq3A_134 : i1 to i32
    %cond3A = arith.constant 0 : i32
    %cond3A_135 = arith.cmpi ne, %convert_element_type3A, %cond3A : i32
    scf.if %cond3A_135 {
      %mul3A_136 = arith.constant 3328 : i32
      %mul3A_137 = arith.muli %arg1, %mul3A_136 : i32
      %mul3A_138 = arith.constant 3328 : i32
      %mul3A_139 = arith.muli %arg1, %mul3A_138 : i32
      %add3A_140 = arith.constant 425984 : i32
      %add3A_141 = arith.addi %add3A_140, %mul3A_139 : i32
      %dma_wait3A = arith.constant 0 : i32
      %dma_wait3A_142 = tpu.memref_slice %arg7[%add3A_141, %dma_wait3A] : memref<524288x32xf32, #tpu.memory_space<hbm>> -> memref<3328x32xf32, #tpu.memory_space<hbm>>
      %dma_wait3A_143 = arith.constant 0 : i32
      %dma_wait3A_144 = tpu.memref_slice %arg14[%mul3A_137, %dma_wait3A_143] : memref<53376x32xf32, #tpu.memory_space<vmem_shared>> -> memref<3328x32xf32, #tpu.memory_space<vmem_shared>>
      tpu.wait_dma2 semaphore(%arg17 : memref<!tpu.dma_semaphore, #tpu.memory_space<semaphore_mem>>) src(%dma_wait3A_144 : memref<3328x32xf32, #tpu.memory_space<vmem_shared>>) dst(%dma_wait3A_142 : memref<3328x32xf32, #tpu.memory_space<hbm>>)
    } else {
    }
    return
  }
}

</mosaic_0001>

<sc_bundles>
// kernel: kernel.3.cloned.1.call-start
scs
__scs_entry_jumppad:
0x0: {  	(pc) =	sbr.rel $0x88, $3  }
0x1: {  	(tag) =	ssettag $0x0;
	lr =	simm.s32 $0x1  }
0x2: {  	[smem:$0x3F9D] =	sst lr;
	_ =	strace $0xD0000000  }
0x3: {  	_ = 	snop  }
0x4: {  	_ = 	snop  }
0x5: {  	_ = 	snop  }
0x6: {  	_ = 	snop  }
0x7: {  	_ = 	snop  }
__scs_overlays_trampoline_lowered:
0x8: {  	[smem:$0x3FAC] =	sst s0  }
0x9: {  	[smem:$0x3FAD] =	sst s1  }
0xa: {  	[smem:$0x3FAE] =	sst s2  }
0xb: {  	[smem:$0x3FAF] =	sst s3  }
0xc: {  	[smem:$0x3FB0] =	sst s4  }
0xd: {  	[smem:$0x3FB1] =	sst s5  }
0xe: {  	[smem:$0x3FB2] =	sst s6  }
0xf: {  	[smem:$0x3FB3] =	sst s7  }
0x10: {  	[smem:$0x3FB4] =	sst s8  }
0x11: {  	[smem:$0x3FB5] =	sst s9;
	s0 =	simm.s32 @!p0 $0x0  }
0x12: {  	s1 =	sld [smem:$0x3F9B];
	s0 =	simm.s32 @p0 $0x1  }
0x13: {  	[smem:$0x3FB6] =	sst s0;
	s0 =	simm.s32 @!p1 $0x0  }
0x14: {  	s2 =	sld [smem:$0x3F9A];
	s0 =	simm.s32 @p1 $0x1  }
0x15: {  	[smem:$0x3FB7] =	sst s0;
	s0 =	simm.s32 @!p2 $0x0  }
0x16: {  	s3 =	sld [smem:$0x3FDB];
	s0 =	simm.s32 @p2 $0x1  }
0x17: {  	s4 =	simm.s32 $0x1BF5;
	[smem:$0x3FB9] =	sst s0  }
0x18: {  	s0 =	sld [smem:$0x3F9C];
	_ =	swait.ge [sflag:s4], $0x0  }
0x19: {  	s7 =	sld [smem:$0x3F9D]  }
0x1a: {  	s8 =	sadd.s32 $0xFFFFE003, lr  }
0x1b: {  	s9 =	sadd.s32 $0xFFFFFEF7, lr;
	s5 =	simm.s32 $0xFFFFFFFF;
	p2 =	slt.u32 s8, $0xFFFFF086  }
0x1c: {  	p1 =	slt.u32 s9, $0xF7A;
	s5 =	simm.s32 @!p2 $0x0  }
0x1d: {  	s5 =	simm.s32 @p1 $0x1;
	p0 =	seq.s32 s7, s2  }
0x1e: {  	s7 =	smul.u32 @!p0 $0xF7A, s2;
	p2 =	seq.s32 @!p0 s5, $0x0  }
0x1f: {  	s9 =	smul.u32 $0xF7A, s1;
	s8 =	simm.s32 @!p0 $0x1BF5;
	p2 =	por !p2, p0  }
0x20: {  	[sflag:s8] =	ssyncset.s32 @!p0 $0xFFFFF086;
	s6 =	sadd.s32 @!p0 s3, s7;
	s7 =	simm.s32 @!p0 $0x108  }
0x21: {  	s3 =	sadd.s32 s3, s9;
	s6 =	sadd.s32 @!p0 $0x88, s6;
	s7 =	simm.s32 @p2 $0x1082  }
0x22: {  	[simem:s7], [sflag:s8] =	dma.local @!p0 [hbm:s6], $0xF7A  }
0x23: {  	s9 =	sor.u32 $0xD0000000, s2;
	s6 =	simm.s32 $0x108;
	_ =	swait.ge @!p0 [sflag:s8], $0x0  }
0x24: {  	s3 =	sadd.s32 $0x88, s3;
	s6 =	simm.s32 @!p1 $0x1082;
	[sflag:s4] =	ssyncset.s32 $0xFFFFF086  }
0x25: {  	[simem:s6], [sflag:s4] =	dma.local [hbm:s3], $0xF7A  }
0x26: {  	[smem:$0x3F9D] =	sst s1;
	(tag) =	ssettag s2;
	_ =	strace s9  }
0x27: {  	s1 =	sld [smem:$0x3FAD]  }
0x28: {  	s2 =	sld [smem:$0x3FAE]  }
0x29: {  	s4 =	sld [smem:$0x3FB0]  }
0x2a: {  	p0 =	seq.s32 s5, $0x0;
	s5 =	sld [smem:$0x3FB1]  }
0x2b: {  	s6 =	sld [smem:$0x3FB2]  }
0x2c: {  	s7 =	sld [smem:$0x3FB3]  }
0x2d: {  	s3 =	simm.s32 $0x108;
	s8 =	sld [smem:$0x3FB4]  }
0x2e: {  	s3 =	simm.s32 @!p0 $0x1082;
	s9 =	sld [smem:$0x3FB5]  }
0x2f: {  	lr =	sadd.s32 s0, s3;
	s0 =	sld [smem:$0x3FAC]  }
0x30: {  	s3 =	sld [smem:$0x3FAF]  }
0x31: {  	[smem:$0x3FB8] =	sst s10  }
0x32: {  	s10 =	sld [smem:$0x3FB6];
	_ =	sdelay $0x3  }
0x33: {  	p0 =	seq.s32 s10, $0x1;
	s10 =	sld [smem:$0x3FB8];
	_ =	sdelay $0x3  }
0x34: {  	[smem:$0x3FB8] =	sst s10  }
0x35: {  	s10 =	sld [smem:$0x3FB7];
	_ =	sdelay $0x3  }
0x36: {  	p1 =	seq.s32 s10, $0x1;
	s10 =	sld [smem:$0x3FB8];
	_ =	sdelay $0x3  }
0x37: {  	[smem:$0x3FB8] =	sst s10  }
0x38: {  	s10 =	sld [smem:$0x3FB9]  }
0x39: {  	_ = 	snop;
	(pc) =	sbr.ind lr, $3  }
0x3a: {  	_ = 	snop  }
0x3b: {  	_ = 	snop  }
0x3c: {  	p2 =	seq.s32 s10, $0x1;
	s10 =	sld [smem:$0x3FB8]  }
0x3d: {  	_ =	shalt  }
0x3e: {  	_ =	shalt  }
0x3f: {  	_ =	shalt  }
0x40: {  	_ =	shalt  }
0x41: {  	_ =	shalt  }
0x42: {  	_ =	shalt  }
0x43: {  	_ =	shalt  }
0x44: {  	_ =	shalt  }
0x45: {  	_ =	shalt  }
0x46: {  	_ =	shalt  }
0x47: {  	_ =	shalt  }
0x48: {  	_ =	shalt  }
0x49: {  	_ =	shalt  }
0x4a: {  	_ =	shalt  }
0x4b: {  	_ =	shalt  }
0x4c: {  	_ =	shalt  }
0x4d: {  	_ =	shalt  }
0x4e: {  	_ =	shalt  }
0x4f: {  	_ =	shalt  }
0x50: {  	_ =	shalt  }
0x51: {  	_ =	shalt  }
0x52: {  	_ =	shalt  }
0x53: {  	_ =	shalt  }
0x54: {  	_ =	shalt  }
0x55: {  	_ =	shalt  }
0x56: {  	_ =	shalt  }
0x57: {  	_ =	shalt  }
0x58: {  	_ =	shalt  }
0x59: {  	_ =	shalt  }
0x5a: {  	_ =	shalt  }
0x5b: {  	_ =	shalt  }
0x5c: {  	_ =	shalt  }
0x5d: {  	_ =	shalt  }
0x5e: {  	_ =	shalt  }
0x5f: {  	_ =	shalt  }
0x60: {  	_ =	shalt  }
0x61: {  	_ =	shalt  }
0x62: {  	_ =	shalt  }
0x63: {  	_ =	shalt  }
0x64: {  	_ =	shalt  }
0x65: {  	_ =	shalt  }
0x66: {  	_ =	shalt  }
0x67: {  	_ =	shalt  }
0x68: {  	_ =	shalt  }
0x69: {  	_ =	shalt  }
0x6a: {  	_ =	shalt  }
0x6b: {  	_ =	shalt  }
0x6c: {  	_ =	shalt  }
0x6d: {  	_ =	shalt  }
0x6e: {  	_ =	shalt  }
0x6f: {  	_ =	shalt  }
0x70: {  	_ =	shalt  }
0x71: {  	_ =	shalt  }
0x72: {  	_ =	shalt  }
0x73: {  	_ =	shalt  }
0x74: {  	_ =	shalt  }
0x75: {  	_ =	shalt  }
0x76: {  	_ =	shalt  }
0x77: {  	_ =	shalt  }
0x78: {  	_ =	shalt  }
0x79: {  	_ =	shalt  }
0x7a: {  	_ =	shalt  }
0x7b: {  	_ =	shalt  }
0x7c: {  	_ =	shalt  }
0x7d: {  	_ =	shalt  }
0x7e: {  	_ =	shalt  }
0x7f: {  	_ =	shalt  }
0x80: {  	_ =	shalt  }
0x81: {  	_ =	shalt  }
0x82: {  	_ =	shalt  }
0x83: {  	_ =	shalt  }
0x84: {  	_ =	shalt  }
0x85: {  	_ =	shalt  }
0x86: {  	_ =	shalt  }
0x87: {  	_ =	shalt  }
.Lfunc_end0:
.L_simem_size_0:
called_computation.1_lowered:
.L_overlay_start_0:
0x88: {  	s2 =	sld [smem:$0x3FD9]  }
0x89: {  	s3 =	sld [smem:$0x3FFE];
	_ =	sdelay $0x1  }
0x8a: {  	s1 =	srdreg.scid  }
0x8b: {  	s0 =	sand.u32 $0x1, s1  }
0x8c: {  	s17 =	sshll.u32 s0, $0xA;
	s2 =	sadd.s32 s3, s2  }
0x8d: {  	s2 =	sadd.s32 s2, s17  }
0x8e: {  	[smem:$0x3FC4] =	sst s2  }
0x8f: {  	_ = 	snop  }
0x90: {  	s2 =	sld [smem:$0x3FD0];
	(tm) =	ssettm $0x1  }
0x91: {  	s18 =	sld [smem:$0x3FFB];
	_ =	sdelay $0x3  }
0x92: {  	_ =	strace s18  }
0x93: {  	s3 =	sld [smem:$0x3FFC];
	_ =	sdelay $0x3  }
0x94: {  	_ =	strace s3  }
0x95: {  	s3 =	sld [smem:$0x3FFD];
	_ =	sdelay $0x3  }
0x96: {  	_ =	strace s3  }
0x97: {  	_ =	strace $0x8FFFFFFF  }
0x98: {  	s19 =	sld [smem:$0x3FDB];
	_ =	sdelay $0x1  }
0x99: {  	s4 =	simm.s32 $_scs_section_size  }
0x9a: {  	s5 =	simm.s32 $_size__tile_overlayer_lowered;
	s6 =	simm.s32 $_tile_overlayer_lowered  }
0x9b: {  	s22 =	simm.s32 $0x1BFF;
	s21 =	sshll.u32 s6, $0x1;
	s3 =	sadd.s32 s4, s19  }
0x9c: {  	s7 =	simm.s32 $0x0;
	s20 =	sshll.u32 s5, $0x1;
	s5 =	sadd.s32 s21, s3  }
0x9d: {  	[timem:s7], [sflag:s22] =	dma.local [hbm:s5], s20  }
0x9e: {  	_ =	swait.ge [sflag:s22], s20  }
0x9f: {  	s4 =	ssub.s32 $0x0, s20;
	[sflag:s22] =	ssyncset.done $0x0  }
0xa0: {  	[sflag:s22] =	ssyncadd.s32 s4;
	_ =	sdelay $0x1  }
0xa1: {  	s23 =	simm.s32 $0x1B8B  }
0xa2: {  	_ =	swait.ge [sflag:s23], $0x1  }
0xa3: {  	[sflag:s23] =	ssyncset.done $0x0  }
0xa4: {  	s25 =	simm.s32 $0x1B8E;
	s24 =	sld [smem:$0x3FFE];
	[sflag:s23] =	ssyncadd.s32 $0xFFFFFFFF  }
0xa5: {  	s26 =	simm.s32 $execute0_lowered;
	[smem:$0x3FD2] =	sst s25  }
0xa6: {  	s5 =	sshll.u32 s26, $0x1;
	_ =	strace $0x80000046;
	[dreg:$0x1] =	wrdreg $0xFFFFFFFF  }
0xa7: {  	s28 =	simm.s32 $_size_execute0_lowered;
	s3 =	sadd.s32 s3, s5;
	[dreg:$0x0] =	wrdreg $0x0  }
0xa8: {  	s5 =	sshll.u32 s28, $0x1;
	[dreg:$0x2] =	wrdreg s3  }
0xa9: {  	[dreg:$0x3] =	wrdreg s5  }
0xaa: {  	[dreg:$0x4] =	wrdreg $0xC0  }
0xab: {  	_ =	task [dreg:s7], $0x5FFFF  }
0xac: {  	[dreg:$0x1] =	wrdreg $0xFFFFFFFF  }
0xad: {  	[dreg:$0x0] =	wrdreg $0x60  }
0xae: {  	[dreg:$0x2] =	wrdreg s24  }
0xaf: {  	[dreg:$0x3] =	wrdreg s2  }
0xb0: {  	[dreg:$0x4] =	wrdreg $0x5E400  }
0xb1: {  	[dreg:$0x5] =	wrdreg $0x9  }
0xb2: {  	_ =	task.clear_ibuf [dreg:s7], $0x6FFFF;
	_ =	strace $0x90000046  }
0xb3: {  	s29 =	simm.s32 $0x9;
	_ =	strace $0x80000048  }
0xb4: {  	_ =	swait.ge [sflag:s29], $0x1  }
0xb5: {  	[sflag:s29] =	ssyncadd.s32 $0xFFFFFFFF  }
0xb6: {  	_ =	strace $0x90000048  }
0xb7: {  	_ =	sfence  }
0xb8: {  	s30 =	sld [smem:$0x0];
	_ =	sdelay $0x2  }
0xb9: {  	s31 =	sshll.u32 s1, $0xD;
	s1 =	sshrl.u32 s1, $0x2  }
0xba: {  	s3 =	sand.u32 $0x4000, s31;
	s1 =	sadd.s32 s1, s30  }
0xbb: {  	s0 =	sor.u32 s3, s0;
	s1 =	sshll.u32 s1, $0x11  }
0xbc: {  	s0 =	sor.u32 s1, s0  }
0xbd: {  	s0 =	sadd.s32 $0x8F2B, s0  }
0xbe: {  	[sflag:s0] =	ssyncadd.remote.s32 $0x1  }
0xbf: {  	_ =	sfence.sel $0xFFFF  }
0xc0: {  	[dreg:$0x0] =	wrdreg $0xFFFFFFFF;
	(pc) =	sbr.abs _section_cstart, $3  }
0xc1: {  	[dreg:$0x1] =	wrdreg $0xFFFFFFFF  }
0xc2: {  	_ =	task.clear_ibuf [dreg:s7], $0x2FFFF;
	_ =	strace $0x9FFFFFFF  }
0xc3: {  	(tm) =	ssettm $0x7FFFFFFF  }
tec
execute0_lowered:
.L_overlay_start_1:
0x0: {  	(tag) =	ssettag $0x1  }
0x1: {  	s12 =	stileid.u32  }
0x2: {  	s6 =	smul.u32 $0x3100, s12  }
0x3: {  	s0 =	rddreg [dreg:$0x0]  }
0x4: {  	s3 =	rddreg [dreg:$0x2];
	s4 =	simm.s32 $0x0;
	s6 =	sshrl.u32 s6, $0x3  }
0x5: {  	[smem:$0x7FF] =	sst s4;
	s20 =	sadd.s32 $0x12600, s0;
	s21 =	sadd.s32 s0, s6  }
0x6: {  	s7 =	sadd.s32 $0xC400, s0;
	s24 =	sadd.s32 s20, s6;
	[dreg:$0x5] =	wrdreg s21  }
0x7: {  	s22 =	sadd.s32 $0x188, s6;
	s15 =	sadd.s32 s7, s6;
	[dreg:$0x9] =	wrdreg s24  }
0x8: {  	s10 =	sadd.s32 $0x310, s6;
	s11 =	sadd.s32 s0, s22;
	[dreg:$0xd] =	wrdreg s15  }
0x9: {  	s23 =	sadd.s32 s0, s10;
	[dreg:$0x6] =	wrdreg s11  }
0xa: {  	s25 =	sadd.s32 s20, s22;
	[dreg:$0x7] =	wrdreg s23  }
0xb: {  	s1 =	srdreg.scid;
	s26 =	sadd.s32 s20, s10;
	[dreg:$0xa] =	wrdreg s25  }
0xc: {  	s2 =	smul.u32 $0xC400, s12;
	s16 =	sadd.s32 s7, s22;
	[dreg:$0xb] =	wrdreg s26  }
0xd: {  	s8 =	sadd.s32 $0x6200, s0;
	s17 =	sadd.s32 s7, s10;
	[dreg:$0xe] =	wrdreg s16  }
0xe: {  	s13 =	sand.u32 $0x1, s1;
	s21 =	sadd.s32 s8, s22;
	[dreg:$0xf] =	wrdreg s17  }
0xf: {  	s22 =	sadd.s32 s8, s10;
	s11 =	sadd.s32 $0x498, s6;
	[dreg:$0x12] =	wrdreg s21  }
0x10: {  	s2 =	sadd.s32 s2, s0;
	[dreg:$0x13] =	wrdreg s22;
	s0 =	sadd.s32 s0, s11  }
0x11: {  	s18 =	smul.u32 $0x68000, s12;
	s14 =	sadd.s32 s20, s11;
	[dreg:$0x8] =	wrdreg s0  }
0x12: {  	s5 =	ssub.s32 $0x2, s13;
	s19 =	sadd.s32 s7, s11;
	[dreg:$0xc] =	wrdreg s14  }
0x13: {  	s9 =	sshrl.u32 s5, $0x1;
	s20 =	sadd.s32 s8, s6;
	[dreg:$0x10] =	wrdreg s19  }
0x14: {  	s5 =	ssub.s32 s5, s9;
	s25 =	sadd.s32 s8, s11;
	[dreg:$0x11] =	wrdreg s20  }
0x15: {  	s5 =	smax.u32 s5, $0x1;
	s26 =	sadd.s32 $0x18A00, s2;
	[dreg:$0x14] =	wrdreg s25  }
0x16: {  	s23 =	smul.u32 $0x58000, s12;
	_ =	strace $0x80000047;
	[dreg:$0x15] =	wrdreg s26  }
0x17: {  	s24 =	sadd.s32 $0x18800, s2;
	s6 =	smul.u32 $0xD00, s12;
	[dreg:$0x17] =	wrdreg s5  }
0x18: {  	s0 =	sshrl.u32 s18, $0x2;
	s2 =	sshrl.u32 s23, $0x2;
	[dreg:$0x4] =	wrdreg s13  }
0x19: {  	s22 =	sadd.s32 s0, s3;
	s0 =	sadd.s32 s2, s3;
	[dreg:$0x18] =	wrdreg s6  }
0x1a: {  	[dreg:$0x16] =	wrdreg s0;
	s7 =	sadd.s32 $0x1000, s22  }
0x1b: {  	s8 =	sadd.s32 $0x2000, s22;
	[dreg:$0x19] =	wrdreg s7  }
0x1c: {  	s9 =	sadd.s32 $0x3000, s22;
	[dreg:$0x1a] =	wrdreg s8  }
0x1d: {  	s10 =	sadd.s32 $0x4000, s22;
	[dreg:$0x1b] =	wrdreg s9  }
0x1e: {  	s11 =	sadd.s32 $0x5000, s22;
	[dreg:$0x1c] =	wrdreg s10  }
0x1f: {  	p0 =	sne.s32 s13, $0x0;
	s13 =	sadd.s32 $0x6000, s22;
	[dreg:$0x1d] =	wrdreg s11  }
0x20: {  	s14 =	sadd.s32 $0x7000, s22;
	[dreg:$0x1e] =	wrdreg s13  }
0x21: {  	s15 =	sadd.s32 $0x8000, s22;
	[dreg:$0x1f] =	wrdreg s14  }
0x22: {  	s16 =	sadd.s32 $0x9000, s22;
	[smem:$0x7F4] =	sst s15  }
0x23: {  	s17 =	sadd.s32 $0xA000, s22;
	[smem:$0x7F5] =	sst s16  }
0x24: {  	s28 =	simm.s32 $0x3E40;
	s18 =	sadd.s32 $0xB000, s22;
	[smem:$0x7F6] =	sst s17  }
0x25: {  	s29 =	simm.s32 $0x4E40;
	s19 =	sadd.s32 $0xC000, s22;
	[smem:$0x7F7] =	sst s18  }
0x26: {  	s30 =	simm.s32 $0x3;
	s20 =	sadd.s32 $0xD000, s22;
	[smem:$0x7F8] =	sst s19  }
0x27: {  	s31 =	simm.s32 $0x1;
	s21 =	sadd.s32 $0xE000, s22;
	[smem:$0x7F9] =	sst s20  }
0x28: {  	s6 =	simm.s32 $0x3D40;
	s23 =	sadd.s32 $0xF000, s22;
	[smem:$0x7FA] =	sst s21  }
0x29: {  	s25 =	sadd.s32 $0x10000, s22;
	s26 =	sadd.s32 $0x11000, s22;
	[smem:$0x7FB] =	sst s23  }
0x2a: {  	s2 =	sadd.s32 $0x16000, s22;
	s1 =	sadd.s32 $0x17000, s22;
	[smem:$0x7FC] =	sst s25  }
0x2b: {  	s5 =	sadd.s32 $0x18000, s22;
	s0 =	simm.s32 $0x80;
	[smem:$0x7FD] =	sst s26  }
0x2c: {  	v8 =	vlaneseq.u32;
	s19 =	sadd.s32 $0x12000, s22;
	s20 =	sadd.s32 $0x13000, s22;
	s21 =	sadd.s32 $0x14000, s22  }
0x2d: {  	v0 =	vimm.f32 $0.0e+00;
	v1 =	vor.u32 $0xD000, v8;
	v2 =	vor.u32 $0xD010, v8;
	s26 =	sadd.s32 $0x15000, s22;
	s23 =	sadd.s32 $0x19000, s22;
	s25 =	smul.u32 $0xB00, s12  }
0x2e: {  	v3 =	vor.u32 $0xD020, v8;
	v4 =	vor.u32 $0xD030, v8;
	v5 =	vor.u32 $0xD040, v8;
	s12 =	simm.s32 $0x3100;
	s13 =	simm.s32 $0x4;
	s7 =	simm.s32 $0x5  }
0x2f: {  	v6 =	vor.u32 $0xD050, v8;
	v7 =	vor.u32 $0xD060, v8;
	v8 =	vor.u32 $0xD070, v8;
	s8 =	simm.s32 $0x2;
	s9 =	simm.s32 $0x3DC0;
	s15 =	simm.s32 $0x0  }
.LBB2_1:
0x30: {  	s10 =	rddreg [dreg:$0x5]  }
0x31: {  	[tilespmem:s12], [sflag:$0x4] =	stream.linear.gather [hbm4b:s10+s4], $0xC40, $0x38;
	[tilespmem:$0x1FF40] =	vst v63  }
0x32: {  	_ =	swait.ge [sflag:s13], $0xC40  }
0x33: {  	[sflag:s13] =	ssyncset.done $0x0  }
0x34: {  	s10 =	simm.s32 $0x0;
	[sflag:s13] =	ssyncadd.s32 $0xFFFFF3C0  }
0x35: {  	s11 =	simm.s32 $0x40;
	v9 =	vld [tilespmem:s10+$0x3100]  }
.LBB2_2:
0x36: {  	p1 =	sne.s32 s11, $0x30C0  }
.Ltmp0:
0x37: {  	_ = 	snop;
	(pc) =	sbr.rel @p1 .LBB2_2-.Ltmp0, $3  }
0x38: {  	_ =	sdelay $0x1  }
0x39: {  	[tilespmem:s10+$0x0] =	vst v9;
	s10 =	sshra.s32 s11, $0x2;
	s11 =	sadd.s32 $0x40, s11  }
0x3a: {  	v9 =	vld [tilespmem:s10+$0x3100]  }
0x3b: {  	_ =	sdelay $0x3  }
0x3c: {  	s18 =	simm.s32 $0x0;
	s11 =	rddreg [dreg:$0x6];
	[tilespmem:s10+$0x0] =	vst v9  }
0x3d: {  	[tilespmem:s12], [sflag:$0x4] =	stream.linear.gather [hbm4b:s11+s18], $0xC40, $0x38;
	[tilespmem:$0x1FF40] =	vst v63  }
0x3e: {  	_ =	swait.ge [sflag:s13], $0xC40  }
0x3f: {  	[sflag:s13] =	ssyncset.done $0x0  }
0x40: {  	s10 =	simm.s32 $0x0;
	[sflag:s13] =	ssyncadd.s32 $0xFFFFF3C0  }
0x41: {  	s11 =	simm.s32 $0x40;
	v9 =	vld [tilespmem:s10+$0x3100]  }
.LBB2_4:
0x42: {  	p1 =	sne.s32 s11, $0x30C0  }
.Ltmp1:
0x43: {  	_ = 	snop;
	(pc) =	sbr.rel @p1 .LBB2_4-.Ltmp1, $3  }
0x44: {  	_ =	sdelay $0x1  }
0x45: {  	[tilespmem:s10+$0xC40] =	vst v9;
	s10 =	sshra.s32 s11, $0x2;
	s11 =	sadd.s32 $0x40, s11  }
0x46: {  	v9 =	vld [tilespmem:s10+$0x3100]  }
0x47: {  	_ =	sdelay $0x3  }
0x48: {  	s18 =	simm.s32 $0x0;
	s11 =	rddreg [dreg:$0x7];
	[tilespmem:s10+$0xC40] =	vst v9  }
0x49: {  	[tilespmem:s12], [sflag:$0x4] =	stream.linear.gather [hbm4b:s11+s18], $0xC40, $0x38;
	[tilespmem:$0x1FF40] =	vst v63  }
0x4a: {  	_ =	swait.ge [sflag:s13], $0xC40  }
0x4b: {  	[sflag:s13] =	ssyncset.done $0x0  }
0x4c: {  	s10 =	simm.s32 $0x0;
	[sflag:s13] =	ssyncadd.s32 $0xFFFFF3C0  }
0x4d: {  	s11 =	simm.s32 $0x40;
	v9 =	vld [tilespmem:s10+$0x3100]  }
.LBB2_6:
0x4e: {  	p1 =	sne.s32 s11, $0x30C0  }
.Ltmp2:
0x4f: {  	_ = 	snop;
	(pc) =	sbr.rel @p1 .LBB2_6-.Ltmp2, $3  }
0x50: {  	_ =	sdelay $0x1  }
0x51: {  	[tilespmem:s10+$0x1880] =	vst v9;
	s10 =	sshra.s32 s11, $0x2;
	s11 =	sadd.s32 $0x40, s11  }
0x52: {  	v9 =	vld [tilespmem:s10+$0x3100]  }
0x53: {  	_ =	sdelay $0x3  }
0x54: {  	s18 =	simm.s32 $0x0;
	s11 =	rddreg [dreg:$0x8];
	[tilespmem:s10+$0x1880] =	vst v9  }
0x55: {  	[tilespmem:s12], [sflag:$0x4] =	stream.linear.gather [hbm4b:s11+s18], $0xC40, $0x38;
	[tilespmem:$0x1FF40] =	vst v63  }
0x56: {  	_ =	swait.ge [sflag:s13], $0xC40  }
0x57: {  	[sflag:s13] =	ssyncset.done $0x0  }
0x58: {  	s10 =	simm.s32 $0x0;
	[sflag:s13] =	ssyncadd.s32 $0xFFFFF3C0  }
0x59: {  	s11 =	simm.s32 $0x40;
	v9 =	vld [tilespmem:s10+$0x3100]  }
.LBB2_8:
0x5a: {  	p1 =	sne.s32 s11, $0x30C0  }
.Ltmp3:
0x5b: {  	_ = 	snop;
	(pc) =	sbr.rel @p1 .LBB2_8-.Ltmp3, $3  }
0x5c: {  	_ =	sdelay $0x1  }
0x5d: {  	[tilespmem:s10+$0x24C0] =	vst v9;
	s10 =	sshra.s32 s11, $0x2;
	s11 =	sadd.s32 $0x40, s11  }
0x5e: {  	v9 =	vld [tilespmem:s10+$0x3100]  }
0x5f: {  	_ =	sdelay $0x3  }
0x60: {  	s18 =	simm.s32 $0x0;
	s11 =	rddreg [dreg:$0x9];
	[tilespmem:s10+$0x24C0] =	vst v9  }
0x61: {  	[tilespmem:s12], [sflag:$0x4] =	stream.linear.gather [hbm4b:s11+s18], $0xC40, $0x38;
	[tilespmem:$0x1FF40] =	vst v63  }
0x62: {  	_ =	swait.ge [sflag:s13], $0xC40  }
0x63: {  	[sflag:s13] =	ssyncset.done $0x0  }
0x64: {  	s10 =	simm.s32 $0x0;
	s11 =	simm.s32 $0x40;
	[sflag:s13] =	ssyncadd.s32 $0xFFFFF3C0  }
.LBB2_10:
0x65: {  	p1 =	sne.s32 s11, $0x30C0;
	v9 =	vld [tilespmem:s10+$0x0]  }
0x66: {  	v10 =	vld [tilespmem:s10+$0x3100];
	_ =	sdelay $0x1  }
.Ltmp4:
0x67: {  	(pc) =	sbr.rel @p1 .LBB2_10-.Ltmp4, $4  }
0x68: {  	_ = 	snop  }
0x69: {  	v9 =	vshll.u32 v9, $0x6  }
0x6a: {  	v9 =	vadd.s32 v10, v9  }
0x6b: {  	[tilespmem:s10+$0x0] =	vst v9;
	s10 =	sshra.s32 s11, $0x2;
	s11 =	sadd.s32 $0x40, s11  }
0x6c: {  	v9 =	vld [tilespmem:s10+$0x0]  }
0x6d: {  	v10 =	vld [tilespmem:s10+$0x3100];
	_ =	sdelay $0x3  }
0x6e: {  	v9 =	vshll.u32 v9, $0x6  }
0x6f: {  	v9 =	vadd.s32 v10, v9  }
0x70: {  	s18 =	simm.s32 $0x0;
	s11 =	rddreg [dreg:$0xa];
	[tilespmem:s10+$0x0] =	vst v9  }
0x71: {  	[tilespmem:s12], [sflag:$0x4] =	stream.linear.gather [hbm4b:s11+s18], $0xC40, $0x38;
	[tilespmem:$0x1FF40] =	vst v63  }
0x72: {  	_ =	swait.ge [sflag:s13], $0xC40  }
0x73: {  	[sflag:s13] =	ssyncset.done $0x0  }
0x74: {  	s10 =	simm.s32 $0x0;
	s11 =	simm.s32 $0x40;
	[sflag:s13] =	ssyncadd.s32 $0xFFFFF3C0  }
.LBB2_12:
0x75: {  	p1 =	sne.s32 s11, $0x30C0;
	v9 =	vld [tilespmem:s10+$0xC40]  }
0x76: {  	v10 =	vld [tilespmem:s10+$0x3100];
	_ =	sdelay $0x1  }
.Ltmp5:
0x77: {  	(pc) =	sbr.rel @p1 .LBB2_12-.Ltmp5, $4  }
0x78: {  	_ = 	snop  }
0x79: {  	v9 =	vshll.u32 v9, $0x6  }
0x7a: {  	v9 =	vadd.s32 v10, v9  }
0x7b: {  	[tilespmem:s10+$0xC40] =	vst v9;
	s10 =	sshra.s32 s11, $0x2;
	s11 =	sadd.s32 $0x40, s11  }
0x7c: {  	v9 =	vld [tilespmem:s10+$0xC40]  }
0x7d: {  	v10 =	vld [tilespmem:s10+$0x3100];
	_ =	sdelay $0x3  }
0x7e: {  	v9 =	vshll.u32 v9, $0x6  }
0x7f: {  	v9 =	vadd.s32 v10, v9  }
0x80: {  	s18 =	simm.s32 $0x0;
	s11 =	rddreg [dreg:$0xb];
	[tilespmem:s10+$0xC40] =	vst v9  }
0x81: {  	[tilespmem:s12], [sflag:$0x4] =	stream.linear.gather [hbm4b:s11+s18], $0xC40, $0x38;
	[tilespmem:$0x1FF40] =	vst v63  }
0x82: {  	_ =	swait.ge [sflag:s13], $0xC40  }
0x83: {  	[sflag:s13] =	ssyncset.done $0x0  }
0x84: {  	s10 =	simm.s32 $0x0;
	s11 =	simm.s32 $0x40;
	[sflag:s13] =	ssyncadd.s32 $0xFFFFF3C0  }
.LBB2_14:
0x85: {  	p1 =	sne.s32 s11, $0x30C0;
	v9 =	vld [tilespmem:s10+$0x1880]  }
0x86: {  	v10 =	vld [tilespmem:s10+$0x3100];
	_ =	sdelay $0x1  }
.Ltmp6:
0x87: {  	(pc) =	sbr.rel @p1 .LBB2_14-.Ltmp6, $4  }
0x88: {  	_ = 	snop  }
0x89: {  	v9 =	vshll.u32 v9, $0x6  }
0x8a: {  	v9 =	vadd.s32 v10, v9  }
0x8b: {  	[tilespmem:s10+$0x1880] =	vst v9;
	s10 =	sshra.s32 s11, $0x2;
	s11 =	sadd.s32 $0x40, s11  }
0x8c: {  	v9 =	vld [tilespmem:s10+$0x1880]  }
0x8d: {  	v10 =	vld [tilespmem:s10+$0x3100];
	_ =	sdelay $0x3  }
0x8e: {  	v9 =	vshll.u32 v9, $0x6  }
0x8f: {  	v9 =	vadd.s32 v10, v9  }
0x90: {  	s18 =	simm.s32 $0x0;
	s11 =	rddreg [dreg:$0xc];
	[tilespmem:s10+$0x1880] =	vst v9  }
0x91: {  	[tilespmem:s12], [sflag:$0x4] =	stream.linear.gather [hbm4b:s11+s18], $0xC40, $0x38;
	[tilespmem:$0x1FF40] =	vst v63  }
0x92: {  	_ =	swait.ge [sflag:s13], $0xC40  }
0x93: {  	[sflag:s13] =	ssyncset.done $0x0  }
0x94: {  	s10 =	simm.s32 $0x0;
	s11 =	simm.s32 $0x40;
	[sflag:s13] =	ssyncadd.s32 $0xFFFFF3C0  }
.LBB2_16:
0x95: {  	p1 =	sne.s32 s11, $0x30C0;
	v9 =	vld [tilespmem:s10+$0x24C0]  }
0x96: {  	v10 =	vld [tilespmem:s10+$0x3100];
	_ =	sdelay $0x1  }
.Ltmp7:
0x97: {  	(pc) =	sbr.rel @p1 .LBB2_16-.Ltmp7, $4  }
0x98: {  	_ = 	snop  }
0x99: {  	v9 =	vshll.u32 v9, $0x6  }
0x9a: {  	v9 =	vadd.s32 v10, v9  }
0x9b: {  	[tilespmem:s10+$0x24C0] =	vst v9;
	s10 =	sshra.s32 s11, $0x2;
	s11 =	sadd.s32 $0x40, s11  }
0x9c: {  	v9 =	vld [tilespmem:s10+$0x24C0]  }
0x9d: {  	v10 =	vld [tilespmem:s10+$0x3100];
	_ =	sdelay $0x3  }
0x9e: {  	v9 =	vshll.u32 v9, $0x6  }
0x9f: {  	v9 =	vadd.s32 v10, v9  }
0xa0: {  	s18 =	simm.s32 $0x0;
	s11 =	rddreg [dreg:$0xd];
	[tilespmem:s10+$0x24C0] =	vst v9  }
0xa1: {  	[tilespmem:s12], [sflag:$0x4] =	stream.linear.gather [hbm4b:s11+s18], $0xC40, $0x38;
	[tilespmem:$0x1FF40] =	vst v63  }
0xa2: {  	_ =	swait.ge [sflag:s13], $0xC40  }
0xa3: {  	[sflag:s13] =	ssyncset.done $0x0  }
0xa4: {  	s10 =	simm.s32 $0x0;
	s11 =	simm.s32 $0x40;
	[sflag:s13] =	ssyncadd.s32 $0xFFFFF3C0  }
.LBB2_18:
0xa5: {  	p1 =	sne.s32 s11, $0x30C0;
	v9 =	vld [tilespmem:s10+$0x0]  }
0xa6: {  	v10 =	vld [tilespmem:s10+$0x3100];
	_ =	sdelay $0x1  }
.Ltmp8:
0xa7: {  	(pc) =	sbr.rel @p1 .LBB2_18-.Ltmp8, $4  }
0xa8: {  	_ = 	snop  }
0xa9: {  	v9 =	vshll.u32 v9, $0x6  }
0xaa: {  	v9 =	vadd.s32 v10, v9  }
0xab: {  	[tilespmem:s10+$0x0] =	vst v9;
	s10 =	sshra.s32 s11, $0x2;
	s11 =	sadd.s32 $0x40, s11  }
0xac: {  	v9 =	vld [tilespmem:s10+$0x0]  }
0xad: {  	v10 =	vld [tilespmem:s10+$0x3100];
	_ =	sdelay $0x3  }
0xae: {  	v9 =	vshll.u32 v9, $0x6  }
0xaf: {  	v9 =	vadd.s32 v10, v9  }
0xb0: {  	s18 =	simm.s32 $0x0;
	s11 =	rddreg [dreg:$0xe];
	[tilespmem:s10+$0x0] =	vst v9  }
0xb1: {  	[tilespmem:s12], [sflag:$0x4] =	stream.linear.gather [hbm4b:s11+s18], $0xC40, $0x38;
	[tilespmem:$0x1FF40] =	vst v63  }
0xb2: {  	_ =	swait.ge [sflag:s13], $0xC40  }
0xb3: {  	[sflag:s13] =	ssyncset.done $0x0  }
0xb4: {  	s10 =	simm.s32 $0x0;
	s11 =	simm.s32 $0x40;
	[sflag:s13] =	ssyncadd.s32 $0xFFFFF3C0  }
.LBB2_20:
0xb5: {  	p1 =	sne.s32 s11, $0x30C0;
	v9 =	vld [tilespmem:s10+$0xC40]  }
0xb6: {  	v10 =	vld [tilespmem:s10+$0x3100];
	_ =	sdelay $0x1  }
.Ltmp9:
0xb7: {  	(pc) =	sbr.rel @p1 .LBB2_20-.Ltmp9, $4  }
0xb8: {  	_ = 	snop  }
0xb9: {  	v9 =	vshll.u32 v9, $0x6  }
0xba: {  	v9 =	vadd.s32 v10, v9  }
0xbb: {  	[tilespmem:s10+$0xC40] =	vst v9;
	s10 =	sshra.s32 s11, $0x2;
	s11 =	sadd.s32 $0x40, s11  }
0xbc: {  	v9 =	vld [tilespmem:s10+$0xC40]  }
0xbd: {  	v10 =	vld [tilespmem:s10+$0x3100];
	_ =	sdelay $0x3  }
0xbe: {  	v9 =	vshll.u32 v9, $0x6  }
0xbf: {  	v9 =	vadd.s32 v10, v9  }
0xc0: {  	s18 =	simm.s32 $0x0;
	s11 =	rddreg [dreg:$0xf];
	[tilespmem:s10+$0xC40] =	vst v9  }
0xc1: {  	[tilespmem:s12], [sflag:$0x4] =	stream.linear.gather [hbm4b:s11+s18], $0xC40, $0x38;
	[tilespmem:$0x1FF40] =	vst v63  }
0xc2: {  	_ =	swait.ge [sflag:s13], $0xC40  }
0xc3: {  	[sflag:s13] =	ssyncset.done $0x0  }
0xc4: {  	s10 =	simm.s32 $0x0;
	s11 =	simm.s32 $0x40;
	[sflag:s13] =	ssyncadd.s32 $0xFFFFF3C0  }
.LBB2_22:
0xc5: {  	p1 =	sne.s32 s11, $0x30C0;
	v9 =	vld [tilespmem:s10+$0x1880]  }
0xc6: {  	v10 =	vld [tilespmem:s10+$0x3100];
	_ =	sdelay $0x1  }
.Ltmp10:
0xc7: {  	(pc) =	sbr.rel @p1 .LBB2_22-.Ltmp10, $4  }
0xc8: {  	_ = 	snop  }
0xc9: {  	v9 =	vshll.u32 v9, $0x6  }
0xca: {  	v9 =	vadd.s32 v10, v9  }
0xcb: {  	[tilespmem:s10+$0x1880] =	vst v9;
	s10 =	sshra.s32 s11, $0x2;
	s11 =	sadd.s32 $0x40, s11  }
0xcc: {  	v9 =	vld [tilespmem:s10+$0x1880]  }
0xcd: {  	v10 =	vld [tilespmem:s10+$0x3100];
	_ =	sdelay $0x3  }
0xce: {  	v9 =	vshll.u32 v9, $0x6  }
0xcf: {  	v9 =	vadd.s32 v10, v9  }
0xd0: {  	s18 =	simm.s32 $0x0;
	s11 =	rddreg [dreg:$0x10];
	[tilespmem:s10+$0x1880] =	vst v9  }
0xd1: {  	[tilespmem:s12], [sflag:$0x4] =	stream.linear.gather [hbm4b:s11+s18], $0xC40, $0x38;
	[tilespmem:$0x1FF40] =	vst v63  }
0xd2: {  	_ =	swait.ge [sflag:s13], $0xC40  }
0xd3: {  	[sflag:s13] =	ssyncset.done $0x0  }
0xd4: {  	s10 =	simm.s32 $0x0;
	s11 =	simm.s32 $0x40;
	[sflag:s13] =	ssyncadd.s32 $0xFFFFF3C0  }
.LBB2_24:
0xd5: {  	p1 =	sne.s32 s11, $0x30C0;
	v9 =	vld [tilespmem:s10+$0x24C0]  }
0xd6: {  	v10 =	vld [tilespmem:s10+$0x3100];
	_ =	sdelay $0x1  }
.Ltmp11:
0xd7: {  	(pc) =	sbr.rel @p1 .LBB2_24-.Ltmp11, $4  }
0xd8: {  	_ = 	snop  }
0xd9: {  	v9 =	vshll.u32 v9, $0x6  }
0xda: {  	v9 =	vadd.s32 v10, v9  }
0xdb: {  	[tilespmem:s10+$0x24C0] =	vst v9;
	s10 =	sshra.s32 s11, $0x2;
	s11 =	sadd.s32 $0x40, s11  }
0xdc: {  	v9 =	vld [tilespmem:s10+$0x24C0]  }
0xdd: {  	v10 =	vld [tilespmem:s10+$0x3100];
	_ =	sdelay $0x3  }
0xde: {  	v9 =	vshll.u32 v9, $0x6  }
0xdf: {  	v9 =	vadd.s32 v10, v9  }
0xe0: {  	s18 =	simm.s32 $0x0;
	s11 =	rddreg [dreg:$0x11];
	[tilespmem:s10+$0x24C0] =	vst v9  }
0xe1: {  	[tilespmem:s12], [sflag:$0x4] =	stream.linear.gather [hbm4b:s11+s18], $0xC40, $0x38;
	[tilespmem:$0x1FF40] =	vst v63  }
0xe2: {  	_ =	swait.ge [sflag:s13], $0xC40  }
0xe3: {  	[sflag:s13] =	ssyncset.done $0x0  }
0xe4: {  	s10 =	simm.s32 $0x0;
	s11 =	simm.s32 $0x40;
	[sflag:s13] =	ssyncadd.s32 $0xFFFFF3C0  }
.LBB2_26:
0xe5: {  	p1 =	sne.s32 s11, $0x30C0;
	v9 =	vld [tilespmem:s10+$0x0]  }
0xe6: {  	v10 =	vld [tilespmem:s10+$0x3100];
	_ =	sdelay $0x1  }
.Ltmp12:
0xe7: {  	(pc) =	sbr.rel @p1 .LBB2_26-.Ltmp12, $4  }
0xe8: {  	_ = 	snop  }
0xe9: {  	v9 =	vshll.u32 v9, $0x6  }
0xea: {  	v9 =	vadd.s32 v10, v9  }
0xeb: {  	[tilespmem:s10+$0x0] =	vst v9;
	s10 =	sshra.s32 s11, $0x2;
	s11 =	sadd.s32 $0x40, s11  }
0xec: {  	v9 =	vld [tilespmem:s10+$0x0]  }
0xed: {  	v10 =	vld [tilespmem:s10+$0x3100];
	_ =	sdelay $0x3  }
0xee: {  	v9 =	vshll.u32 v9, $0x6  }
0xef: {  	v9 =	vadd.s32 v10, v9  }
0xf0: {  	s18 =	simm.s32 $0x0;
	s11 =	rddreg [dreg:$0x12];
	[tilespmem:s10+$0x0] =	vst v9  }
0xf1: {  	[tilespmem:s12], [sflag:$0x4] =	stream.linear.gather [hbm4b:s11+s18], $0xC40, $0x38;
	[tilespmem:$0x1FF40] =	vst v63  }
0xf2: {  	_ =	swait.ge [sflag:s13], $0xC40  }
0xf3: {  	[sflag:s13] =	ssyncset.done $0x0  }
0xf4: {  	s10 =	simm.s32 $0x0;
	s11 =	simm.s32 $0x40;
	[sflag:s13] =	ssyncadd.s32 $0xFFFFF3C0  }
.LBB2_28:
0xf5: {  	p1 =	sne.s32 s11, $0x30C0;
	v9 =	vld [tilespmem:s10+$0xC40]  }
0xf6: {  	v10 =	vld [tilespmem:s10+$0x3100];
	_ =	sdelay $0x1  }
.Ltmp13:
0xf7: {  	(pc) =	sbr.rel @p1 .LBB2_28-.Ltmp13, $4  }
0xf8: {  	_ = 	snop  }
0xf9: {  	v9 =	vshll.u32 v9, $0x6  }
0xfa: {  	v9 =	vadd.s32 v10, v9  }
0xfb: {  	[tilespmem:s10+$0xC40] =	vst v9;
	s10 =	sshra.s32 s11, $0x2;
	s11 =	sadd.s32 $0x40, s11  }
0xfc: {  	v9 =	vld [tilespmem:s10+$0xC40]  }
0xfd: {  	v10 =	vld [tilespmem:s10+$0x3100];
	_ =	sdelay $0x3  }
0xfe: {  	v9 =	vshll.u32 v9, $0x6  }
0xff: {  	v9 =	vadd.s32 v10, v9  }
0x100: {  	s18 =	simm.s32 $0x0;
	s11 =	rddreg [dreg:$0x13];
	[tilespmem:s10+$0xC40] =	vst v9  }
0x101: {  	[tilespmem:s12], [sflag:$0x4] =	stream.linear.gather [hbm4b:s11+s18], $0xC40, $0x38;
	[tilespmem:$0x1FF40] =	vst v63  }
0x102: {  	_ =	swait.ge [sflag:s13], $0xC40  }
0x103: {  	[sflag:s13] =	ssyncset.done $0x0  }
0x104: {  	s10 =	simm.s32 $0x0;
	s11 =	simm.s32 $0x40;
	[sflag:s13] =	ssyncadd.s32 $0xFFFFF3C0  }
.LBB2_30:
0x105: {  	p1 =	sne.s32 s11, $0x30C0;
	v9 =	vld [tilespmem:s10+$0x1880]  }
0x106: {  	v10 =	vld [tilespmem:s10+$0x3100];
	_ =	sdelay $0x1  }
.Ltmp14:
0x107: {  	(pc) =	sbr.rel @p1 .LBB2_30-.Ltmp14, $4  }
0x108: {  	_ = 	snop  }
0x109: {  	v9 =	vshll.u32 v9, $0x6  }
0x10a: {  	v9 =	vadd.s32 v10, v9  }
0x10b: {  	[tilespmem:s10+$0x1880] =	vst v9;
	s10 =	sshra.s32 s11, $0x2;
	s11 =	sadd.s32 $0x40, s11  }
0x10c: {  	v9 =	vld [tilespmem:s10+$0x1880]  }
0x10d: {  	v10 =	vld [tilespmem:s10+$0x3100];
	_ =	sdelay $0x3  }
0x10e: {  	v9 =	vshll.u32 v9, $0x6  }
0x10f: {  	[smem:$0x7F3] =	sst s15;
	v9 =	vadd.s32 v10, v9  }
0x110: {  	s11 =	rddreg [dreg:$0x14];
	[tilespmem:s10+$0x1880] =	vst v9;
	s10 =	simm.s32 $0x0  }
0x111: {  	[tilespmem:s12], [sflag:$0x4] =	stream.linear.gather [hbm4b:s11+s10], $0xC40, $0x38;
	[tilespmem:$0x1FF40] =	vst v63  }
0x112: {  	_ =	swait.ge [sflag:s13], $0xC40  }
0x113: {  	[sflag:s13] =	ssyncset.done $0x0  }
0x114: {  	s11 =	simm.s32 $0x0;
	s12 =	simm.s32 $0x40;
	[sflag:s13] =	ssyncadd.s32 $0xFFFFF3C0  }
.LBB2_32:
0x115: {  	p1 =	sne.s32 s12, $0x30C0;
	v9 =	vld [tilespmem:s11+$0x24C0]  }
0x116: {  	v10 =	vld [tilespmem:s11+$0x3100];
	_ =	sdelay $0x1  }
.Ltmp15:
0x117: {  	(pc) =	sbr.rel @p1 .LBB2_32-.Ltmp15, $4  }
0x118: {  	_ = 	snop  }
0x119: {  	v9 =	vshll.u32 v9, $0x6  }
0x11a: {  	v9 =	vadd.s32 v10, v9  }
0x11b: {  	[tilespmem:s11+$0x24C0] =	vst v9;
	s11 =	sshra.s32 s12, $0x2;
	s12 =	sadd.s32 $0x40, s12  }
0x11c: {  	v9 =	vld [tilespmem:s11+$0x24C0]  }
0x11d: {  	v10 =	vld [tilespmem:s11+$0x3100];
	_ =	sdelay $0x3  }
0x11e: {  	v9 =	vshll.u32 v9, $0x6  }
0x11f: {  	v9 =	vadd.s32 v10, v9  }
0x120: {  	[tilespmem:s11+$0x24C0] =	vst v9  }
.LBB2_34:
0x121: {  	s11 =	simm.s32 $0x80;
	s12 =	simm.s32 $0x0  }
.LBB2_35:
0x122: {  	p1 =	sne.s32 s11, $0x3F80;
	[tilespmem:s12+$0x3E40] =	vst v0;
	s13 =	smov.u32 s11;
	s11 =	sadd.s32 $0x80, s11  }
.Ltmp16:
0x123: {  	[tilespmem:s12+$0x3E50] =	vst v0;
	(pc) =	sbr.rel @p1 .LBB2_35-.Ltmp16, $2  }
0x124: {  	_ =	sdelay $0x2  }
0x125: {  	s12 =	sshra.s32 s13, $0x2  }
0x126: {  	[tilespmem:s12+$0x3E40] =	vst v0;
	p1 =	seq.s32 s10, $0x0  }
0x127: {  	[tilespmem:s12+$0x3E50] =	vst v0;
	s11 =	simm.s32 @!p1 $0x3  }
0x128: {  	_ =	swait.ge @!p1 [sflag:s11], $0x3400  }
0x129: {  	[sflag:s11] =	ssyncset.done @!p1 $0x0  }
0x12a: {  	s18 =	rddreg [dreg:$0x19];
	[sflag:s11] =	ssyncadd.s32 @!p1 $0xFFFFCC00  }
0x12b: {  	[spmem:s22] =	stream.linear.scatter [tilespmem:s28], [sflag:$0x3], $0x1000, $0x38;
	[tilespmem:$0x1FF40] =	vst v63  }
0x12c: {  	s12 =	rddreg [dreg:$0x1a]  }
0x12d: {  	[spmem:s18] =	stream.linear.scatter [tilespmem:s28], [sflag:$0x3], $0x1000, $0x38;
	[tilespmem:$0x1FF40] =	vst v63  }
0x12e: {  	s13 =	rddreg [dreg:$0x1b]  }
0x12f: {  	[spmem:s12] =	stream.linear.scatter [tilespmem:s28], [sflag:$0x3], $0x1000, $0x38;
	[tilespmem:$0x1FF40] =	vst v63  }
0x130: {  	s14 =	rddreg [dreg:$0x1c]  }
0x131: {  	[spmem:s13] =	stream.linear.scatter [tilespmem:s28], [sflag:$0x3], $0x1000, $0x38;
	[tilespmem:$0x1FF40] =	vst v63  }
0x132: {  	s15 =	rddreg [dreg:$0x1d]  }
0x133: {  	[spmem:s14] =	stream.linear.scatter [tilespmem:s28], [sflag:$0x3], $0x1000, $0x38;
	[tilespmem:$0x1FF40] =	vst v63  }
0x134: {  	s16 =	rddreg [dreg:$0x1e]  }
0x135: {  	[spmem:s15] =	stream.linear.scatter [tilespmem:s28], [sflag:$0x3], $0x1000, $0x38;
	[tilespmem:$0x1FF40] =	vst v63  }
0x136: {  	s17 =	rddreg [dreg:$0x1f]  }
0x137: {  	[spmem:s16] =	stream.linear.scatter [tilespmem:s28], [sflag:$0x3], $0x1000, $0x38;
	[tilespmem:$0x1FF40] =	vst v63  }
0x138: {  	s18 =	sld [smem:$0x7F4]  }
0x139: {  	[spmem:s17] =	stream.linear.scatter [tilespmem:s28], [sflag:$0x3], $0x1000, $0x38;
	[tilespmem:$0x1FF40] =	vst v63  }
0x13a: {  	s12 =	sld [smem:$0x7F5]  }
0x13b: {  	[spmem:s18] =	stream.linear.scatter [tilespmem:s28], [sflag:$0x3], $0x1000, $0x38;
	[tilespmem:$0x1FF40] =	vst v63  }
0x13c: {  	s13 =	sld [smem:$0x7F6]  }
0x13d: {  	[spmem:s12] =	stream.linear.scatter [tilespmem:s28], [sflag:$0x3], $0x1000, $0x38;
	[tilespmem:$0x1FF40] =	vst v63  }
0x13e: {  	s14 =	sld [smem:$0x7F7]  }
0x13f: {  	[spmem:s13] =	stream.linear.scatter [tilespmem:s28], [sflag:$0x3], $0x1000, $0x38;
	[tilespmem:$0x1FF40] =	vst v63  }
0x140: {  	s15 =	sld [smem:$0x7F8]  }
0x141: {  	[spmem:s14] =	stream.linear.scatter [tilespmem:s28], [sflag:$0x3], $0x1000, $0x38;
	[tilespmem:$0x1FF40] =	vst v63  }
0x142: {  	s16 =	sld [smem:$0x7F9]  }
0x143: {  	[spmem:s15] =	stream.linear.scatter [tilespmem:s28], [sflag:$0x3], $0x1000, $0x38;
	[tilespmem:$0x1FF40] =	vst v63  }
0x144: {  	s17 =	sld [smem:$0x7FA]  }
0x145: {  	[spmem:s16] =	stream.linear.scatter [tilespmem:s28], [sflag:$0x3], $0x1000, $0x38;
	[tilespmem:$0x1FF40] =	vst v63  }
0x146: {  	s18 =	sld [smem:$0x7FB]  }
0x147: {  	[spmem:s17] =	stream.linear.scatter [tilespmem:s28], [sflag:$0x3], $0x1000, $0x38;
	[tilespmem:$0x1FF40] =	vst v63  }
0x148: {  	s12 =	sld [smem:$0x7FC]  }
0x149: {  	[spmem:s18] =	stream.linear.scatter [tilespmem:s28], [sflag:$0x3], $0x1000, $0x38;
	[tilespmem:$0x1FF40] =	vst v63  }
0x14a: {  	s13 =	sld [smem:$0x7FD]  }
0x14b: {  	[spmem:s12] =	stream.linear.scatter [tilespmem:s28], [sflag:$0x3], $0x1000, $0x38;
	[tilespmem:$0x1FF40] =	vst v63  }
0x14c: {  	_ = 	snop  }
0x14d: {  	[spmem:s13] =	stream.linear.scatter [tilespmem:s28], [sflag:$0x3], $0x1000, $0x38;
	[tilespmem:$0x1FF40] =	vst v63  }
0x14e: {  	_ = 	snop  }
0x14f: {  	[spmem:s19] =	stream.linear.scatter [tilespmem:s28], [sflag:$0x3], $0x1000, $0x38;
	[tilespmem:$0x1FF40] =	vst v63  }
0x150: {  	_ = 	snop  }
0x151: {  	[spmem:s20] =	stream.linear.scatter [tilespmem:s28], [sflag:$0x3], $0x1000, $0x38;
	[tilespmem:$0x1FF40] =	vst v63  }
0x152: {  	_ = 	snop  }
0x153: {  	[spmem:s21] =	stream.linear.scatter [tilespmem:s28], [sflag:$0x3], $0x1000, $0x38;
	[tilespmem:$0x1FF40] =	vst v63  }
0x154: {  	_ = 	snop  }
0x155: {  	[spmem:s26] =	stream.linear.scatter [tilespmem:s28], [sflag:$0x3], $0x1000, $0x38;
	[tilespmem:$0x1FF40] =	vst v63  }
0x156: {  	_ = 	snop  }
0x157: {  	[spmem:s2] =	stream.linear.scatter [tilespmem:s28], [sflag:$0x3], $0x1000, $0x38;
	[tilespmem:$0x1FF40] =	vst v63  }
0x158: {  	_ = 	snop  }
0x159: {  	[spmem:s1] =	stream.linear.scatter [tilespmem:s28], [sflag:$0x3], $0x1000, $0x38;
	[tilespmem:$0x1FF40] =	vst v63  }
0x15a: {  	_ = 	snop  }
0x15b: {  	[spmem:s5] =	stream.linear.scatter [tilespmem:s28], [sflag:$0x3], $0x1000, $0x38;
	[tilespmem:$0x1FF40] =	vst v63  }
0x15c: {  	_ = 	snop  }
0x15d: {  	[spmem:s23] =	stream.linear.scatter [tilespmem:s28], [sflag:$0x3], $0x1000, $0x38;
	[tilespmem:$0x1FF40] =	vst v63  }
0x15e: {  	s14 =	simm.s32 $0x0;
	s15 =	rddreg [dreg:$0x15]  }
0x15f: {  	[tilespmem:s29], [sflag:$0x2] =	stream.linear.gather [hbm4b:s15+s14], $0x1000, $0x38;
	[tilespmem:$0x1FF40] =	vst v63  }
0x160: {  	_ =	swait.ge [sflag:s30], $0x1000  }
0x161: {  	[sflag:s30] =	ssyncset.done $0x0  }
0x162: {  	[sflag:s30] =	ssyncadd.s32 $0xFFFFF000  }
0x163: {  	_ =	swait.ge [sflag:s30], $0x1000  }
0x164: {  	[sflag:s30] =	ssyncset.done $0x0  }
0x165: {  	[sflag:s30] =	ssyncadd.s32 $0xFFFFF000  }
0x166: {  	_ =	swait.ge [sflag:s30], $0x1000  }
0x167: {  	[sflag:s30] =	ssyncset.done $0x0  }
0x168: {  	[sflag:s30] =	ssyncadd.s32 $0xFFFFF000  }
0x169: {  	_ =	swait.ge [sflag:s30], $0x1000  }
0x16a: {  	[sflag:s30] =	ssyncset.done $0x0  }
0x16b: {  	[sflag:s30] =	ssyncadd.s32 $0xFFFFF000  }
0x16c: {  	_ =	swait.ge [sflag:s30], $0x1000  }
0x16d: {  	[sflag:s30] =	ssyncset.done $0x0  }
0x16e: {  	[sflag:s30] =	ssyncadd.s32 $0xFFFFF000  }
0x16f: {  	_ =	swait.ge [sflag:s30], $0x1000  }
0x170: {  	[sflag:s30] =	ssyncset.done $0x0  }
0x171: {  	[sflag:s30] =	ssyncadd.s32 $0xFFFFF000  }
0x172: {  	_ =	swait.ge [sflag:s30], $0x1000  }
0x173: {  	[sflag:s30] =	ssyncset.done $0x0  }
0x174: {  	[sflag:s30] =	ssyncadd.s32 $0xFFFFF000  }
0x175: {  	_ =	swait.ge [sflag:s30], $0x1000  }
0x176: {  	[sflag:s30] =	ssyncset.done $0x0  }
0x177: {  	[sflag:s30] =	ssyncadd.s32 $0xFFFFF000  }
0x178: {  	_ =	swait.ge [sflag:s30], $0x1000  }
0x179: {  	[sflag:s30] =	ssyncset.done $0x0  }
0x17a: {  	[sflag:s30] =	ssyncadd.s32 $0xFFFFF000  }
0x17b: {  	_ =	swait.ge [sflag:s30], $0x1000  }
0x17c: {  	[sflag:s30] =	ssyncset.done $0x0  }
0x17d: {  	[sflag:s30] =	ssyncadd.s32 $0xFFFFF000  }
0x17e: {  	_ =	swait.ge [sflag:s30], $0x1000  }
0x17f: {  	[sflag:s30] =	ssyncset.done $0x0  }
0x180: {  	[sflag:s30] =	ssyncadd.s32 $0xFFFFF000  }
0x181: {  	_ =	swait.ge [sflag:s30], $0x1000  }
0x182: {  	[sflag:s30] =	ssyncset.done $0x0  }
0x183: {  	[sflag:s30] =	ssyncadd.s32 $0xFFFFF000  }
0x184: {  	_ =	swait.ge [sflag:s30], $0x1000  }
0x185: {  	[sflag:s30] =	ssyncset.done $0x0  }
0x186: {  	[sflag:s30] =	ssyncadd.s32 $0xFFFFF000  }
0x187: {  	_ =	swait.ge [sflag:s30], $0x1000  }
0x188: {  	[sflag:s30] =	ssyncset.done $0x0  }
0x189: {  	[sflag:s30] =	ssyncadd.s32 $0xFFFFF000  }
0x18a: {  	_ =	swait.ge [sflag:s30], $0x1000  }
0x18b: {  	[sflag:s30] =	ssyncset.done $0x0  }
0x18c: {  	[sflag:s30] =	ssyncadd.s32 $0xFFFFF000  }
0x18d: {  	_ =	swait.ge [sflag:s30], $0x1000  }
0x18e: {  	[sflag:s30] =	ssyncset.done $0x0  }
0x18f: {  	[sflag:s30] =	ssyncadd.s32 $0xFFFFF000  }
0x190: {  	_ =	swait.ge [sflag:s30], $0x1000  }
0x191: {  	[sflag:s30] =	ssyncset.done $0x0  }
0x192: {  	[sflag:s30] =	ssyncadd.s32 $0xFFFFF000  }
0x193: {  	_ =	swait.ge [sflag:s30], $0x1000  }
0x194: {  	[sflag:s30] =	ssyncset.done $0x0  }
0x195: {  	[sflag:s30] =	ssyncadd.s32 $0xFFFFF000  }
0x196: {  	_ =	swait.ge [sflag:s30], $0x1000  }
0x197: {  	[sflag:s30] =	ssyncset.done $0x0  }
0x198: {  	[sflag:s30] =	ssyncadd.s32 $0xFFFFF000  }
0x199: {  	_ =	swait.ge [sflag:s30], $0x1000  }
0x19a: {  	[sflag:s30] =	ssyncset.done $0x0  }
0x19b: {  	[sflag:s30] =	ssyncadd.s32 $0xFFFFF000  }
0x19c: {  	_ =	swait.ge [sflag:s30], $0x1000  }
0x19d: {  	[sflag:s30] =	ssyncset.done $0x0  }
0x19e: {  	[sflag:s30] =	ssyncadd.s32 $0xFFFFF000  }
0x19f: {  	_ =	swait.ge [sflag:s30], $0x1000  }
0x1a0: {  	[sflag:s30] =	ssyncset.done $0x0  }
0x1a1: {  	[sflag:s30] =	ssyncadd.s32 $0xFFFFF000  }
0x1a2: {  	_ =	swait.ge [sflag:s30], $0x1000  }
0x1a3: {  	[sflag:s30] =	ssyncset.done $0x0  }
0x1a4: {  	[sflag:s30] =	ssyncadd.s32 $0xFFFFF000  }
0x1a5: {  	_ =	swait.ge [sflag:s30], $0x1000  }
0x1a6: {  	[sflag:s30] =	ssyncset.done $0x0  }
0x1a7: {  	[sflag:s30] =	ssyncadd.s32 $0xFFFFF000  }
0x1a8: {  	_ =	swait.ge [sflag:s30], $0x1000  }
0x1a9: {  	[sflag:s30] =	ssyncset.done $0x0  }
0x1aa: {  	[sflag:s30] =	ssyncadd.s32 $0xFFFFF000  }
0x1ab: {  	_ =	swait.ge [sflag:s30], $0x1000  }
0x1ac: {  	[sflag:s30] =	ssyncset.done $0x0  }
0x1ad: {  	[sflag:s30] =	ssyncadd.s32 $0xFFFFF000  }
0x1ae: {  	[bflag:$0x0] =	sbarrier.arrive $0xFFFF  }
0x1af: {  	[tilespmem:s28], [sflag:$0x1] =	stream.linear.gather [hbm4b:s24+s14], $0x1000, $0x38;
	[tilespmem:$0x1FF40] =	vst v63  }
0x1b0: {  	s16 =	sshll.u32 s10, $0x1;
	s13 =	simm.s32 $0x0;
	s17 =	rddreg [dreg:$0x4]  }
0x1b1: {  	s12 =	sor.u32 s17, s16;
	v11 =	vld [tilespmem:s13+$0x0]  }
0x1b2: {  	s11 =	smul.u32 $0xD000, s12;
	_ =	sdelay $0x1  }
0x1b3: {  	s14 =	sadd.s32 $0xD000, s11  }
0x1b4: {  	v9 =	vmov s11;
	v10 =	vmov s14  }
0x1b5: {  	vm0 =	vge.s32 v11, v9;
	vm1 =	vlt.s32 v11, v10  }
0x1b6: {  	v11 =	vsub.s32 v11, v9;
	vm0 =	vmand vm0, vm1  }
0x1b7: {  	v11 =	vsel vm0, v11, v1  }
0x1b8: {  	[tilespmem:$0x3D40] =	vst v11  }
0x1b9: {  	v11 =	vld [tilespmem:s13+$0x10];
	_ =	sdelay $0x4  }
0x1ba: {  	vm10 =	vge.s32 v11, v9;
	vm11 =	vlt.s32 v11, v10  }
0x1bb: {  	v11 =	vsub.s32 v11, v9;
	vm0 =	vmand vm10, vm11  }
0x1bc: {  	v11 =	vsel vm0, v11, v2  }
0x1bd: {  	[tilespmem:$0x3D50] =	vst v11  }
0x1be: {  	v11 =	vld [tilespmem:s13+$0x20];
	_ =	sdelay $0x4  }
0x1bf: {  	vm12 =	vge.s32 v11, v9;
	vm13 =	vlt.s32 v11, v10  }
0x1c0: {  	v11 =	vsub.s32 v11, v9;
	vm0 =	vmand vm12, vm13  }
0x1c1: {  	v11 =	vsel vm0, v11, v3  }
0x1c2: {  	[tilespmem:$0x3D60] =	vst v11  }
0x1c3: {  	v11 =	vld [tilespmem:s13+$0x30];
	_ =	sdelay $0x4  }
0x1c4: {  	vm14 =	vge.s32 v11, v9;
	vm15 =	vlt.s32 v11, v10  }
0x1c5: {  	v11 =	vsub.s32 v11, v9;
	vm0 =	vmand vm14, vm15  }
0x1c6: {  	v11 =	vsel vm0, v11, v4  }
0x1c7: {  	[tilespmem:$0x3D70] =	vst v11  }
0x1c8: {  	v11 =	vld [tilespmem:s13+$0x40];
	_ =	sdelay $0x4  }
0x1c9: {  	vm4 =	vge.s32 v11, v9;
	vm5 =	vlt.s32 v11, v10  }
0x1ca: {  	v11 =	vsub.s32 v11, v9;
	vm0 =	vmand vm4, vm5  }
0x1cb: {  	v11 =	vsel vm0, v11, v5  }
0x1cc: {  	[tilespmem:$0x3D80] =	vst v11  }
0x1cd: {  	v11 =	vld [tilespmem:s13+$0x50];
	_ =	sdelay $0x4  }
0x1ce: {  	vm6 =	vge.s32 v11, v9;
	vm7 =	vlt.s32 v11, v10  }
0x1cf: {  	v11 =	vsub.s32 v11, v9;
	vm0 =	vmand vm6, vm7  }
0x1d0: {  	v11 =	vsel vm0, v11, v6  }
0x1d1: {  	[tilespmem:$0x3D90] =	vst v11  }
0x1d2: {  	v11 =	vld [tilespmem:s13+$0x60];
	_ =	sdelay $0x4  }
0x1d3: {  	vm8 =	vge.s32 v11, v9;
	vm9 =	vlt.s32 v11, v10  }
0x1d4: {  	v11 =	vsub.s32 v11, v9;
	vm0 =	vmand vm8, vm9  }
0x1d5: {  	v11 =	vsel vm0, v11, v7  }
0x1d6: {  	[tilespmem:$0x3DA0] =	vst v11  }
0x1d7: {  	v11 =	vld [tilespmem:s13+$0x70];
	_ =	sdelay $0x4  }
0x1d8: {  	vm10 =	vge.s32 v11, v9;
	vm11 =	vlt.s32 v11, v10  }
0x1d9: {  	v11 =	vsub.s32 v11, v9;
	vm0 =	vmand vm10, vm11  }
0x1da: {  	v11 =	vsel vm0, v11, v8  }
0x1db: {  	[tilespmem:$0x3DB0] =	vst v11  }
0x1dc: {  	_ =	swait.ge [sflag:s31], $0x1000  }
0x1dd: {  	[sflag:s31] =	ssyncset.done $0x0  }
0x1de: {  	[sflag:s31] =	ssyncadd.s32 $0xFFFFF000  }
0x1df: {  	[spmem:s3] =	stream.indirect.scatter.add.f32 [tilespmem:s28], [sflag:$0x5], $0x20, s6, s0, $0xb8;
	[tilespmem:$0x1FF40] =	vst v63  }
0x1e0: {  	_ =	swait.ge [sflag:s7], $0x1000  }
0x1e1: {  	s16 =	sadd.s32 $0x0, s24;
	[sflag:s7] =	ssyncset.done $0x0  }
0x1e2: {  	s18 =	sadd.s32 $0x400, s16;
	[sflag:s7] =	ssyncadd.s32 $0xFFFFF000  }
0x1e3: {  	[tilespmem:s28], [sflag:$0x1] =	stream.linear.gather [hbm4b:s18+s4], $0x1000, $0x38;
	[tilespmem:$0x1FF40] =	vst v63  }
0x1e4: {  	v11 =	vld [tilespmem:s13+$0x80];
	_ =	sdelay $0x4  }
0x1e5: {  	vm12 =	vge.s32 v11, v9;
	vm13 =	vlt.s32 v11, v10  }
0x1e6: {  	v11 =	vsub.s32 v11, v9;
	vm0 =	vmand vm12, vm13  }
0x1e7: {  	v11 =	vsel vm0, v11, v1  }
0x1e8: {  	[tilespmem:$0x3DC0] =	vst v11  }
0x1e9: {  	v11 =	vld [tilespmem:s13+$0x90];
	_ =	sdelay $0x4  }
0x1ea: {  	vm14 =	vge.s32 v11, v9;
	vm15 =	vlt.s32 v11, v10  }
0x1eb: {  	v11 =	vsub.s32 v11, v9;
	vm0 =	vmand vm14, vm15  }
0x1ec: {  	v11 =	vsel vm0, v11, v2  }
0x1ed: {  	[tilespmem:$0x3DD0] =	vst v11  }
0x1ee: {  	v11 =	vld [tilespmem:s13+$0xA0];
	_ =	sdelay $0x4  }
0x1ef: {  	vm4 =	vge.s32 v11, v9;
	vm5 =	vlt.s32 v11, v10  }
0x1f0: {  	v11 =	vsub.s32 v11, v9;
	vm0 =	vmand vm4, vm5  }
0x1f1: {  	v11 =	vsel vm0, v11, v3  }
0x1f2: {  	[tilespmem:$0x3DE0] =	vst v11  }
0x1f3: {  	v11 =	vld [tilespmem:s13+$0xB0];
	_ =	sdelay $0x4  }
0x1f4: {  	vm6 =	vge.s32 v11, v9;
	vm7 =	vlt.s32 v11, v10  }
0x1f5: {  	v11 =	vsub.s32 v11, v9;
	vm0 =	vmand vm6, vm7  }
0x1f6: {  	v11 =	vsel vm0, v11, v4  }
0x1f7: {  	[tilespmem:$0x3DF0] =	vst v11  }
0x1f8: {  	v11 =	vld [tilespmem:s13+$0xC0];
	_ =	sdelay $0x4  }
0x1f9: {  	vm8 =	vge.s32 v11, v9;
	vm9 =	vlt.s32 v11, v10  }
0x1fa: {  	v11 =	vsub.s32 v11, v9;
	vm0 =	vmand vm8, vm9  }
0x1fb: {  	v11 =	vsel vm0, v11, v5  }
0x1fc: {  	[tilespmem:$0x3E00] =	vst v11  }
0x1fd: {  	v11 =	vld [tilespmem:s13+$0xD0];
	_ =	sdelay $0x4  }
0x1fe: {  	vm10 =	vge.s32 v11, v9;
	vm11 =	vlt.s32 v11, v10  }
0x1ff: {  	v11 =	vsub.s32 v11, v9;
	vm0 =	vmand vm10, vm11  }
0x200: {  	v11 =	vsel vm0, v11, v6  }
0x201: {  	[tilespmem:$0x3E10] =	vst v11  }
0x202: {  	v11 =	vld [tilespmem:s13+$0xE0];
	_ =	sdelay $0x4  }
0x203: {  	vm12 =	vge.s32 v11, v9;
	vm13 =	vlt.s32 v11, v10  }
0x204: {  	v11 =	vsub.s32 v11, v9;
	vm0 =	vmand vm12, vm13  }
0x205: {  	v11 =	vsel vm0, v11, v7  }
0x206: {  	[tilespmem:$0x3E20] =	vst v11  }
0x207: {  	v11 =	vld [tilespmem:s13+$0xF0];
	_ =	sdelay $0x4  }
0x208: {  	vm14 =	vge.s32 v11, v9;
	vm15 =	vlt.s32 v11, v10  }
0x209: {  	v11 =	vsub.s32 v11, v9;
	vm0 =	vmand vm14, vm15  }
0x20a: {  	v11 =	vsel vm0, v11, v8  }
0x20b: {  	[tilespmem:$0x3E30] =	vst v11  }
0x20c: {  	_ =	swait.ge [sflag:s8], $0x1000  }
0x20d: {  	[sflag:s8] =	ssyncset.done $0x0  }
0x20e: {  	[sflag:s8] =	ssyncadd.s32 $0xFFFFF000  }
0x20f: {  	[spmem:s3] =	stream.indirect.scatter.add.f32 [tilespmem:s29], [sflag:$0x5], $0x20, s9, s0, $0xb8;
	[tilespmem:$0x1FF40] =	vst v63  }
0x210: {  	_ =	swait.ge [sflag:s7], $0x1000  }
0x211: {  	s15 =	simm.s32 $0x800;
	s16 =	sadd.s32 $0x600, s16;
	[sflag:s7] =	ssyncset.done $0x0  }
0x212: {  	s14 =	simm.s32 $0x400;
	s13 =	simm.s32 $0x100;
	[sflag:s7] =	ssyncadd.s32 $0xFFFFF000  }
.LBB2_37:
0x213: {  	[tilespmem:s29], [sflag:$0x2] =	stream.linear.gather [hbm4b:s16+s4], $0x1000, $0x38;
	[tilespmem:$0x1FF40] =	vst v63  }
0x214: {  	s18 =	smov.u32 s15  }
0x215: {  	p1 =	sne.s32 s15, $0xBC00;
	s15 =	sadd.s32 $0x400, s15;
	s16 =	sshra.s32 s18, $0x2;
	v11 =	vld [tilespmem:s13+$0x0]  }
0x216: {  	_ =	sdelay $0x3  }
0x217: {  	vm0 =	vge.s32 v11, v9;
	vm1 =	vlt.s32 v11, v10  }
0x218: {  	v11 =	vsub.s32 v11, v9;
	vm0 =	vmand vm0, vm1  }
0x219: {  	v11 =	vsel vm0, v11, v1  }
0x21a: {  	[tilespmem:$0x3D40] =	vst v11  }
0x21b: {  	v11 =	vld [tilespmem:s13+$0x10];
	_ =	sdelay $0x4  }
0x21c: {  	vm0 =	vge.s32 v11, v9;
	vm1 =	vlt.s32 v11, v10  }
0x21d: {  	v11 =	vsub.s32 v11, v9;
	vm0 =	vmand vm0, vm1  }
0x21e: {  	v11 =	vsel vm0, v11, v2  }
0x21f: {  	[tilespmem:$0x3D50] =	vst v11  }
0x220: {  	v11 =	vld [tilespmem:s13+$0x20];
	_ =	sdelay $0x4  }
0x221: {  	vm0 =	vge.s32 v11, v9;
	vm1 =	vlt.s32 v11, v10  }
0x222: {  	v11 =	vsub.s32 v11, v9;
	vm0 =	vmand vm0, vm1  }
0x223: {  	v11 =	vsel vm0, v11, v3  }
0x224: {  	[tilespmem:$0x3D60] =	vst v11  }
0x225: {  	v11 =	vld [tilespmem:s13+$0x30];
	_ =	sdelay $0x4  }
0x226: {  	vm0 =	vge.s32 v11, v9;
	vm1 =	vlt.s32 v11, v10  }
0x227: {  	v11 =	vsub.s32 v11, v9;
	vm0 =	vmand vm0, vm1  }
0x228: {  	v11 =	vsel vm0, v11, v4  }
0x229: {  	[tilespmem:$0x3D70] =	vst v11  }
0x22a: {  	v11 =	vld [tilespmem:s13+$0x40];
	_ =	sdelay $0x4  }
0x22b: {  	vm0 =	vge.s32 v11, v9;
	vm1 =	vlt.s32 v11, v10  }
0x22c: {  	v11 =	vsub.s32 v11, v9;
	vm0 =	vmand vm0, vm1  }
0x22d: {  	v11 =	vsel vm0, v11, v5  }
0x22e: {  	[tilespmem:$0x3D80] =	vst v11  }
0x22f: {  	v11 =	vld [tilespmem:s13+$0x50];
	_ =	sdelay $0x4  }
0x230: {  	vm0 =	vge.s32 v11, v9;
	vm1 =	vlt.s32 v11, v10  }
0x231: {  	v11 =	vsub.s32 v11, v9;
	vm0 =	vmand vm0, vm1  }
0x232: {  	v11 =	vsel vm0, v11, v6  }
0x233: {  	[tilespmem:$0x3D90] =	vst v11  }
0x234: {  	v11 =	vld [tilespmem:s13+$0x60];
	_ =	sdelay $0x4  }
0x235: {  	vm0 =	vge.s32 v11, v9;
	vm1 =	vlt.s32 v11, v10  }
0x236: {  	v11 =	vsub.s32 v11, v9;
	vm0 =	vmand vm0, vm1  }
0x237: {  	v11 =	vsel vm0, v11, v7  }
0x238: {  	[tilespmem:$0x3DA0] =	vst v11  }
0x239: {  	v11 =	vld [tilespmem:s13+$0x70];
	_ =	sdelay $0x4  }
0x23a: {  	vm0 =	vge.s32 v11, v9;
	vm1 =	vlt.s32 v11, v10  }
0x23b: {  	v11 =	vsub.s32 v11, v9;
	vm0 =	vmand vm0, vm1  }
0x23c: {  	v11 =	vsel vm0, v11, v8  }
0x23d: {  	[tilespmem:$0x3DB0] =	vst v11  }
0x23e: {  	_ =	swait.ge [sflag:s31], $0x1000  }
0x23f: {  	[sflag:s31] =	ssyncset.done $0x0  }
0x240: {  	[sflag:s31] =	ssyncadd.s32 $0xFFFFF000  }
0x241: {  	[spmem:s3] =	stream.indirect.scatter.add.f32 [tilespmem:s28], [sflag:$0x5], $0x20, s6, s0, $0xb8;
	[tilespmem:$0x1FF40] =	vst v63  }
0x242: {  	_ =	swait.ge [sflag:s7], $0x1000  }
0x243: {  	s17 =	sadd.s32 s14, s24;
	s14 =	smov.u32 s18;
	[sflag:s7] =	ssyncset.done $0x0  }
0x244: {  	s18 =	sadd.s32 $0x400, s17;
	[sflag:s7] =	ssyncadd.s32 $0xFFFFF000  }
0x245: {  	[tilespmem:s28], [sflag:$0x1] =	stream.linear.gather [hbm4b:s18+s4], $0x1000, $0x38;
	[tilespmem:$0x1FF40] =	vst v63  }
0x246: {  	v11 =	vld [tilespmem:s13+$0x80];
	_ =	sdelay $0x4  }
0x247: {  	vm0 =	vge.s32 v11, v9;
	vm1 =	vlt.s32 v11, v10  }
0x248: {  	v11 =	vsub.s32 v11, v9;
	vm0 =	vmand vm0, vm1  }
0x249: {  	v11 =	vsel vm0, v11, v1  }
0x24a: {  	[tilespmem:$0x3DC0] =	vst v11  }
0x24b: {  	v11 =	vld [tilespmem:s13+$0x90];
	_ =	sdelay $0x4  }
0x24c: {  	vm0 =	vge.s32 v11, v9;
	vm1 =	vlt.s32 v11, v10  }
0x24d: {  	v11 =	vsub.s32 v11, v9;
	vm0 =	vmand vm0, vm1  }
0x24e: {  	v11 =	vsel vm0, v11, v2  }
0x24f: {  	[tilespmem:$0x3DD0] =	vst v11  }
0x250: {  	v11 =	vld [tilespmem:s13+$0xA0];
	_ =	sdelay $0x4  }
0x251: {  	vm0 =	vge.s32 v11, v9;
	vm1 =	vlt.s32 v11, v10  }
0x252: {  	v11 =	vsub.s32 v11, v9;
	vm0 =	vmand vm0, vm1  }
0x253: {  	v11 =	vsel vm0, v11, v3  }
0x254: {  	[tilespmem:$0x3DE0] =	vst v11  }
0x255: {  	v11 =	vld [tilespmem:s13+$0xB0];
	_ =	sdelay $0x4  }
0x256: {  	vm0 =	vge.s32 v11, v9;
	vm1 =	vlt.s32 v11, v10  }
0x257: {  	v11 =	vsub.s32 v11, v9;
	vm0 =	vmand vm0, vm1  }
0x258: {  	v11 =	vsel vm0, v11, v4  }
0x259: {  	[tilespmem:$0x3DF0] =	vst v11  }
0x25a: {  	v11 =	vld [tilespmem:s13+$0xC0];
	_ =	sdelay $0x4  }
0x25b: {  	vm0 =	vge.s32 v11, v9;
	vm1 =	vlt.s32 v11, v10  }
0x25c: {  	v11 =	vsub.s32 v11, v9;
	vm0 =	vmand vm0, vm1  }
0x25d: {  	v11 =	vsel vm0, v11, v5  }
0x25e: {  	[tilespmem:$0x3E00] =	vst v11  }
0x25f: {  	v11 =	vld [tilespmem:s13+$0xD0];
	_ =	sdelay $0x4  }
0x260: {  	vm0 =	vge.s32 v11, v9;
	vm1 =	vlt.s32 v11, v10  }
0x261: {  	v11 =	vsub.s32 v11, v9;
	vm0 =	vmand vm0, vm1  }
0x262: {  	v11 =	vsel vm0, v11, v6  }
0x263: {  	[tilespmem:$0x3E10] =	vst v11  }
0x264: {  	v11 =	vld [tilespmem:s13+$0xE0];
	_ =	sdelay $0x4  }
0x265: {  	vm0 =	vge.s32 v11, v9;
	vm1 =	vlt.s32 v11, v10  }
0x266: {  	v11 =	vsub.s32 v11, v9;
	vm0 =	vmand vm0, vm1  }
0x267: {  	v11 =	vsel vm0, v11, v7  }
0x268: {  	[tilespmem:$0x3E20] =	vst v11  }
0x269: {  	v11 =	vld [tilespmem:s13+$0xF0];
	s13 =	smov.u32 s16;
	_ =	sdelay $0x4  }
0x26a: {  	vm0 =	vge.s32 v11, v9;
	vm1 =	vlt.s32 v11, v10  }
0x26b: {  	v11 =	vsub.s32 v11, v9;
	vm0 =	vmand vm0, vm1  }
0x26c: {  	v11 =	vsel vm0, v11, v8  }
0x26d: {  	[tilespmem:$0x3E30] =	vst v11  }
0x26e: {  	_ =	swait.ge [sflag:s8], $0x1000  }
0x26f: {  	[sflag:s8] =	ssyncset.done $0x0  }
.Ltmp17:
0x270: {  	[sflag:s8] =	ssyncadd.s32 $0xFFFFF000;
	(pc) =	sbr.rel @p1 .LBB2_37-.Ltmp17, $4  }
0x271: {  	[spmem:s3] =	stream.indirect.scatter.add.f32 [tilespmem:s29], [sflag:$0x5], $0x20, s9, s0, $0xb8;
	[tilespmem:$0x1FF40] =	vst v63  }
0x272: {  	_ =	swait.ge [sflag:s7], $0x1000  }
0x273: {  	[sflag:s7] =	ssyncset.done $0x0  }
0x274: {  	s16 =	sadd.s32 $0x600, s17;
	[sflag:s7] =	ssyncadd.s32 $0xFFFFF000  }
0x275: {  	[tilespmem:s29], [sflag:$0x2] =	stream.linear.gather [hbm4b:s16+s4], $0x1000, $0x38;
	[tilespmem:$0x1FF40] =	vst v63  }
0x276: {  	v11 =	vld [tilespmem:s13+$0x0];
	_ =	sdelay $0x4  }
0x277: {  	vm0 =	vge.s32 v11, v9;
	vm1 =	vlt.s32 v11, v10  }
0x278: {  	v11 =	vsub.s32 v11, v9;
	vm0 =	vmand vm0, vm1  }
0x279: {  	v11 =	vsel vm0, v11, v1  }
0x27a: {  	[tilespmem:$0x3D40] =	vst v11  }
0x27b: {  	v11 =	vld [tilespmem:s13+$0x10];
	_ =	sdelay $0x4  }
0x27c: {  	vm7 =	vge.s32 v11, v9;
	vm8 =	vlt.s32 v11, v10  }
0x27d: {  	v11 =	vsub.s32 v11, v9;
	vm0 =	vmand vm7, vm8  }
0x27e: {  	v11 =	vsel vm0, v11, v2  }
0x27f: {  	[tilespmem:$0x3D50] =	vst v11  }
0x280: {  	v11 =	vld [tilespmem:s13+$0x20];
	_ =	sdelay $0x4  }
0x281: {  	vm9 =	vge.s32 v11, v9;
	vm10 =	vlt.s32 v11, v10  }
0x282: {  	v11 =	vsub.s32 v11, v9;
	vm0 =	vmand vm9, vm10  }
0x283: {  	v11 =	vsel vm0, v11, v3  }
0x284: {  	[tilespmem:$0x3D60] =	vst v11  }
0x285: {  	v11 =	vld [tilespmem:s13+$0x30];
	_ =	sdelay $0x4  }
0x286: {  	vm11 =	vge.s32 v11, v9;
	vm12 =	vlt.s32 v11, v10  }
0x287: {  	v11 =	vsub.s32 v11, v9;
	vm0 =	vmand vm11, vm12  }
0x288: {  	v11 =	vsel vm0, v11, v4  }
0x289: {  	[tilespmem:$0x3D70] =	vst v11  }
0x28a: {  	v11 =	vld [tilespmem:s13+$0x40];
	_ =	sdelay $0x4  }
0x28b: {  	vm13 =	vge.s32 v11, v9;
	vm14 =	vlt.s32 v11, v10  }
0x28c: {  	v11 =	vsub.s32 v11, v9;
	vm0 =	vmand vm13, vm14  }
0x28d: {  	v11 =	vsel vm0, v11, v5  }
0x28e: {  	[tilespmem:$0x3D80] =	vst v11  }
0x28f: {  	v11 =	vld [tilespmem:s13+$0x50];
	_ =	sdelay $0x4  }
0x290: {  	vm15 =	vge.s32 v11, v9;
	vm4 =	vlt.s32 v11, v10  }
0x291: {  	v11 =	vsub.s32 v11, v9;
	vm0 =	vmand vm15, vm4  }
0x292: {  	v11 =	vsel vm0, v11, v6  }
0x293: {  	[tilespmem:$0x3D90] =	vst v11  }
0x294: {  	v11 =	vld [tilespmem:s13+$0x60];
	_ =	sdelay $0x4  }
0x295: {  	vm5 =	vge.s32 v11, v9;
	vm6 =	vlt.s32 v11, v10  }
0x296: {  	v11 =	vsub.s32 v11, v9;
	vm0 =	vmand vm5, vm6  }
0x297: {  	v11 =	vsel vm0, v11, v7  }
0x298: {  	[tilespmem:$0x3DA0] =	vst v11  }
0x299: {  	v11 =	vld [tilespmem:s13+$0x70];
	_ =	sdelay $0x4  }
0x29a: {  	vm7 =	vge.s32 v11, v9;
	vm8 =	vlt.s32 v11, v10  }
0x29b: {  	v11 =	vsub.s32 v11, v9;
	vm0 =	vmand vm7, vm8  }
0x29c: {  	v11 =	vsel vm0, v11, v8  }
0x29d: {  	[tilespmem:$0x3DB0] =	vst v11  }
0x29e: {  	_ =	swait.ge [sflag:s31], $0x1000  }
0x29f: {  	[sflag:s31] =	ssyncset.done $0x0  }
0x2a0: {  	[sflag:s31] =	ssyncadd.s32 $0xFFFFF000  }
0x2a1: {  	[spmem:s3] =	stream.indirect.scatter.add.f32 [tilespmem:s28], [sflag:$0x5], $0x20, s6, s0, $0xb8;
	[tilespmem:$0x1FF40] =	vst v63  }
0x2a2: {  	_ =	swait.ge [sflag:s7], $0x1000  }
0x2a3: {  	s14 =	sadd.s32 s14, s24;
	[sflag:s7] =	ssyncset.done $0x0  }
0x2a4: {  	s15 =	sadd.s32 $0x400, s14;
	[sflag:s7] =	ssyncadd.s32 $0xFFFFF000  }
0x2a5: {  	[tilespmem:s28], [sflag:$0x1] =	stream.linear.gather [hbm4b:s15+s4], $0x1000, $0x38;
	[tilespmem:$0x1FF40] =	vst v63  }
0x2a6: {  	v11 =	vld [tilespmem:s13+$0x80];
	_ =	sdelay $0x4  }
0x2a7: {  	vm9 =	vge.s32 v11, v9;
	vm10 =	vlt.s32 v11, v10  }
0x2a8: {  	v11 =	vsub.s32 v11, v9;
	vm0 =	vmand vm9, vm10  }
0x2a9: {  	v11 =	vsel vm0, v11, v1  }
0x2aa: {  	[tilespmem:$0x3DC0] =	vst v11  }
0x2ab: {  	v11 =	vld [tilespmem:s13+$0x90];
	_ =	sdelay $0x4  }
0x2ac: {  	vm11 =	vge.s32 v11, v9;
	vm12 =	vlt.s32 v11, v10  }
0x2ad: {  	v11 =	vsub.s32 v11, v9;
	vm0 =	vmand vm11, vm12  }
0x2ae: {  	v11 =	vsel vm0, v11, v2  }
0x2af: {  	[tilespmem:$0x3DD0] =	vst v11  }
0x2b0: {  	v11 =	vld [tilespmem:s13+$0xA0];
	_ =	sdelay $0x4  }
0x2b1: {  	vm13 =	vge.s32 v11, v9;
	vm14 =	vlt.s32 v11, v10  }
0x2b2: {  	v11 =	vsub.s32 v11, v9;
	vm0 =	vmand vm13, vm14  }
0x2b3: {  	v11 =	vsel vm0, v11, v3  }
0x2b4: {  	[tilespmem:$0x3DE0] =	vst v11  }
0x2b5: {  	v11 =	vld [tilespmem:s13+$0xB0];
	_ =	sdelay $0x4  }
0x2b6: {  	vm15 =	vge.s32 v11, v9;
	vm4 =	vlt.s32 v11, v10  }
0x2b7: {  	v11 =	vsub.s32 v11, v9;
	vm0 =	vmand vm15, vm4  }
0x2b8: {  	v11 =	vsel vm0, v11, v4  }
0x2b9: {  	[tilespmem:$0x3DF0] =	vst v11  }
0x2ba: {  	v11 =	vld [tilespmem:s13+$0xC0];
	_ =	sdelay $0x4  }
0x2bb: {  	vm5 =	vge.s32 v11, v9;
	vm6 =	vlt.s32 v11, v10  }
0x2bc: {  	v11 =	vsub.s32 v11, v9;
	vm0 =	vmand vm5, vm6  }
0x2bd: {  	v11 =	vsel vm0, v11, v5  }
0x2be: {  	[tilespmem:$0x3E00] =	vst v11  }
0x2bf: {  	v11 =	vld [tilespmem:s13+$0xD0];
	_ =	sdelay $0x4  }
0x2c0: {  	vm7 =	vge.s32 v11, v9;
	vm8 =	vlt.s32 v11, v10  }
0x2c1: {  	v11 =	vsub.s32 v11, v9;
	vm0 =	vmand vm7, vm8  }
0x2c2: {  	v11 =	vsel vm0, v11, v6  }
0x2c3: {  	[tilespmem:$0x3E10] =	vst v11  }
0x2c4: {  	v11 =	vld [tilespmem:s13+$0xE0];
	_ =	sdelay $0x4  }
0x2c5: {  	vm9 =	vge.s32 v11, v9;
	vm10 =	vlt.s32 v11, v10  }
0x2c6: {  	v11 =	vsub.s32 v11, v9;
	vm0 =	vmand vm9, vm10  }
0x2c7: {  	v11 =	vsel vm0, v11, v7  }
0x2c8: {  	[tilespmem:$0x3E20] =	vst v11  }
0x2c9: {  	v11 =	vld [tilespmem:s13+$0xF0];
	_ =	sdelay $0x4  }
0x2ca: {  	vm11 =	vge.s32 v11, v9;
	vm12 =	vlt.s32 v11, v10  }
0x2cb: {  	v11 =	vsub.s32 v11, v9;
	vm0 =	vmand vm11, vm12  }
0x2cc: {  	v11 =	vsel vm0, v11, v8  }
0x2cd: {  	[tilespmem:$0x3E30] =	vst v11  }
0x2ce: {  	_ =	swait.ge [sflag:s8], $0x1000  }
0x2cf: {  	[sflag:s8] =	ssyncset.done $0x0  }
0x2d0: {  	[sflag:s8] =	ssyncadd.s32 $0xFFFFF000  }
0x2d1: {  	[spmem:s3] =	stream.indirect.scatter.add.f32 [tilespmem:s29], [sflag:$0x5], $0x20, s9, s0, $0xb8;
	[tilespmem:$0x1FF40] =	vst v63  }
0x2d2: {  	_ =	swait.ge [sflag:s7], $0x1000  }
0x2d3: {  	[sflag:s7] =	ssyncset.done $0x0  }
0x2d4: {  	s18 =	sadd.s32 $0x600, s14;
	[sflag:s7] =	ssyncadd.s32 $0xFFFFF000  }
0x2d5: {  	[tilespmem:s29], [sflag:$0x2] =	stream.linear.gather [hbm4b:s18+s4], $0x1000, $0x38;
	[tilespmem:$0x1FF40] =	vst v63  }
0x2d6: {  	v11 =	vld [tilespmem:$0x3000]  }
0x2d7: {  	v12 =	vld [tilespmem:$0x3010]  }
0x2d8: {  	v13 =	vld [tilespmem:$0x3020]  }
0x2d9: {  	v14 =	vld [tilespmem:$0x3030]  }
0x2da: {  	v15 =	vld [tilespmem:$0x3040]  }
0x2db: {  	v16 =	vld [tilespmem:$0x3050]  }
0x2dc: {  	vm13 =	vge.s32 v11, v9;
	vm14 =	vlt.s32 v11, v10;
	v11 =	vsub.s32 v11, v9  }
0x2dd: {  	vm15 =	vge.s32 v12, v9;
	vm2 =	vlt.s32 v12, v10;
	v12 =	vsub.s32 v12, v9  }
0x2de: {  	v17 =	vld [tilespmem:$0x3060];
	vm5 =	vge.s32 v13, v9;
	vm6 =	vlt.s32 v13, v10;
	vm7 =	vge.s32 v14, v9  }
0x2df: {  	vm8 =	vlt.s32 v14, v10;
	v13 =	vsub.s32 v13, v9;
	v14 =	vsub.s32 v14, v9  }
0x2e0: {  	vm9 =	vge.s32 v15, v9;
	vm10 =	vlt.s32 v15, v10;
	vm11 =	vge.s32 v16, v9  }
0x2e1: {  	v18 =	vld [tilespmem:$0x3070];
	vm3 =	vlt.s32 v16, v10;
	v52 =	vsub.s32 v16, v9;
	vm0 =	vmand vm13, vm14  }
0x2e2: {  	vm4 =	vmand vm15, vm2;
	vm1 =	vmand vm7, vm8;
	v11 =	vsel vm0, v11, v1  }
0x2e3: {  	vm12 =	vmand vm11, vm3;
	vm13 =	vge.s32 v17, v9;
	v12 =	vsel vm4, v12, v2;
	[tilespmem:$0x3D40] =	vst v11  }
0x2e4: {  	vm14 =	vlt.s32 v17, v10;
	vm0 =	vmand vm5, vm6;
	v14 =	vsel vm1, v14, v4;
	[tilespmem:$0x3D50] =	vst v12  }
0x2e5: {  	v13 =	vsel vm0, v13, v3;
	vm0 =	vmand vm9, vm10;
	v11 =	vsub.s32 v15, v9;
	[tilespmem:$0x3D70] =	vst v14  }
0x2e6: {  	vm15 =	vmand vm13, vm14;
	vm4 =	vge.s32 v18, v9;
	[tilespmem:$0x3D60] =	vst v13;
	v11 =	vsel vm0, v11, v5  }
0x2e7: {  	vm5 =	vlt.s32 v18, v10;
	v12 =	vsel vm12, v52, v6;
	[tilespmem:$0x3D80] =	vst v11;
	v11 =	vsub.s32 v17, v9  }
0x2e8: {  	v53 =	vsub.s32 v18, v9;
	vm6 =	vmand vm4, vm5;
	[tilespmem:$0x3D90] =	vst v12;
	v11 =	vsel vm15, v11, v7  }
0x2e9: {  	[tilespmem:$0x3DA0] =	vst v11;
	v11 =	vsel vm6, v53, v8  }
0x2ea: {  	[tilespmem:$0x3DB0] =	vst v11  }
0x2eb: {  	_ =	swait.ge [sflag:s31], $0x1000  }
0x2ec: {  	[sflag:s31] =	ssyncset.done $0x0  }
0x2ed: {  	[sflag:s31] =	ssyncadd.s32 $0xFFFFF000  }
0x2ee: {  	[spmem:s3] =	stream.indirect.scatter.add.f32 [tilespmem:s28], [sflag:$0x5], $0x20, s6, s0, $0xb8;
	[tilespmem:$0x1FF40] =	vst v63  }
0x2ef: {  	_ =	swait.ge [sflag:s7], $0x1000  }
0x2f0: {  	[sflag:s7] =	ssyncset.done $0x0  }
0x2f1: {  	[sflag:s7] =	ssyncadd.s32 $0xFFFFF000  }
0x2f2: {  	v11 =	vld [tilespmem:$0x3080]  }
0x2f3: {  	v54 =	vld [tilespmem:$0x3090]  }
0x2f4: {  	v55 =	vld [tilespmem:$0x30A0]  }
0x2f5: {  	v56 =	vld [tilespmem:$0x30B0]  }
0x2f6: {  	v57 =	vld [tilespmem:$0x30C0]  }
0x2f7: {  	v58 =	vld [tilespmem:$0x30D0]  }
0x2f8: {  	vm7 =	vge.s32 v11, v9;
	vm8 =	vlt.s32 v11, v10;
	v11 =	vsub.s32 v11, v9  }
0x2f9: {  	v59 =	vld [tilespmem:$0x30E0];
	vm9 =	vge.s32 v54, v9;
	vm10 =	vlt.s32 v54, v10;
	vm11 =	vge.s32 v55, v9  }
0x2fa: {  	v60 =	vld [tilespmem:$0x30F0];
	vm12 =	vlt.s32 v55, v10;
	v12 =	vsub.s32 v54, v9;
	v13 =	vsub.s32 v55, v9  }
0x2fb: {  	vm14 =	vge.s32 v56, v9;
	vm15 =	vlt.s32 v56, v10;
	v14 =	vsub.s32 v56, v9  }
0x2fc: {  	vm6 =	vge.s32 v57, v9;
	v61 =	vsub.s32 v57, v9;
	v63 =	vsub.s32 v58, v9  }
0x2fd: {  	vm0 =	vmand vm7, vm8;
	vm13 =	vmand vm11, vm12;
	vm5 =	vmand vm14, vm15  }
0x2fe: {  	vm7 =	vlt.s32 v57, v10;
	vm11 =	vlt.s32 v59, v10;
	v11 =	vsel vm0, v11, v1  }
0x2ff: {  	vm12 =	vlt.s32 v60, v10;
	vm0 =	vmand vm9, vm10;
	v13 =	vsel vm13, v13, v3;
	[tilespmem:$0x3DC0] =	vst v11  }
0x300: {  	vm14 =	vge.s32 v60, v9;
	vm8 =	vmand vm6, vm7;
	v12 =	vsel vm0, v12, v2;
	[tilespmem:$0x3DE0] =	vst v13  }
0x301: {  	vm9 =	vge.s32 v58, v9;
	vm10 =	vlt.s32 v58, v10;
	v11 =	vsel vm5, v14, v4;
	[tilespmem:$0x3DD0] =	vst v12  }
0x302: {  	vm13 =	vge.s32 v59, v9;
	v62 =	vsel vm8, v61, v5;
	vm0 =	vmand vm9, vm10;
	[tilespmem:$0x3DF0] =	vst v11  }
0x303: {  	v10 =	vsel vm0, v63, v6;
	[tilespmem:$0x3E00] =	vst v62;
	vm0 =	vmand vm13, vm11;
	v11 =	vsub.s32 v59, v9  }
0x304: {  	vm15 =	vmand vm14, vm12;
	v9 =	vsub.s32 v60, v9;
	v11 =	vsel vm0, v11, v7;
	[tilespmem:$0x3E10] =	vst v10  }
0x305: {  	v9 =	vsel vm15, v9, v8;
	[tilespmem:$0x3E20] =	vst v11  }
0x306: {  	[tilespmem:$0x3E30] =	vst v9  }
0x307: {  	_ =	swait.ge [sflag:s8], $0x1000  }
0x308: {  	[sflag:s8] =	ssyncset.done $0x0  }
0x309: {  	[sflag:s8] =	ssyncadd.s32 $0xFFFFF000  }
0x30a: {  	[spmem:s3] =	stream.indirect.scatter.add.f32 [tilespmem:s29], [sflag:$0x5], $0x20, s9, s0, $0xb8;
	[tilespmem:$0x1FF40] =	vst v63  }
0x30b: {  	_ =	swait.ge [sflag:s7], $0x1000  }
0x30c: {  	[sflag:s7] =	ssyncset.done $0x0  }
0x30d: {  	[sflag:s7] =	ssyncadd.s32 $0xFFFFF000  }
0x30e: {  	p1 =	sgt.u32 s12, $0x8;
	[bflag:$0x0] =	sbarrier.arrive $0xFFFF  }
0x30f: {  	s12 =	sadd.s32 @p1 s25, s11;
	s15 =	stileid.u32;
	s16 =	rddreg [dreg:$0x1]  }
0x310: {  	s12 =	sshll.u32 @p1 s12, $0x2;
	s13 =	sshll.u32 @p1 s15, $0x6;
	s14 =	rddreg [dreg:$0x16]  }
0x311: {  	s13 =	sor.u32 @p1 $0x1C04, s13;
	s12 =	sadd.s32 @p1 s16, s12;
	s14 =	sshrl.u32 @p1 s14, $0x3  }
0x312: {  	[hbm:s12], [sflag:s13] =	dma.local @p1 [spmem:s14], $0x2C00  }
0x313: {  	s12 =	simm.s32 @p1 $0x4  }
0x314: {  	_ =	swait.ge @p1 [sflag:s12], $0x2C00  }
0x315: {  	s13 =	rddreg [dreg:$0x18]  }
0x316: {  	s10 =	sadd.s32 $0x1, s10;
	[sflag:s12] =	ssyncset.done @p1 $0x0;
	s11 =	sadd.s32 @!p1 s13, s11  }
0x317: {  	[sflag:s12] =	ssyncadd.s32 @p1 $0xFFFFD400;
	s12 =	sshll.u32 @!p1 s15, $0x6;
	s11 =	sshll.u32 @!p1 s11, $0x2  }
0x318: {  	s13 =	sshrl.u32 @!p1 s22, $0x3;
	s12 =	sor.u32 @!p1 $0x1C03, s12;
	s11 =	sadd.s32 @!p1 s16, s11  }
0x319: {  	[hbm:s11], [sflag:s12] =	dma.local @!p1 [spmem:s13], $0x3400  }
0x31a: {  	p1 =	sne.s32 s10, $0x5  }
.Ltmp18:
0x31b: {  	_ = 	snop;
	(pc) =	sbr.rel @p1 .LBB2_34-.Ltmp18, $2  }
0x31c: {  	_ =	sdelay $0x2  }
0x31d: {  	s14 =	stileid.u32  }
0x31e: {  	s10 =	simm.s32 @!p0 $0x3  }
0x31f: {  	_ =	swait.ge @!p0 [sflag:s10], $0x3400  }
0x320: {  	s15 =	sld [smem:$0x7F3];
	_ =	sdelay $0x2  }
0x321: {  	s11 =	rddreg [dreg:$0x17];
	s15 =	sadd.s32 $0x1, s15  }
0x322: {  	p1 =	sne.s32 s15, s11  }
.Ltmp19:
0x323: {  	_ = 	snop;
	(pc) =	sbr.rel @p1 .LBB2_1-.Ltmp19, $3  }
0x324: {  	_ =	sdelay $0x1  }
0x325: {  	[sflag:s10] =	ssyncset.done @!p0 $0x0  }
0x326: {  	s12 =	simm.s32 $0x3100;
	s13 =	simm.s32 $0x4;
	[sflag:s10] =	ssyncadd.s32 @!p0 $0xFFFFCC00  }
0x327: {  	_ =	sfence.sel $0x180000  }
0x328: {  	[bflag:$0x0] =	sbarrier.arrive $0xFFFF  }
0x329: {  	_ =	strace $0x90000047  }
0x32a: {  	[bflag:$0x2] =	sbarrier.arrive $0xFFFF  }
0x32b: {  	p0 =	sne.s32 s14, $0x0;
	s0 =	rddreg [dreg:$0x3]  }
0x32c: {  	s0 =	sadd.s32 @!p0 $0x100000, s0  }
0x32d: {  	[sflag:s0] =	ssyncadd.tile.s32 @!p0 $0x1;
	_ =	shalt  }
.Lfunc_end2:
_tile_overlayer_lowered:
.L_overlay_start_2:
0x32e: {  	(tag) =	ssettag $0x2  }
0x32f: {  	s0 =	rddreg [dreg:$0x0];
	s2 =	stileid.u32  }
0x330: {  	s1 =	rddreg [dreg:$0x1];
	p0 =	sne.s32 s2, $0x0  }
0x331: {  	s3 =	rddreg [dreg:$0x2];
	[bflag:$0x3] =	sbarrier.arrive $0xFFFF;
	s2 =	simm.s32 @!p0 $0x1C04  }
0x332: {  	[timem:s3], [sflag:s2] =	dma.local @!p0 [hbm:s0], s1  }
0x333: {  	s0 =	simm.s32 @!p0 $0x4  }
0x334: {  	_ =	swait.ge @!p0 [sflag:s0], s1  }
0x335: {  	s1 =	ssub.s32 @!p0 $0x0, s1;
	[sflag:s0] =	ssyncset.done @!p0 $0x0  }
0x336: {  	[sflag:s0] =	ssyncadd.s32 @!p0 s1  }
0x337: {  	[bflag:$0x3] =	sbarrier.arrive $0xFFFF  }
0x338: {  	_ =	shalt  }

// kernel: sparse-core-data-format-call.cloned.1.call-start
scs
called_computation_lowered:
.L_overlay_start_0:
0x0: {  	s2 =	sld [smem:$0x3FD9]  }
0x1: {  	s3 =	sld [smem:$0x3FFE];
	_ =	sdelay $0x1  }
0x2: {  	s1 =	srdreg.scid  }
0x3: {  	s0 =	sand.u32 $0x1, s1  }
0x4: {  	s18 =	sshll.u32 s0, $0xA;
	s2 =	sadd.s32 s3, s2  }
0x5: {  	s2 =	sadd.s32 s2, s18  }
0x6: {  	[smem:$0x3FC4] =	sst s2  }
0x7: {  	_ = 	snop  }
0x8: {  	s2 =	sld [smem:$0x3FD0];
	(tm) =	ssettm $0x1  }
0x9: {  	s19 =	sld [smem:$0x3FFB];
	_ =	sdelay $0x3  }
0xa: {  	_ =	strace s19  }
0xb: {  	s3 =	sld [smem:$0x3FFC];
	_ =	sdelay $0x3  }
0xc: {  	_ =	strace s3  }
0xd: {  	s3 =	sld [smem:$0x3FFD];
	_ =	sdelay $0x3  }
0xe: {  	_ =	strace s3  }
0xf: {  	_ =	strace $0x8FFFFFFF  }
0x10: {  	s20 =	sld [smem:$0x3FDB];
	_ =	sdelay $0x1  }
0x11: {  	s4 =	simm.s32 $_scs_section_size  }
0x12: {  	s5 =	simm.s32 $_size__tile_overlayer_lowered;
	s6 =	simm.s32 $_tile_overlayer_lowered  }
0x13: {  	s23 =	simm.s32 $0x1BFF;
	s22 =	sshll.u32 s6, $0x1;
	s3 =	sadd.s32 s4, s20  }
0x14: {  	s7 =	simm.s32 $0x0;
	s21 =	sshll.u32 s5, $0x1;
	s5 =	sadd.s32 s22, s3  }
0x15: {  	[timem:s7], [sflag:s23] =	dma.local [hbm:s5], s21  }
0x16: {  	_ =	swait.ge [sflag:s23], s21  }
0x17: {  	s4 =	ssub.s32 $0x0, s21;
	[sflag:s23] =	ssyncset.done $0x0  }
0x18: {  	[sflag:s23] =	ssyncadd.s32 s4;
	_ =	sdelay $0x1  }
0x19: {  	s24 =	simm.s32 $0x1B8B  }
0x1a: {  	_ =	swait.ge [sflag:s24], $0x1  }
0x1b: {  	[sflag:s24] =	ssyncset.done $0x0  }
0x1c: {  	s26 =	simm.s32 $0x1B8E;
	s25 =	sld [smem:$0x3FFE];
	[sflag:s24] =	ssyncadd.s32 $0xFFFFFFFF  }
0x1d: {  	s27 =	simm.s32 $execute0_lowered;
	[smem:$0x3FD2] =	sst s26  }
0x1e: {  	s5 =	sshll.u32 s27, $0x1;
	_ =	strace $0x80000049;
	[dreg:$0x1] =	wrdreg $0xFFFFFFFF  }
0x1f: {  	s28 =	simm.s32 $_size_execute0_lowered;
	s3 =	sadd.s32 s3, s5;
	[dreg:$0x0] =	wrdreg $0x0  }
0x20: {  	s5 =	sshll.u32 s28, $0x1;
	[dreg:$0x2] =	wrdreg s3  }
0x21: {  	[dreg:$0x3] =	wrdreg s5  }
0x22: {  	[dreg:$0x4] =	wrdreg $0xC0  }
0x23: {  	_ =	task [dreg:s7], $0x5FFFF  }
0x24: {  	[dreg:$0x1] =	wrdreg $0xFFFFFFFF  }
0x25: {  	[dreg:$0x0] =	wrdreg $0x60  }
0x26: {  	[dreg:$0x2] =	wrdreg s25  }
0x27: {  	[dreg:$0x3] =	wrdreg s2  }
0x28: {  	[dreg:$0x4] =	wrdreg $0x9  }
0x29: {  	_ =	task.clear_ibuf [dreg:s7], $0x5FFFF;
	_ =	strace $0x90000049  }
0x2a: {  	s29 =	simm.s32 $0x9;
	_ =	strace $0x8000004B  }
0x2b: {  	_ =	swait.ge [sflag:s29], $0x1  }
0x2c: {  	[sflag:s29] =	ssyncadd.s32 $0xFFFFFFFF  }
0x2d: {  	_ =	strace $0x9000004B  }
0x2e: {  	_ =	sfence  }
0x2f: {  	s30 =	sld [smem:$0x0];
	_ =	sdelay $0x2  }
0x30: {  	s31 =	sshll.u32 s1, $0xD;
	s1 =	sshrl.u32 s1, $0x2  }
0x31: {  	s3 =	sand.u32 $0x4000, s31;
	s1 =	sadd.s32 s1, s30  }
0x32: {  	s0 =	sor.u32 s3, s0;
	s1 =	sshll.u32 s1, $0x11  }
0x33: {  	s0 =	sor.u32 s1, s0  }
0x34: {  	s0 =	sadd.s32 $0x8F2B, s0  }
0x35: {  	[sflag:s0] =	ssyncadd.remote.s32 $0x1  }
0x36: {  	_ =	sfence.sel $0xFFFF  }
0x37: {  	[dreg:$0x0] =	wrdreg $0xFFFFFFFF;
	(pc) =	sbr.abs _section_cstart, $3  }
0x38: {  	[dreg:$0x1] =	wrdreg $0xFFFFFFFF  }
0x39: {  	_ =	task.clear_ibuf [dreg:s7], $0x2FFFF;
	_ =	strace $0x9FFFFFFF  }
0x3a: {  	(tm) =	ssettm $0x7FFFFFFF  }
0x3b: {  	_ =	shalt  }
tec
execute0_lowered:
.L_overlay_start_1:
0x0: {  	(tag) =	ssettag $0x1  }
0x1: {  	s0 =	srdreg.scid  }
0x2: {  	s1 =	sshll.u32 s0, $0x4  }
0x3: {  	s2 =	rddreg [dreg:$0x0];
	s0 =	stileid.u32;
	s1 =	sand.u32 $0x10, s1  }
0x4: {  	s4 =	rddreg [dreg:$0x1];
	s1 =	sor.u32 s0, s1  }
0x5: {  	s7 =	simm.s32 $0x1;
	s8 =	simm.s32 $0x2;
	s3 =	sshll.u32 s1, $0x7  }
0x6: {  	s11 =	simm.s32 $0x0;
	s10 =	simm.s32 $0x0;
	s6 =	ssub.s32 $0x80000, s3  }
.Ltmp0:
0x7: {  	s1 =	rddreg [dreg:$0x2];
	s5 =	sand.u32 $0xF80, s6;
	(pc) =	sbr.rel .LBB1_1-.Ltmp0, $4  }
0x8: {  	_ =	strace $0x8000004A;
	s9 =	smov.u32 s3;
	p0 =	sne.s32 s5, $0x0  }
0x9: {  	s6 =	sshrl.u32 s6, $0xC;
	s5 =	simm.s32 $0x1;
	s7 =	simm.s32 @!p0 $0x0  }
0xa: {  	[sflag:s5] =	ssyncpa.u1 $0x0;
	p0 =	por $0x0, $0x0;
	s6 =	sadd.s32 s7, s6  }
0xb: {  	[sflag:s8] =	ssyncpa.u1 $0x0;
	s8 =	simm.s32 $0x400000;
	s7 =	sadd.s32 $0x1, s6  }
.LBB1_4:
0xc: {  	s13 =	sshll.u32 s11, $0x3  }
0xd: {  	s15 =	sand.u32 $0x78, s11;
	s13 =	sand.u32 $0x7FC00, s13  }
0xe: {  	s30 =	sand.u32 $0x1F0000, s11;
	s31 =	sand.u32 $0x7, s11;
	s13 =	sor.u32 s15, s13  }
0xf: {  	s11 =	sshll.u32 s31, $0x12;
	s15 =	sadd.s32 s4, s30;
	s13 =	sshrl.u32 s13, $0x3  }
0x10: {  	[tilespmem:s14+$0x0 ss:$0x81] =	vst.msk $0xffff, v0;
	s11 =	sor.u32 $0x400, s11;
	s13 =	sadd.s32 s13, s15  }
0x11: {  	[hbm4b:s13+s11] =	stream.strided.scatter [tilespmem:s12], [sflag:$0x2], $0x1000, s8, s11, $0x20;
	[tilespmem:$0x4040] =	vst v63  }
.LBB1_5:
0x12: {  	s13 =	sadd.s32 $0x1000, s9  }
0x13: {  	p2 =	sgt.s32 s13, $0x7FFFF  }
0x14: {  	s13 =	smov.u32 @p2 s3;
	p2 =	sne.s32 s10, s7  }
.Ltmp1:
0x15: {  	p1 =	slt.u32 s10, $0x2;
	(pc) =	sbr.rel @!p2 .LBB1_6-.Ltmp1, $4  }
0x16: {  	s12 =	simm.s32 @!p1 $0x2  }
0x17: {  	s14 =	sadd.s32 $0x1, s10;
	_ =	swait.ge @!p1 [sflag:s12], $0x1000  }
0x18: {  	s11 =	smov.u32 s9;
	p0 =	por !p0, !p0;
	[sflag:s12] =	ssyncset.done @!p1 $0x0  }
0x19: {  	s10 =	smov.u32 s14;
	s9 =	smov.u32 s13;
	[sflag:s12] =	ssyncadd.s32 @!p1 $0xFFFFF000  }
.LBB1_1:
0x1a: {  	p1 =	sge.u32 s10, s6  }
0x1b: {  	s31 =	sadd.s32 $0xFFFFFFFF, s10;
	s12 =	sxor.u32 @!p1 $0xFFFFFFFF, s10;
	s13 =	sshll.u32 @!p1 s9, $0x4  }
0x1c: {  	s14 =	simm.s32 @!p1 $0x20;
	s12 =	sshll.u32 @!p1 s12, $0xC;
	s13 =	sand.u32 @!p1 $0x7FFFF0, s13  }
0x1d: {  	s15 =	simm.s32 @!p1 $0x80;
	s12 =	sand.u32 @!p1 $0x1000, s12;
	s13 =	sadd.s32 @!p1 s2, s13  }
0x1e: {  	[tilespmem:s12], [sflag:$0x1] =	stream.strided.gather @!p1 [hbm4b:s13+s14], $0x1000, s15, s14, $0x38;
	[tilespmem:$0x4040] =	vst v63  }
0x1f: {  	p1 =	sge.u32 s31, s6  }
.Ltmp2:
0x20: {  	_ = 	snop;
	(pc) =	sbr.rel @p1 .LBB1_5-.Ltmp2, $1  }
0x21: {  	_ =	sdelay $0x3  }
0x22: {  	s12 =	simm.s32 $0x1  }
0x23: {  	_ =	swait.ge [sflag:s5], $0x1000;
	s12 =	simm.s32 @!p0 $0x0  }
0x24: {  	[sflag:s5] =	ssyncset.done $0x0;
	s13 =	sshll.u32 s12, $0xC  }
0x25: {  	[sflag:s5] =	ssyncadd.s32 $0xFFFFF000;
	s16 =	sor.u32 $0x10, s13  }
0x26: {  	s12 =	smul.u32 $0x4080, s12;
	v1 =	vld [tilespmem:s16+$0x0]  }
0x27: {  	s30 =	sand.u32 $0x1, s10;
	v0 =	vld [tilespmem:s16+$0xFFFFFFF0]  }
0x28: {  	s14 =	smul.u32 $0x4080, s30;
	s12 =	sshrl.u32 s12, $0x2  }
0x29: {  	s13 =	sor.u32 $0x2000, s12  }
0x2a: {  	s31 =	sshrl.u32 s14, $0x2;
	s14 =	sadd.s32 $0x0, s13  }
0x2b: {  	s15 =	simm.s32 $0x4;
	s16 =	sadd.s32 $0x20, s16;
	s12 =	sor.u32 $0x2000, s31;
	[tilespmem:s14+$0x810 ss:$0x81] =	vst.msk $0xffff, v1  }
.LBB1_3:
0x2c: {  	v1 =	vld [tilespmem:s16+$0x0];
	p1 =	sne.s32 s15, $0x1FC;
	[tilespmem:s14+$0x0 ss:$0x81] =	vst.msk $0xffff, v0;
	s14 =	smov.u32 s15;
	s15 =	sadd.s32 $0x4, s15  }
.Ltmp3:
0x2d: {  	v0 =	vld [tilespmem:s16+$0xFFFFFFF0];
	(pc) =	sbr.rel @p1 .LBB1_3-.Ltmp3, $4  }
0x2e: {  	_ = 	snop  }
0x2f: {  	s14 =	sshra.s32 s14, $0x2  }
0x30: {  	s14 =	sadd.s32 s14, s13  }
0x31: {  	s16 =	sadd.s32 $0x20, s16;
	[tilespmem:s14+$0x810 ss:$0x81] =	vst.msk $0xffff, v1  }
.Ltmp4:
0x32: {  	_ = 	snop;
	(pc) =	sbr.rel .LBB1_4-.Ltmp4, $1  }
0x33: {  	_ =	sdelay $0x3  }
.LBB1_6:
0x34: {  	_ =	sfence.sel $0x180000  }
0x35: {  	s2 =	simm.s32 $0x1;
	[bflag:$0x0] =	sbarrier.arrive $0xFFFF  }
0x36: {  	s31 =	simm.s32 $0x2;
	[sflag:s2] =	ssyncpa.u1 $0x1  }
0x37: {  	[sflag:s31] =	ssyncpa.u1 $0x1  }
0x38: {  	p0 =	sne.s32 s0, $0x0;
	_ =	strace $0x9000004A  }
0x39: {  	s0 =	sadd.s32 @!p0 $0x100000, s1;
	[bflag:$0x2] =	sbarrier.arrive $0xFFFF  }
0x3a: {  	[sflag:s0] =	ssyncadd.tile.s32 @!p0 $0x1;
	_ =	shalt  }
.Lfunc_end1:
_tile_overlayer_lowered:
.L_overlay_start_2:
0x3b: {  	(tag) =	ssettag $0x2  }
0x3c: {  	s0 =	rddreg [dreg:$0x0];
	s2 =	stileid.u32  }
0x3d: {  	s1 =	rddreg [dreg:$0x1];
	p0 =	sne.s32 s2, $0x0  }
0x3e: {  	s3 =	rddreg [dreg:$0x2];
	[bflag:$0x3] =	sbarrier.arrive $0xFFFF;
	s2 =	simm.s32 @!p0 $0x1C01  }
0x3f: {  	[timem:s3], [sflag:s2] =	dma.local @!p0 [hbm:s0], s1  }
0x40: {  	s0 =	simm.s32 @!p0 $0x1  }
0x41: {  	_ =	swait.ge @!p0 [sflag:s0], s1  }
0x42: {  	s1 =	ssub.s32 @!p0 $0x0, s1;
	[sflag:s0] =	ssyncset.done @!p0 $0x0  }
0x43: {  	[sflag:s0] =	ssyncadd.s32 @!p0 s1  }
0x44: {  	[bflag:$0x3] =	sbarrier.arrive $0xFFFF  }
0x45: {  	_ =	shalt  }

</sc_bundles>
